<compile_context>
chip_gen: v7x
topology: tpu7x:2x2x1
jax: 0.10.2.dev20260603
libtpu: 0.0.44.dev20260713+nightly
codegen_flags: <defaults>
</compile_context>

<pallas_src>
import functools

import jax
import jax.numpy as jnp
from jax import lax
from jax.experimental import pallas as pl
from jax.experimental.pallas import tpu as pltpu
from jax.experimental.pallas import tpu_sc as plsc

_NC = 2
_NS = 16
_NW = _NC * _NS
_L = 16
_NBUF = 3


def _sc_gather_kernel(n_slabs, d, T, A, pe_hbm, x_hbm, out_hbm, x_v, atoms_v,
                      rows0, rows1, rows2, g0, g1, g2, o0, o1, o2):
    per_w = n_slabs // _NW
    n_chunks = per_w // 2
    rows = [rows0, rows1, rows2]
    gsem = [g0, g1, g2]
    osem = [o0, o1, o2]

    wid = lax.axis_index("s") * _NC + lax.axis_index("c")
    base_s = wid * per_w

    pltpu.sync_copy(x_hbm.at[pl.ds(base_s * T, per_w * T)], x_v)
    a_lo = base_s % A
    pltpu.sync_copy(pe_hbm.at[pl.ds(a_lo, per_w)], atoms_v)

    def g_start(c, b):
        for k in range(2):
            pltpu.async_copy(
                pe_hbm.at[x_v.at[pl.ds((2 * c + k) * T, T)]],
                rows[b].at[k, pl.ds(0, T), pl.ds(d, d)], gsem[b])

    def g_wait(c, b):
        for k in range(2):
            pltpu.make_async_copy(
                pe_hbm.at[x_v.at[pl.ds((2 * c + k) * T, T)]],
                rows[b].at[k, pl.ds(0, T), pl.ds(d, d)], gsem[b]).wait()

    def repl(c, b):
        vals = [[atoms_v[2 * c + k, pl.ds(j * _L, _L)]
                 for j in range(d // _L)] for k in range(2)]

        def t_body(t, carry):
            for k in range(2):
                for j in range(d // _L):
                    rows[b][k, t, pl.ds(j * _L, _L)] = vals[k][j]
            return carry

        lax.fori_loop(0, T, t_body, 0)

    def _o_desc(c, b):
        return pltpu.make_async_copy(
            rows[b], out_hbm.at[pl.ds(base_s + 2 * c, 2)], osem[b])

    def o_start(c, b):
        _o_desc(c, b).start()

    def o_wait(c, b):
        _o_desc(c, b).wait()

    g_start(0, 0)
    repl(0, 0)

    def loop_body(r, carry):
        for b in range(_NBUF):
            c = _NBUF * r + b
            bn = (b + 1) % _NBUF
            @pl.when(c >= 2)
            def _():
                o_wait(c - 2, bn)
            g_start(c + 1, bn)
            repl(c + 1, bn)
            g_wait(c, b)
            o_start(c, b)
        return carry

    n_main = (n_chunks - 2) // _NBUF
    lax.fori_loop(0, n_main, loop_body, 0)

    c = n_chunks - 2
    b, bn = c % _NBUF, (c + 1) % _NBUF
    o_wait(c - 2, bn)
    g_start(c + 1, bn)
    repl(c + 1, bn)
    g_wait(c, b)
    o_start(c, b)
    c = n_chunks - 1
    b = c % _NBUF
    o_wait(c - 2, (c + 1) % _NBUF)
    g_wait(c, b)
    o_start(c, b)
    o_wait(n_chunks - 2, (n_chunks - 2) % _NBUF)
    o_wait(n_chunks - 1, (n_chunks - 1) % _NBUF)


def kernel(x, pe):
    B, A, T = x.shape
    d = pe.shape[2]
    n_slabs = B * A
    per_w = n_slabs // _NW
    assert n_slabs % _NW == 0 and per_w % 2 == 0
    assert (per_w // 2 - 2) % _NBUF == 0 and per_w // 2 >= 5
    assert T % _L == 0 and d % _L == 0 and A % per_w == 0

    mesh = plsc.VectorSubcoreMesh(core_axis_name="c", subcore_axis_name="s")
    body = functools.partial(_sc_gather_kernel, n_slabs, d, T, A)
    run = pl.kernel(
        body,
        mesh=mesh,
        compiler_params=pltpu.CompilerParams(needs_layout_passes=False),
        out_type=jax.ShapeDtypeStruct((n_slabs, T, 2 * d), jnp.float32),
        scratch_types=(
            [pltpu.VMEM((per_w * T,), jnp.int32)]
            + [pltpu.VMEM((per_w, d), jnp.float32)]
            + [pltpu.VMEM((2, T, 2 * d), jnp.float32) for _ in range(_NBUF)]
            + [pltpu.SemaphoreType.DMA] * (2 * _NBUF)
        ),
    )
    out = run(pe.reshape(pe.shape[0], d), x.reshape(-1))
    return out.reshape(B, A, T, 2 * d)

# --- scband reference (transcript-rebuilt; emitter-appended) ---
"""Pipeline reference for scband-positional-encoding-54992761258848 (READ-ONLY COPY).

The authoritative reference and input builder live on the scoring server;
editing this copy changes nothing except your own understanding.
"""

import jax, jax.numpy as jnp
import numpy as np
import math

D_MODEL = 256
MAX_LEN = 5000


def _make_pe():
    position = np.arange(MAX_LEN, dtype=np.float32)[:, None]
    div_term = np.exp(np.arange(0, D_MODEL, 2, dtype=np.float32) * (-math.log(10000.0) / D_MODEL))
    pe = np.zeros((MAX_LEN, 1, D_MODEL), dtype=np.float32)
    pe[:, 0, 0::2] = np.sin(position * div_term)
    pe[:, 0, 1::2] = np.cos(position * div_term)
    return jnp.asarray(pe)


def setup_inputs(seed: int = 0) -> dict:
    key = jax.random.key(seed)
    x = jax.random.randint(key, (16, 128, 32), 0, 5000, dtype=jnp.int32)
    pe = _make_pe()
    return {"x": x, "pe": pe}


def reference(x, pe):
    # Faithful translation of PositionalEncoding.forward (dropout in eval mode = identity).
    B, A, T = x.shape
    d = pe.shape[2]
    # atom_emb = pe[arange(A), 0, :] broadcast/repeated to [B, A, T, d]
    atom_loc = jnp.arange(A)
    atom_emb = jnp.take(pe[:, 0, :], atom_loc, axis=0)  # [A, d]
    atom_emb = jnp.broadcast_to(atom_emb[None, :, None, :], (B, A, T, d))
    # t_emb = pe[t_loc, 0, :][x, :] == pe[x, 0, :] since t_loc = arange(max(x)+1)
    t_emb = jnp.take(pe[:, 0, :], x, axis=0)  # [B, A, T, d]
    emb = jnp.concatenate([atom_emb, t_emb], axis=3)  # [B, A, T, 2d]
    return emb

if __name__ == "__main__":
    import jax
    _d = setup_inputs()
    print(jax.jit(kernel)(*tuple(_d.values())))

</pallas_src>

<mosaic_0001>
#map = affine_map<(d0, d1) -> (0, 0)>
#map1 = affine_map<(d0, d1) -> (0)>
#map2 = affine_map<(d0, d1) -> (0, 0, 0)>
module attributes {stable_mosaic.version = 14 : i64} {
  func.func @_sc_gather_kernel(%arg0: i32, %arg1: i32, %arg2: memref<5000x256xf32, #tpu.memory_space<hbm>>, %arg3: memref<65536xi32, #tpu.memory_space<hbm>>, %arg4: memref<2048x32x512xf32, #tpu.memory_space<hbm>>, %arg5: memref<2048xi32, #tpu.memory_space<vmem>>, %arg6: memref<64x256xf32, #tpu.memory_space<vmem>>, %arg7: memref<2x32x512xf32, #tpu.memory_space<vmem>>, %arg8: memref<2x32x512xf32, #tpu.memory_space<vmem>>, %arg9: memref<2x32x512xf32, #tpu.memory_space<vmem>>, %arg10: memref<!tpu.dma_semaphore, #tpu.memory_space<semaphore_mem>>, %arg11: memref<!tpu.dma_semaphore, #tpu.memory_space<semaphore_mem>>, %arg12: memref<!tpu.dma_semaphore, #tpu.memory_space<semaphore_mem>>, %arg13: memref<!tpu.dma_semaphore, #tpu.memory_space<semaphore_mem>>, %arg14: memref<!tpu.dma_semaphore, #tpu.memory_space<semaphore_mem>>, %arg15: memref<!tpu.dma_semaphore, #tpu.memory_space<semaphore_mem>>) attributes {dimension_semantics = [#tpu.dimension_semantics<core_parallel>, #tpu.dimension_semantics<subcore_parallel>], iteration_bounds = array<i64: 2, 16>, scalar_prefetch = 0 : i64, scratch_operands = 11 : i64, tpu.core_type = #tpu.core_type<sc_vector_subcore>, window_params = [{transform_indices = #map}, {transform_indices = #map1}, {transform_indices = #map2}]} {
    %mul3A = arith.constant 2 : i32
    %mul3A_0 = arith.muli %arg1, %mul3A : i32
    %add3A = arith.addi %mul3A_0, %arg0 : i32
    %mul3A_1 = arith.constant 64 : i32
    %mul3A_2 = arith.muli %add3A, %mul3A_1 : i32
    %mul3A_3 = arith.constant 32 : i32
    %mul3A_4 = arith.muli %mul3A_2, %mul3A_3 : i32
    "tpu.region"() ({
      %run_scoped3A = tpu.sem_alloc : memref<!tpu.dma_semaphore, #tpu.memory_space<semaphore_mem>>
      %dma_start3A_412 = tpu.memref_slice %arg3[%mul3A_4] : memref<65536xi32, #tpu.memory_space<hbm>> -> memref<2048xi32, #tpu.memory_space<hbm>>
      %dma_start3A_413 = tpu.memref_slice %arg3[%mul3A_4] : memref<65536xi32, #tpu.memory_space<hbm>> -> memref<2048xi32, #tpu.memory_space<hbm>>
      tpu.enqueue_dma source(%dma_start3A_413 : memref<2048xi32, #tpu.memory_space<hbm>>) target(%arg5 : memref<2048xi32, #tpu.memory_space<vmem>>) target_semaphore(%run_scoped3A : memref<!tpu.dma_semaphore, #tpu.memory_space<semaphore_mem>>)
      %dma_wait3A_414 = tpu.memref_slice %arg3[%mul3A_4] : memref<65536xi32, #tpu.memory_space<hbm>> -> memref<2048xi32, #tpu.memory_space<hbm>>
      %dma_wait3A_415 = tpu.memref_slice %arg3[%mul3A_4] : memref<65536xi32, #tpu.memory_space<hbm>> -> memref<2048xi32, #tpu.memory_space<hbm>>
      tpu.wait_dma2 semaphore(%run_scoped3A : memref<!tpu.dma_semaphore, #tpu.memory_space<semaphore_mem>>) src(%dma_wait3A_415 : memref<2048xi32, #tpu.memory_space<hbm>>) dst(%arg5 : memref<2048xi32, #tpu.memory_space<vmem>>)
      tpu.yield
    }) : () -> ()
    %jit3A = arith.constant 128 : i32
    %eq3A = arith.constant 0 : i32
    %eq3A_5 = arith.cmpi eq, %jit3A, %eq3A : i32
    %jit3A_6 = arith.constant 1 : i32
    %select_n3A = arith.select %eq3A_5, %jit3A_6, %jit3A : i32
    %rem3A = arith.remsi %mul3A_2, %select_n3A : i32
    %ne3A = arith.constant 0 : i32
    %ne3A_7 = arith.cmpi ne, %rem3A, %ne3A : i32
    %lt3A = arith.constant 0 : i32
    %lt3A_8 = arith.cmpi slt, %rem3A, %lt3A : i32
    %lt3A_9 = arith.constant 0 : i32
    %lt3A_10 = arith.cmpi slt, %select_n3A, %lt3A_9 : i32
    %ne3A_11 = arith.xori %lt3A_8, %lt3A_10 : i1
    %and3A = arith.andi %ne3A_11, %ne3A_7 : i1
    %add3A_12 = arith.addi %rem3A, %select_n3A : i32
    %select_n3A_13 = arith.select %and3A, %add3A_12, %rem3A : i32
    "tpu.region"() ({
      %run_scoped3A = tpu.sem_alloc : memref<!tpu.dma_semaphore, #tpu.memory_space<semaphore_mem>>
      %dma_start3A_412 = arith.constant 0 : i32
      %dma_start3A_413 = tpu.memref_slice %arg2[%select_n3A_13, %dma_start3A_412] : memref<5000x256xf32, #tpu.memory_space<hbm>> -> memref<64x256xf32, #tpu.memory_space<hbm>>
      %dma_start3A_414 = arith.constant 0 : i32
      %dma_start3A_415 = tpu.memref_slice %arg2[%select_n3A_13, %dma_start3A_414] : memref<5000x256xf32, #tpu.memory_space<hbm>> -> memref<64x256xf32, #tpu.memory_space<hbm>>
      tpu.enqueue_dma source(%dma_start3A_415 : memref<64x256xf32, #tpu.memory_space<hbm>>) target(%arg6 : memref<64x256xf32, #tpu.memory_space<vmem>>) target_semaphore(%run_scoped3A : memref<!tpu.dma_semaphore, #tpu.memory_space<semaphore_mem>>)
      %dma_wait3A_416 = arith.constant 0 : i32
      %dma_wait3A_417 = tpu.memref_slice %arg2[%select_n3A_13, %dma_wait3A_416] : memref<5000x256xf32, #tpu.memory_space<hbm>> -> memref<64x256xf32, #tpu.memory_space<hbm>>
      %dma_wait3A_418 = arith.constant 0 : i32
      %dma_wait3A_419 = tpu.memref_slice %arg2[%select_n3A_13, %dma_wait3A_418] : memref<5000x256xf32, #tpu.memory_space<hbm>> -> memref<64x256xf32, #tpu.memory_space<hbm>>
      tpu.wait_dma2 semaphore(%run_scoped3A : memref<!tpu.dma_semaphore, #tpu.memory_space<semaphore_mem>>) src(%dma_wait3A_419 : memref<64x256xf32, #tpu.memory_space<hbm>>) dst(%arg6 : memref<64x256xf32, #tpu.memory_space<vmem>>)
      tpu.yield
    }) : () -> ()
    %dma_start3A = arith.constant 0 : i32
    %dma_start3A_14 = arith.constant 0 : i32
    %dma_start3A_15 = arith.constant 256 : i32
    %dma_start3A_16 = tpu.memref_slice %arg7[%dma_start3A, %dma_start3A_14, %dma_start3A_15] : memref<2x32x512xf32, #tpu.memory_space<vmem>> -> memref<1x32x256xf32, #tpu.memory_space<vmem>>
    %dma_start3A_17 = tpu.memref_squeeze %dma_start3A_16 : memref<1x32x256xf32, #tpu.memory_space<vmem>> -> memref<32x256xf32, #tpu.memory_space<vmem>>
    %dma_start3A_18 = arith.constant 0 : i32
    %dma_start3A_19 = tpu.memref_slice %arg5[%dma_start3A_18] : memref<2048xi32, #tpu.memory_space<vmem>> -> memref<32xi32, #tpu.memory_space<vmem>>
    %dma_start3A_20 = arith.constant 0 : i32
    %dma_start3A_21 = arith.constant 0 : i32
    %dma_start3A_22 = tpu.memref_slice %arg2[%dma_start3A_20, %dma_start3A_21] : memref<5000x256xf32, #tpu.memory_space<hbm>> -> memref<5000x256xf32, #tpu.memory_space<hbm>>
    tpu.enqueue_indirect_dma source(%dma_start3A_22 : memref<5000x256xf32, #tpu.memory_space<hbm>>) target(%dma_start3A_17 : memref<32x256xf32, #tpu.memory_space<vmem>>) offsets(%dma_start3A_19 : memref<32xi32, #tpu.memory_space<vmem>>) semaphore(%arg10 : memref<!tpu.dma_semaphore, #tpu.memory_space<semaphore_mem>>)
    %dma_start3A_23 = arith.constant 1 : i32
    %dma_start3A_24 = arith.constant 0 : i32
    %dma_start3A_25 = arith.constant 256 : i32
    %dma_start3A_26 = tpu.memref_slice %arg7[%dma_start3A_23, %dma_start3A_24, %dma_start3A_25] : memref<2x32x512xf32, #tpu.memory_space<vmem>> -> memref<1x32x256xf32, #tpu.memory_space<vmem>>
    %dma_start3A_27 = tpu.memref_squeeze %dma_start3A_26 : memref<1x32x256xf32, #tpu.memory_space<vmem>> -> memref<32x256xf32, #tpu.memory_space<vmem>>
    %dma_start3A_28 = arith.constant 32 : i32
    %dma_start3A_29 = tpu.memref_slice %arg5[%dma_start3A_28] : memref<2048xi32, #tpu.memory_space<vmem>> -> memref<32xi32, #tpu.memory_space<vmem>>
    %dma_start3A_30 = arith.constant 0 : i32
    %dma_start3A_31 = arith.constant 0 : i32
    %dma_start3A_32 = tpu.memref_slice %arg2[%dma_start3A_30, %dma_start3A_31] : memref<5000x256xf32, #tpu.memory_space<hbm>> -> memref<5000x256xf32, #tpu.memory_space<hbm>>
    tpu.enqueue_indirect_dma source(%dma_start3A_32 : memref<5000x256xf32, #tpu.memory_space<hbm>>) target(%dma_start3A_27 : memref<32x256xf32, #tpu.memory_space<vmem>>) offsets(%dma_start3A_29 : memref<32xi32, #tpu.memory_space<vmem>>) semaphore(%arg10 : memref<!tpu.dma_semaphore, #tpu.memory_space<semaphore_mem>>)
    %get3A = arith.constant 0 : i32
    %get3A_33 = arith.index_cast %get3A : i32 to index
    %get3A_34 = arith.constant 0 : index
    %get3A_35 = tpu.vector_load %arg6[%get3A_33, %get3A_34] {strides = array<i32>} : memref<64x256xf32, #tpu.memory_space<vmem>>, vector<16xf32>,
    %get3A_36 = arith.constant 0 : i32
    %get3A_37 = arith.index_cast %get3A_36 : i32 to index
    %get3A_38 = arith.constant 16 : index
    %get3A_39 = tpu.vector_load %arg6[%get3A_37, %get3A_38] {strides = array<i32>} : memref<64x256xf32, #tpu.memory_space<vmem>>, vector<16xf32>,
    %get3A_40 = arith.constant 0 : i32
    %get3A_41 = arith.index_cast %get3A_40 : i32 to index
    %get3A_42 = arith.constant 32 : index
    %get3A_43 = tpu.vector_load %arg6[%get3A_41, %get3A_42] {strides = array<i32>} : memref<64x256xf32, #tpu.memory_space<vmem>>, vector<16xf32>,
    %get3A_44 = arith.constant 0 : i32
    %get3A_45 = arith.index_cast %get3A_44 : i32 to index
    %get3A_46 = arith.constant 48 : index
    %get3A_47 = tpu.vector_load %arg6[%get3A_45, %get3A_46] {strides = array<i32>} : memref<64x256xf32, #tpu.memory_space<vmem>>, vector<16xf32>,
    %get3A_48 = arith.constant 0 : i32
    %get3A_49 = arith.index_cast %get3A_48 : i32 to index
    %get3A_50 = arith.constant 64 : index
    %get3A_51 = tpu.vector_load %arg6[%get3A_49, %get3A_50] {strides = array<i32>} : memref<64x256xf32, #tpu.memory_space<vmem>>, vector<16xf32>,
    %get3A_52 = arith.constant 0 : i32
    %get3A_53 = arith.index_cast %get3A_52 : i32 to index
    %get3A_54 = arith.constant 80 : index
    %get3A_55 = tpu.vector_load %arg6[%get3A_53, %get3A_54] {strides = array<i32>} : memref<64x256xf32, #tpu.memory_space<vmem>>, vector<16xf32>,
    %get3A_56 = arith.constant 0 : i32
    %get3A_57 = arith.index_cast %get3A_56 : i32 to index
    %get3A_58 = arith.constant 96 : index
    %get3A_59 = tpu.vector_load %arg6[%get3A_57, %get3A_58] {strides = array<i32>} : memref<64x256xf32, #tpu.memory_space<vmem>>, vector<16xf32>,
    %get3A_60 = arith.constant 0 : i32
    %get3A_61 = arith.index_cast %get3A_60 : i32 to index
    %get3A_62 = arith.constant 112 : index
    %get3A_63 = tpu.vector_load %arg6[%get3A_61, %get3A_62] {strides = array<i32>} : memref<64x256xf32, #tpu.memory_space<vmem>>, vector<16xf32>,
    %get3A_64 = arith.constant 0 : i32
    %get3A_65 = arith.index_cast %get3A_64 : i32 to index
    %get3A_66 = arith.constant 128 : index
    %get3A_67 = tpu.vector_load %arg6[%get3A_65, %get3A_66] {strides = array<i32>} : memref<64x256xf32, #tpu.memory_space<vmem>>, vector<16xf32>,
    %get3A_68 = arith.constant 0 : i32
    %get3A_69 = arith.index_cast %get3A_68 : i32 to index
    %get3A_70 = arith.constant 144 : index
    %get3A_71 = tpu.vector_load %arg6[%get3A_69, %get3A_70] {strides = array<i32>} : memref<64x256xf32, #tpu.memory_space<vmem>>, vector<16xf32>,
    %get3A_72 = arith.constant 0 : i32
    %get3A_73 = arith.index_cast %get3A_72 : i32 to index
    %get3A_74 = arith.constant 160 : index
    %get3A_75 = tpu.vector_load %arg6[%get3A_73, %get3A_74] {strides = array<i32>} : memref<64x256xf32, #tpu.memory_space<vmem>>, vector<16xf32>,
    %get3A_76 = arith.constant 0 : i32
    %get3A_77 = arith.index_cast %get3A_76 : i32 to index
    %get3A_78 = arith.constant 176 : index
    %get3A_79 = tpu.vector_load %arg6[%get3A_77, %get3A_78] {strides = array<i32>} : memref<64x256xf32, #tpu.memory_space<vmem>>, vector<16xf32>,
    %get3A_80 = arith.constant 0 : i32
    %get3A_81 = arith.index_cast %get3A_80 : i32 to index
    %get3A_82 = arith.constant 192 : index
    %get3A_83 = tpu.vector_load %arg6[%get3A_81, %get3A_82] {strides = array<i32>} : memref<64x256xf32, #tpu.memory_space<vmem>>, vector<16xf32>,
    %get3A_84 = arith.constant 0 : i32
    %get3A_85 = arith.index_cast %get3A_84 : i32 to index
    %get3A_86 = arith.constant 208 : index
    %get3A_87 = tpu.vector_load %arg6[%get3A_85, %get3A_86] {strides = array<i32>} : memref<64x256xf32, #tpu.memory_space<vmem>>, vector<16xf32>,
    %get3A_88 = arith.constant 0 : i32
    %get3A_89 = arith.index_cast %get3A_88 : i32 to index
    %get3A_90 = arith.constant 224 : index
    %get3A_91 = tpu.vector_load %arg6[%get3A_89, %get3A_90] {strides = array<i32>} : memref<64x256xf32, #tpu.memory_space<vmem>>, vector<16xf32>,
    %get3A_92 = arith.constant 0 : i32
    %get3A_93 = arith.index_cast %get3A_92 : i32 to index
    %get3A_94 = arith.constant 240 : index
    %get3A_95 = tpu.vector_load %arg6[%get3A_93, %get3A_94] {strides = array<i32>} : memref<64x256xf32, #tpu.memory_space<vmem>>, vector<16xf32>,
    %get3A_96 = arith.constant 1 : i32
    %get3A_97 = arith.index_cast %get3A_96 : i32 to index
    %get3A_98 = arith.constant 0 : index
    %get3A_99 = tpu.vector_load %arg6[%get3A_97, %get3A_98] {strides = array<i32>} : memref<64x256xf32, #tpu.memory_space<vmem>>, vector<16xf32>,
    %get3A_100 = arith.constant 1 : i32
    %get3A_101 = arith.index_cast %get3A_100 : i32 to index
    %get3A_102 = arith.constant 16 : index
    %get3A_103 = tpu.vector_load %arg6[%get3A_101, %get3A_102] {strides = array<i32>} : memref<64x256xf32, #tpu.memory_space<vmem>>, vector<16xf32>,
    %get3A_104 = arith.constant 1 : i32
    %get3A_105 = arith.index_cast %get3A_104 : i32 to index
    %get3A_106 = arith.constant 32 : index
    %get3A_107 = tpu.vector_load %arg6[%get3A_105, %get3A_106] {strides = array<i32>} : memref<64x256xf32, #tpu.memory_space<vmem>>, vector<16xf32>,
    %get3A_108 = arith.constant 1 : i32
    %get3A_109 = arith.index_cast %get3A_108 : i32 to index
    %get3A_110 = arith.constant 48 : index
    %get3A_111 = tpu.vector_load %arg6[%get3A_109, %get3A_110] {strides = array<i32>} : memref<64x256xf32, #tpu.memory_space<vmem>>, vector<16xf32>,
    %get3A_112 = arith.constant 1 : i32
    %get3A_113 = arith.index_cast %get3A_112 : i32 to index
    %get3A_114 = arith.constant 64 : index
    %get3A_115 = tpu.vector_load %arg6[%get3A_113, %get3A_114] {strides = array<i32>} : memref<64x256xf32, #tpu.memory_space<vmem>>, vector<16xf32>,
    %get3A_116 = arith.constant 1 : i32
    %get3A_117 = arith.index_cast %get3A_116 : i32 to index
    %get3A_118 = arith.constant 80 : index
    %get3A_119 = tpu.vector_load %arg6[%get3A_117, %get3A_118] {strides = array<i32>} : memref<64x256xf32, #tpu.memory_space<vmem>>, vector<16xf32>,
    %get3A_120 = arith.constant 1 : i32
    %get3A_121 = arith.index_cast %get3A_120 : i32 to index
    %get3A_122 = arith.constant 96 : index
    %get3A_123 = tpu.vector_load %arg6[%get3A_121, %get3A_122] {strides = array<i32>} : memref<64x256xf32, #tpu.memory_space<vmem>>, vector<16xf32>,
    %get3A_124 = arith.constant 1 : i32
    %get3A_125 = arith.index_cast %get3A_124 : i32 to index
    %get3A_126 = arith.constant 112 : index
    %get3A_127 = tpu.vector_load %arg6[%get3A_125, %get3A_126] {strides = array<i32>} : memref<64x256xf32, #tpu.memory_space<vmem>>, vector<16xf32>,
    %get3A_128 = arith.constant 1 : i32
    %get3A_129 = arith.index_cast %get3A_128 : i32 to index
    %get3A_130 = arith.constant 128 : index
    %get3A_131 = tpu.vector_load %arg6[%get3A_129, %get3A_130] {strides = array<i32>} : memref<64x256xf32, #tpu.memory_space<vmem>>, vector<16xf32>,
    %get3A_132 = arith.constant 1 : i32
    %get3A_133 = arith.index_cast %get3A_132 : i32 to index
    %get3A_134 = arith.constant 144 : index
    %get3A_135 = tpu.vector_load %arg6[%get3A_133, %get3A_134] {strides = array<i32>} : memref<64x256xf32, #tpu.memory_space<vmem>>, vector<16xf32>,
    %get3A_136 = arith.constant 1 : i32
    %get3A_137 = arith.index_cast %get3A_136 : i32 to index
    %get3A_138 = arith.constant 160 : index
    %get3A_139 = tpu.vector_load %arg6[%get3A_137, %get3A_138] {strides = array<i32>} : memref<64x256xf32, #tpu.memory_space<vmem>>, vector<16xf32>,
    %get3A_140 = arith.constant 1 : i32
    %get3A_141 = arith.index_cast %get3A_140 : i32 to index
    %get3A_142 = arith.constant 176 : index
    %get3A_143 = tpu.vector_load %arg6[%get3A_141, %get3A_142] {strides = array<i32>} : memref<64x256xf32, #tpu.memory_space<vmem>>, vector<16xf32>,
    %get3A_144 = arith.constant 1 : i32
    %get3A_145 = arith.index_cast %get3A_144 : i32 to index
    %get3A_146 = arith.constant 192 : index
    %get3A_147 = tpu.vector_load %arg6[%get3A_145, %get3A_146] {strides = array<i32>} : memref<64x256xf32, #tpu.memory_space<vmem>>, vector<16xf32>,
    %get3A_148 = arith.constant 1 : i32
    %get3A_149 = arith.index_cast %get3A_148 : i32 to index
    %get3A_150 = arith.constant 208 : index
    %get3A_151 = tpu.vector_load %arg6[%get3A_149, %get3A_150] {strides = array<i32>} : memref<64x256xf32, #tpu.memory_space<vmem>>, vector<16xf32>,
    %get3A_152 = arith.constant 1 : i32
    %get3A_153 = arith.index_cast %get3A_152 : i32 to index
    %get3A_154 = arith.constant 224 : index
    %get3A_155 = tpu.vector_load %arg6[%get3A_153, %get3A_154] {strides = array<i32>} : memref<64x256xf32, #tpu.memory_space<vmem>>, vector<16xf32>,
    %get3A_156 = arith.constant 1 : i32
    %get3A_157 = arith.index_cast %get3A_156 : i32 to index
    %get3A_158 = arith.constant 240 : index
    %get3A_159 = tpu.vector_load %arg6[%get3A_157, %get3A_158] {strides = array<i32>} : memref<64x256xf32, #tpu.memory_space<vmem>>, vector<16xf32>,
    %scan3A = arith.constant 0 : i32
    %scan3A_160 = arith.constant 0 : i32
    %scan3A_161 = arith.constant 32 : i32
    %scan3A_162 = arith.addi %scan3A_160, %scan3A_161 : i32
    %scan3A_163 = arith.constant 1 : i32
    scf.for %scan3A_412 = %scan3A_160 to %scan3A_162 step %scan3A_163  : i32 {
      %swap3A = arith.constant 0 : i32
      %swap3A_413 = arith.index_cast %swap3A : i32 to index
      %swap3A_414 = arith.index_cast %scan3A_412 : i32 to index
      %swap3A_415 = arith.constant 0 : index
      %swap3A_416 = tpu.vector_load %arg7[%swap3A_413, %swap3A_414, %swap3A_415] {strides = array<i32>} : memref<2x32x512xf32, #tpu.memory_space<vmem>>, vector<16xf32>,
      tpu.vector_store %arg7[%swap3A_413, %swap3A_414, %swap3A_415], %get3A_35 {strides = array<i32>} : memref<2x32x512xf32, #tpu.memory_space<vmem>>, vector<16xf32>,
      %swap3A_417 = arith.constant 0 : i32
      %swap3A_418 = arith.index_cast %swap3A_417 : i32 to index
      %swap3A_419 = arith.index_cast %scan3A_412 : i32 to index
      %swap3A_420 = arith.constant 16 : index
      %swap3A_421 = tpu.vector_load %arg7[%swap3A_418, %swap3A_419, %swap3A_420] {strides = array<i32>} : memref<2x32x512xf32, #tpu.memory_space<vmem>>, vector<16xf32>,
      tpu.vector_store %arg7[%swap3A_418, %swap3A_419, %swap3A_420], %get3A_39 {strides = array<i32>} : memref<2x32x512xf32, #tpu.memory_space<vmem>>, vector<16xf32>,
      %swap3A_422 = arith.constant 0 : i32
      %swap3A_423 = arith.index_cast %swap3A_422 : i32 to index
      %swap3A_424 = arith.index_cast %scan3A_412 : i32 to index
      %swap3A_425 = arith.constant 32 : index
      %swap3A_426 = tpu.vector_load %arg7[%swap3A_423, %swap3A_424, %swap3A_425] {strides = array<i32>} : memref<2x32x512xf32, #tpu.memory_space<vmem>>, vector<16xf32>,
      tpu.vector_store %arg7[%swap3A_423, %swap3A_424, %swap3A_425], %get3A_43 {strides = array<i32>} : memref<2x32x512xf32, #tpu.memory_space<vmem>>, vector<16xf32>,
      %swap3A_427 = arith.constant 0 : i32
      %swap3A_428 = arith.index_cast %swap3A_427 : i32 to index
      %swap3A_429 = arith.index_cast %scan3A_412 : i32 to index
      %swap3A_430 = arith.constant 48 : index
      %swap3A_431 = tpu.vector_load %arg7[%swap3A_428, %swap3A_429, %swap3A_430] {strides = array<i32>} : memref<2x32x512xf32, #tpu.memory_space<vmem>>, vector<16xf32>,
      tpu.vector_store %arg7[%swap3A_428, %swap3A_429, %swap3A_430], %get3A_47 {strides = array<i32>} : memref<2x32x512xf32, #tpu.memory_space<vmem>>, vector<16xf32>,
      %swap3A_432 = arith.constant 0 : i32
      %swap3A_433 = arith.index_cast %swap3A_432 : i32 to index
      %swap3A_434 = arith.index_cast %scan3A_412 : i32 to index
      %swap3A_435 = arith.constant 64 : index
      %swap3A_436 = tpu.vector_load %arg7[%swap3A_433, %swap3A_434, %swap3A_435] {strides = array<i32>} : memref<2x32x512xf32, #tpu.memory_space<vmem>>, vector<16xf32>,
      tpu.vector_store %arg7[%swap3A_433, %swap3A_434, %swap3A_435], %get3A_51 {strides = array<i32>} : memref<2x32x512xf32, #tpu.memory_space<vmem>>, vector<16xf32>,
      %swap3A_437 = arith.constant 0 : i32
      %swap3A_438 = arith.index_cast %swap3A_437 : i32 to index
      %swap3A_439 = arith.index_cast %scan3A_412 : i32 to index
      %swap3A_440 = arith.constant 80 : index
      %swap3A_441 = tpu.vector_load %arg7[%swap3A_438, %swap3A_439, %swap3A_440] {strides = array<i32>} : memref<2x32x512xf32, #tpu.memory_space<vmem>>, vector<16xf32>,
      tpu.vector_store %arg7[%swap3A_438, %swap3A_439, %swap3A_440], %get3A_55 {strides = array<i32>} : memref<2x32x512xf32, #tpu.memory_space<vmem>>, vector<16xf32>,
      %swap3A_442 = arith.constant 0 : i32
      %swap3A_443 = arith.index_cast %swap3A_442 : i32 to index
      %swap3A_444 = arith.index_cast %scan3A_412 : i32 to index
      %swap3A_445 = arith.constant 96 : index
      %swap3A_446 = tpu.vector_load %arg7[%swap3A_443, %swap3A_444, %swap3A_445] {strides = array<i32>} : memref<2x32x512xf32, #tpu.memory_space<vmem>>, vector<16xf32>,
      tpu.vector_store %arg7[%swap3A_443, %swap3A_444, %swap3A_445], %get3A_59 {strides = array<i32>} : memref<2x32x512xf32, #tpu.memory_space<vmem>>, vector<16xf32>,
      %swap3A_447 = arith.constant 0 : i32
      %swap3A_448 = arith.index_cast %swap3A_447 : i32 to index
      %swap3A_449 = arith.index_cast %scan3A_412 : i32 to index
      %swap3A_450 = arith.constant 112 : index
      %swap3A_451 = tpu.vector_load %arg7[%swap3A_448, %swap3A_449, %swap3A_450] {strides = array<i32>} : memref<2x32x512xf32, #tpu.memory_space<vmem>>, vector<16xf32>,
      tpu.vector_store %arg7[%swap3A_448, %swap3A_449, %swap3A_450], %get3A_63 {strides = array<i32>} : memref<2x32x512xf32, #tpu.memory_space<vmem>>, vector<16xf32>,
      %swap3A_452 = arith.constant 0 : i32
      %swap3A_453 = arith.index_cast %swap3A_452 : i32 to index
      %swap3A_454 = arith.index_cast %scan3A_412 : i32 to index
      %swap3A_455 = arith.constant 128 : index
      %swap3A_456 = tpu.vector_load %arg7[%swap3A_453, %swap3A_454, %swap3A_455] {strides = array<i32>} : memref<2x32x512xf32, #tpu.memory_space<vmem>>, vector<16xf32>,
      tpu.vector_store %arg7[%swap3A_453, %swap3A_454, %swap3A_455], %get3A_67 {strides = array<i32>} : memref<2x32x512xf32, #tpu.memory_space<vmem>>, vector<16xf32>,
      %swap3A_457 = arith.constant 0 : i32
      %swap3A_458 = arith.index_cast %swap3A_457 : i32 to index
      %swap3A_459 = arith.index_cast %scan3A_412 : i32 to index
      %swap3A_460 = arith.constant 144 : index
      %swap3A_461 = tpu.vector_load %arg7[%swap3A_458, %swap3A_459, %swap3A_460] {strides = array<i32>} : memref<2x32x512xf32, #tpu.memory_space<vmem>>, vector<16xf32>,
      tpu.vector_store %arg7[%swap3A_458, %swap3A_459, %swap3A_460], %get3A_71 {strides = array<i32>} : memref<2x32x512xf32, #tpu.memory_space<vmem>>, vector<16xf32>,
      %swap3A_462 = arith.constant 0 : i32
      %swap3A_463 = arith.index_cast %swap3A_462 : i32 to index
      %swap3A_464 = arith.index_cast %scan3A_412 : i32 to index
      %swap3A_465 = arith.constant 160 : index
      %swap3A_466 = tpu.vector_load %arg7[%swap3A_463, %swap3A_464, %swap3A_465] {strides = array<i32>} : memref<2x32x512xf32, #tpu.memory_space<vmem>>, vector<16xf32>,
      tpu.vector_store %arg7[%swap3A_463, %swap3A_464, %swap3A_465], %get3A_75 {strides = array<i32>} : memref<2x32x512xf32, #tpu.memory_space<vmem>>, vector<16xf32>,
      %swap3A_467 = arith.constant 0 : i32
      %swap3A_468 = arith.index_cast %swap3A_467 : i32 to index
      %swap3A_469 = arith.index_cast %scan3A_412 : i32 to index
      %swap3A_470 = arith.constant 176 : index
      %swap3A_471 = tpu.vector_load %arg7[%swap3A_468, %swap3A_469, %swap3A_470] {strides = array<i32>} : memref<2x32x512xf32, #tpu.memory_space<vmem>>, vector<16xf32>,
      tpu.vector_store %arg7[%swap3A_468, %swap3A_469, %swap3A_470], %get3A_79 {strides = array<i32>} : memref<2x32x512xf32, #tpu.memory_space<vmem>>, vector<16xf32>,
      %swap3A_472 = arith.constant 0 : i32
      %swap3A_473 = arith.index_cast %swap3A_472 : i32 to index
      %swap3A_474 = arith.index_cast %scan3A_412 : i32 to index
      %swap3A_475 = arith.constant 192 : index
      %swap3A_476 = tpu.vector_load %arg7[%swap3A_473, %swap3A_474, %swap3A_475] {strides = array<i32>} : memref<2x32x512xf32, #tpu.memory_space<vmem>>, vector<16xf32>,
      tpu.vector_store %arg7[%swap3A_473, %swap3A_474, %swap3A_475], %get3A_83 {strides = array<i32>} : memref<2x32x512xf32, #tpu.memory_space<vmem>>, vector<16xf32>,
      %swap3A_477 = arith.constant 0 : i32
      %swap3A_478 = arith.index_cast %swap3A_477 : i32 to index
      %swap3A_479 = arith.index_cast %scan3A_412 : i32 to index
      %swap3A_480 = arith.constant 208 : index
      %swap3A_481 = tpu.vector_load %arg7[%swap3A_478, %swap3A_479, %swap3A_480] {strides = array<i32>} : memref<2x32x512xf32, #tpu.memory_space<vmem>>, vector<16xf32>,
      tpu.vector_store %arg7[%swap3A_478, %swap3A_479, %swap3A_480], %get3A_87 {strides = array<i32>} : memref<2x32x512xf32, #tpu.memory_space<vmem>>, vector<16xf32>,
      %swap3A_482 = arith.constant 0 : i32
      %swap3A_483 = arith.index_cast %swap3A_482 : i32 to index
      %swap3A_484 = arith.index_cast %scan3A_412 : i32 to index
      %swap3A_485 = arith.constant 224 : index
      %swap3A_486 = tpu.vector_load %arg7[%swap3A_483, %swap3A_484, %swap3A_485] {strides = array<i32>} : memref<2x32x512xf32, #tpu.memory_space<vmem>>, vector<16xf32>,
      tpu.vector_store %arg7[%swap3A_483, %swap3A_484, %swap3A_485], %get3A_91 {strides = array<i32>} : memref<2x32x512xf32, #tpu.memory_space<vmem>>, vector<16xf32>,
      %swap3A_487 = arith.constant 0 : i32
      %swap3A_488 = arith.index_cast %swap3A_487 : i32 to index
      %swap3A_489 = arith.index_cast %scan3A_412 : i32 to index
      %swap3A_490 = arith.constant 240 : index
      %swap3A_491 = tpu.vector_load %arg7[%swap3A_488, %swap3A_489, %swap3A_490] {strides = array<i32>} : memref<2x32x512xf32, #tpu.memory_space<vmem>>, vector<16xf32>,
      tpu.vector_store %arg7[%swap3A_488, %swap3A_489, %swap3A_490], %get3A_95 {strides = array<i32>} : memref<2x32x512xf32, #tpu.memory_space<vmem>>, vector<16xf32>,
      %swap3A_492 = arith.constant 1 : i32
      %swap3A_493 = arith.index_cast %swap3A_492 : i32 to index
      %swap3A_494 = arith.index_cast %scan3A_412 : i32 to index
      %swap3A_495 = arith.constant 0 : index
      %swap3A_496 = tpu.vector_load %arg7[%swap3A_493, %swap3A_494, %swap3A_495] {strides = array<i32>} : memref<2x32x512xf32, #tpu.memory_space<vmem>>, vector<16xf32>,
      tpu.vector_store %arg7[%swap3A_493, %swap3A_494, %swap3A_495], %get3A_99 {strides = array<i32>} : memref<2x32x512xf32, #tpu.memory_space<vmem>>, vector<16xf32>,
      %swap3A_497 = arith.constant 1 : i32
      %swap3A_498 = arith.index_cast %swap3A_497 : i32 to index
      %swap3A_499 = arith.index_cast %scan3A_412 : i32 to index
      %swap3A_500 = arith.constant 16 : index
      %swap3A_501 = tpu.vector_load %arg7[%swap3A_498, %swap3A_499, %swap3A_500] {strides = array<i32>} : memref<2x32x512xf32, #tpu.memory_space<vmem>>, vector<16xf32>,
      tpu.vector_store %arg7[%swap3A_498, %swap3A_499, %swap3A_500], %get3A_103 {strides = array<i32>} : memref<2x32x512xf32, #tpu.memory_space<vmem>>, vector<16xf32>,
      %swap3A_502 = arith.constant 1 : i32
      %swap3A_503 = arith.index_cast %swap3A_502 : i32 to index
      %swap3A_504 = arith.index_cast %scan3A_412 : i32 to index
      %swap3A_505 = arith.constant 32 : index
      %swap3A_506 = tpu.vector_load %arg7[%swap3A_503, %swap3A_504, %swap3A_505] {strides = array<i32>} : memref<2x32x512xf32, #tpu.memory_space<vmem>>, vector<16xf32>,
      tpu.vector_store %arg7[%swap3A_503, %swap3A_504, %swap3A_505], %get3A_107 {strides = array<i32>} : memref<2x32x512xf32, #tpu.memory_space<vmem>>, vector<16xf32>,
      %swap3A_507 = arith.constant 1 : i32
      %swap3A_508 = arith.index_cast %swap3A_507 : i32 to index
      %swap3A_509 = arith.index_cast %scan3A_412 : i32 to index
      %swap3A_510 = arith.constant 48 : index
      %swap3A_511 = tpu.vector_load %arg7[%swap3A_508, %swap3A_509, %swap3A_510] {strides = array<i32>} : memref<2x32x512xf32, #tpu.memory_space<vmem>>, vector<16xf32>,
      tpu.vector_store %arg7[%swap3A_508, %swap3A_509, %swap3A_510], %get3A_111 {strides = array<i32>} : memref<2x32x512xf32, #tpu.memory_space<vmem>>, vector<16xf32>,
      %swap3A_512 = arith.constant 1 : i32
      %swap3A_513 = arith.index_cast %swap3A_512 : i32 to index
      %swap3A_514 = arith.index_cast %scan3A_412 : i32 to index
      %swap3A_515 = arith.constant 64 : index
      %swap3A_516 = tpu.vector_load %arg7[%swap3A_513, %swap3A_514, %swap3A_515] {strides = array<i32>} : memref<2x32x512xf32, #tpu.memory_space<vmem>>, vector<16xf32>,
      tpu.vector_store %arg7[%swap3A_513, %swap3A_514, %swap3A_515], %get3A_115 {strides = array<i32>} : memref<2x32x512xf32, #tpu.memory_space<vmem>>, vector<16xf32>,
      %swap3A_517 = arith.constant 1 : i32
      %swap3A_518 = arith.index_cast %swap3A_517 : i32 to index
      %swap3A_519 = arith.index_cast %scan3A_412 : i32 to index
      %swap3A_520 = arith.constant 80 : index
      %swap3A_521 = tpu.vector_load %arg7[%swap3A_518, %swap3A_519, %swap3A_520] {strides = array<i32>} : memref<2x32x512xf32, #tpu.memory_space<vmem>>, vector<16xf32>,
      tpu.vector_store %arg7[%swap3A_518, %swap3A_519, %swap3A_520], %get3A_119 {strides = array<i32>} : memref<2x32x512xf32, #tpu.memory_space<vmem>>, vector<16xf32>,
      %swap3A_522 = arith.constant 1 : i32
      %swap3A_523 = arith.index_cast %swap3A_522 : i32 to index
      %swap3A_524 = arith.index_cast %scan3A_412 : i32 to index
      %swap3A_525 = arith.constant 96 : index
      %swap3A_526 = tpu.vector_load %arg7[%swap3A_523, %swap3A_524, %swap3A_525] {strides = array<i32>} : memref<2x32x512xf32, #tpu.memory_space<vmem>>, vector<16xf32>,
      tpu.vector_store %arg7[%swap3A_523, %swap3A_524, %swap3A_525], %get3A_123 {strides = array<i32>} : memref<2x32x512xf32, #tpu.memory_space<vmem>>, vector<16xf32>,
      %swap3A_527 = arith.constant 1 : i32
      %swap3A_528 = arith.index_cast %swap3A_527 : i32 to index
      %swap3A_529 = arith.index_cast %scan3A_412 : i32 to index
      %swap3A_530 = arith.constant 112 : index
      %swap3A_531 = tpu.vector_load %arg7[%swap3A_528, %swap3A_529, %swap3A_530] {strides = array<i32>} : memref<2x32x512xf32, #tpu.memory_space<vmem>>, vector<16xf32>,
      tpu.vector_store %arg7[%swap3A_528, %swap3A_529, %swap3A_530], %get3A_127 {strides = array<i32>} : memref<2x32x512xf32, #tpu.memory_space<vmem>>, vector<16xf32>,
      %swap3A_532 = arith.constant 1 : i32
      %swap3A_533 = arith.index_cast %swap3A_532 : i32 to index
      %swap3A_534 = arith.index_cast %scan3A_412 : i32 to index
      %swap3A_535 = arith.constant 128 : index
      %swap3A_536 = tpu.vector_load %arg7[%swap3A_533, %swap3A_534, %swap3A_535] {strides = array<i32>} : memref<2x32x512xf32, #tpu.memory_space<vmem>>, vector<16xf32>,
      tpu.vector_store %arg7[%swap3A_533, %swap3A_534, %swap3A_535], %get3A_131 {strides = array<i32>} : memref<2x32x512xf32, #tpu.memory_space<vmem>>, vector<16xf32>,
      %swap3A_537 = arith.constant 1 : i32
      %swap3A_538 = arith.index_cast %swap3A_537 : i32 to index
      %swap3A_539 = arith.index_cast %scan3A_412 : i32 to index
      %swap3A_540 = arith.constant 144 : index
      %swap3A_541 = tpu.vector_load %arg7[%swap3A_538, %swap3A_539, %swap3A_540] {strides = array<i32>} : memref<2x32x512xf32, #tpu.memory_space<vmem>>, vector<16xf32>,
      tpu.vector_store %arg7[%swap3A_538, %swap3A_539, %swap3A_540], %get3A_135 {strides = array<i32>} : memref<2x32x512xf32, #tpu.memory_space<vmem>>, vector<16xf32>,
      %swap3A_542 = arith.constant 1 : i32
      %swap3A_543 = arith.index_cast %swap3A_542 : i32 to index
      %swap3A_544 = arith.index_cast %scan3A_412 : i32 to index
      %swap3A_545 = arith.constant 160 : index
      %swap3A_546 = tpu.vector_load %arg7[%swap3A_543, %swap3A_544, %swap3A_545] {strides = array<i32>} : memref<2x32x512xf32, #tpu.memory_space<vmem>>, vector<16xf32>,
      tpu.vector_store %arg7[%swap3A_543, %swap3A_544, %swap3A_545], %get3A_139 {strides = array<i32>} : memref<2x32x512xf32, #tpu.memory_space<vmem>>, vector<16xf32>,
      %swap3A_547 = arith.constant 1 : i32
      %swap3A_548 = arith.index_cast %swap3A_547 : i32 to index
      %swap3A_549 = arith.index_cast %scan3A_412 : i32 to index
      %swap3A_550 = arith.constant 176 : index
      %swap3A_551 = tpu.vector_load %arg7[%swap3A_548, %swap3A_549, %swap3A_550] {strides = array<i32>} : memref<2x32x512xf32, #tpu.memory_space<vmem>>, vector<16xf32>,
      tpu.vector_store %arg7[%swap3A_548, %swap3A_549, %swap3A_550], %get3A_143 {strides = array<i32>} : memref<2x32x512xf32, #tpu.memory_space<vmem>>, vector<16xf32>,
      %swap3A_552 = arith.constant 1 : i32
      %swap3A_553 = arith.index_cast %swap3A_552 : i32 to index
      %swap3A_554 = arith.index_cast %scan3A_412 : i32 to index
      %swap3A_555 = arith.constant 192 : index
      %swap3A_556 = tpu.vector_load %arg7[%swap3A_553, %swap3A_554, %swap3A_555] {strides = array<i32>} : memref<2x32x512xf32, #tpu.memory_space<vmem>>, vector<16xf32>,
      tpu.vector_store %arg7[%swap3A_553, %swap3A_554, %swap3A_555], %get3A_147 {strides = array<i32>} : memref<2x32x512xf32, #tpu.memory_space<vmem>>, vector<16xf32>,
      %swap3A_557 = arith.constant 1 : i32
      %swap3A_558 = arith.index_cast %swap3A_557 : i32 to index
      %swap3A_559 = arith.index_cast %scan3A_412 : i32 to index
      %swap3A_560 = arith.constant 208 : index
      %swap3A_561 = tpu.vector_load %arg7[%swap3A_558, %swap3A_559, %swap3A_560] {strides = array<i32>} : memref<2x32x512xf32, #tpu.memory_space<vmem>>, vector<16xf32>,
      tpu.vector_store %arg7[%swap3A_558, %swap3A_559, %swap3A_560], %get3A_151 {strides = array<i32>} : memref<2x32x512xf32, #tpu.memory_space<vmem>>, vector<16xf32>,
      %swap3A_562 = arith.constant 1 : i32
      %swap3A_563 = arith.index_cast %swap3A_562 : i32 to index
      %swap3A_564 = arith.index_cast %scan3A_412 : i32 to index
      %swap3A_565 = arith.constant 224 : index
      %swap3A_566 = tpu.vector_load %arg7[%swap3A_563, %swap3A_564, %swap3A_565] {strides = array<i32>} : memref<2x32x512xf32, #tpu.memory_space<vmem>>, vector<16xf32>,
      tpu.vector_store %arg7[%swap3A_563, %swap3A_564, %swap3A_565], %get3A_155 {strides = array<i32>} : memref<2x32x512xf32, #tpu.memory_space<vmem>>, vector<16xf32>,
      %swap3A_567 = arith.constant 1 : i32
      %swap3A_568 = arith.index_cast %swap3A_567 : i32 to index
      %swap3A_569 = arith.index_cast %scan3A_412 : i32 to index
      %swap3A_570 = arith.constant 240 : index
      %swap3A_571 = tpu.vector_load %arg7[%swap3A_568, %swap3A_569, %swap3A_570] {strides = array<i32>} : memref<2x32x512xf32, #tpu.memory_space<vmem>>, vector<16xf32>,
      tpu.vector_store %arg7[%swap3A_568, %swap3A_569, %swap3A_570], %get3A_159 {strides = array<i32>} : memref<2x32x512xf32, #tpu.memory_space<vmem>>, vector<16xf32>,
    }
    %scan3A_164 = arith.constant 32 : i32
    %scan3A_165 = arith.constant 0 : i32
    %scan3A_166 = arith.constant 0 : i32
    %scan3A_167 = arith.constant 10 : i32
    %scan3A_168 = arith.addi %scan3A_166, %scan3A_167 : i32
    %scan3A_169 = arith.constant 1 : i32
    scf.for %scan3A_412 = %scan3A_166 to %scan3A_168 step %scan3A_169  : i32 {
      %mul3A_413 = arith.constant 3 : i32
      %mul3A_414 = arith.muli %mul3A_413, %scan3A_412 : i32
      %add3A_415 = arith.constant 0 : i32
      %add3A_416 = arith.addi %mul3A_414, %add3A_415 : i32
      %ge3A = arith.constant 2 : i32
      %ge3A_417 = arith.cmpi sge, %add3A_416, %ge3A : i32
      %convert_element_type3A = arith.extui %ge3A_417 : i1 to i32
      %cond3A = arith.constant 0 : i32
      %cond3A_418 = arith.cmpi ne, %convert_element_type3A, %cond3A : i32
      scf.if %cond3A_418 {
        %sub3A = arith.constant 2 : i32
        %sub3A_1346 = arith.subi %add3A_416, %sub3A : i32
        %mul3A_1347 = arith.constant 2 : i32
        %mul3A_1348 = arith.muli %mul3A_1347, %sub3A_1346 : i32
        %add3A_1349 = arith.addi %mul3A_2, %mul3A_1348 : i32
        %dma_wait3A_1350 = arith.constant 0 : i32
        %dma_wait3A_1351 = arith.constant 0 : i32
        %dma_wait3A_1352 = tpu.memref_slice %arg4[%add3A_1349, %dma_wait3A_1350, %dma_wait3A_1351] : memref<2048x32x512xf32, #tpu.memory_space<hbm>> -> memref<2x32x512xf32, #tpu.memory_space<hbm>>
        %dma_wait3A_1353 = arith.constant 0 : i32
        %dma_wait3A_1354 = arith.constant 0 : i32
        %dma_wait3A_1355 = tpu.memref_slice %arg4[%add3A_1349, %dma_wait3A_1353, %dma_wait3A_1354] : memref<2048x32x512xf32, #tpu.memory_space<hbm>> -> memref<2x32x512xf32, #tpu.memory_space<hbm>>
        tpu.wait_dma2 semaphore(%arg14 : memref<!tpu.dma_semaphore, #tpu.memory_space<semaphore_mem>>) src(%arg8 : memref<2x32x512xf32, #tpu.memory_space<vmem>>) dst(%dma_wait3A_1355 : memref<2x32x512xf32, #tpu.memory_space<hbm>>)
      } else {
      }
      %add3A_419 = arith.constant 1 : i32
      %add3A_420 = arith.addi %add3A_416, %add3A_419 : i32
      %mul3A_421 = arith.constant 2 : i32
      %mul3A_422 = arith.muli %mul3A_421, %add3A_420 : i32
      %add3A_423 = arith.constant 0 : i32
      %add3A_424 = arith.addi %mul3A_422, %add3A_423 : i32
      %mul3A_425 = arith.constant 32 : i32
      %mul3A_426 = arith.muli %add3A_424, %mul3A_425 : i32
      %dma_start3A_427 = arith.constant 0 : i32
      %dma_start3A_428 = arith.constant 0 : i32
      %dma_start3A_429 = arith.constant 256 : i32
      %dma_start3A_430 = tpu.memref_slice %arg8[%dma_start3A_427, %dma_start3A_428, %dma_start3A_429] : memref<2x32x512xf32, #tpu.memory_space<vmem>> -> memref<1x32x256xf32, #tpu.memory_space<vmem>>
      %dma_start3A_431 = tpu.memref_squeeze %dma_start3A_430 : memref<1x32x256xf32, #tpu.memory_space<vmem>> -> memref<32x256xf32, #tpu.memory_space<vmem>>
      %dma_start3A_432 = tpu.memref_slice %arg5[%mul3A_426] : memref<2048xi32, #tpu.memory_space<vmem>> -> memref<32xi32, #tpu.memory_space<vmem>>
      %dma_start3A_433 = arith.constant 0 : i32
      %dma_start3A_434 = arith.constant 0 : i32
      %dma_start3A_435 = tpu.memref_slice %arg2[%dma_start3A_433, %dma_start3A_434] : memref<5000x256xf32, #tpu.memory_space<hbm>> -> memref<5000x256xf32, #tpu.memory_space<hbm>>
      tpu.enqueue_indirect_dma source(%dma_start3A_435 : memref<5000x256xf32, #tpu.memory_space<hbm>>) target(%dma_start3A_431 : memref<32x256xf32, #tpu.memory_space<vmem>>) offsets(%dma_start3A_432 : memref<32xi32, #tpu.memory_space<vmem>>) semaphore(%arg11 : memref<!tpu.dma_semaphore, #tpu.memory_space<semaphore_mem>>)
      %mul3A_436 = arith.constant 2 : i32
      %mul3A_437 = arith.muli %mul3A_436, %add3A_420 : i32
      %add3A_438 = arith.constant 1 : i32
      %add3A_439 = arith.addi %mul3A_437, %add3A_438 : i32
      %mul3A_440 = arith.constant 32 : i32
      %mul3A_441 = arith.muli %add3A_439, %mul3A_440 : i32
      %dma_start3A_442 = arith.constant 1 : i32
      %dma_start3A_443 = arith.constant 0 : i32
      %dma_start3A_444 = arith.constant 256 : i32
      %dma_start3A_445 = tpu.memref_slice %arg8[%dma_start3A_442, %dma_start3A_443, %dma_start3A_444] : memref<2x32x512xf32, #tpu.memory_space<vmem>> -> memref<1x32x256xf32, #tpu.memory_space<vmem>>
      %dma_start3A_446 = tpu.memref_squeeze %dma_start3A_445 : memref<1x32x256xf32, #tpu.memory_space<vmem>> -> memref<32x256xf32, #tpu.memory_space<vmem>>
      %dma_start3A_447 = tpu.memref_slice %arg5[%mul3A_441] : memref<2048xi32, #tpu.memory_space<vmem>> -> memref<32xi32, #tpu.memory_space<vmem>>
      %dma_start3A_448 = arith.constant 0 : i32
      %dma_start3A_449 = arith.constant 0 : i32
      %dma_start3A_450 = tpu.memref_slice %arg2[%dma_start3A_448, %dma_start3A_449] : memref<5000x256xf32, #tpu.memory_space<hbm>> -> memref<5000x256xf32, #tpu.memory_space<hbm>>
      tpu.enqueue_indirect_dma source(%dma_start3A_450 : memref<5000x256xf32, #tpu.memory_space<hbm>>) target(%dma_start3A_446 : memref<32x256xf32, #tpu.memory_space<vmem>>) offsets(%dma_start3A_447 : memref<32xi32, #tpu.memory_space<vmem>>) semaphore(%arg11 : memref<!tpu.dma_semaphore, #tpu.memory_space<semaphore_mem>>)
      %add3A_451 = arith.constant 1 : i32
      %add3A_452 = arith.addi %add3A_416, %add3A_451 : i32
      %mul3A_453 = arith.constant 2 : i32
      %mul3A_454 = arith.muli %mul3A_453, %add3A_452 : i32
      %add3A_455 = arith.constant 0 : i32
      %add3A_456 = arith.addi %mul3A_454, %add3A_455 : i32
      %get3A_457 = arith.index_cast %add3A_456 : i32 to index
      %get3A_458 = arith.constant 0 : index
      %get3A_459 = tpu.vector_load %arg6[%get3A_457, %get3A_458] {strides = array<i32>} : memref<64x256xf32, #tpu.memory_space<vmem>>, vector<16xf32>,
      %mul3A_460 = arith.constant 2 : i32
      %mul3A_461 = arith.muli %mul3A_460, %add3A_452 : i32
      %add3A_462 = arith.constant 0 : i32
      %add3A_463 = arith.addi %mul3A_461, %add3A_462 : i32
      %get3A_464 = arith.index_cast %add3A_463 : i32 to index
      %get3A_465 = arith.constant 16 : index
      %get3A_466 = tpu.vector_load %arg6[%get3A_464, %get3A_465] {strides = array<i32>} : memref<64x256xf32, #tpu.memory_space<vmem>>, vector<16xf32>,
      %mul3A_467 = arith.constant 2 : i32
      %mul3A_468 = arith.muli %mul3A_467, %add3A_452 : i32
      %add3A_469 = arith.constant 0 : i32
      %add3A_470 = arith.addi %mul3A_468, %add3A_469 : i32
      %get3A_471 = arith.index_cast %add3A_470 : i32 to index
      %get3A_472 = arith.constant 32 : index
      %get3A_473 = tpu.vector_load %arg6[%get3A_471, %get3A_472] {strides = array<i32>} : memref<64x256xf32, #tpu.memory_space<vmem>>, vector<16xf32>,
      %mul3A_474 = arith.constant 2 : i32
      %mul3A_475 = arith.muli %mul3A_474, %add3A_452 : i32
      %add3A_476 = arith.constant 0 : i32
      %add3A_477 = arith.addi %mul3A_475, %add3A_476 : i32
      %get3A_478 = arith.index_cast %add3A_477 : i32 to index
      %get3A_479 = arith.constant 48 : index
      %get3A_480 = tpu.vector_load %arg6[%get3A_478, %get3A_479] {strides = array<i32>} : memref<64x256xf32, #tpu.memory_space<vmem>>, vector<16xf32>,
      %mul3A_481 = arith.constant 2 : i32
      %mul3A_482 = arith.muli %mul3A_481, %add3A_452 : i32
      %add3A_483 = arith.constant 0 : i32
      %add3A_484 = arith.addi %mul3A_482, %add3A_483 : i32
      %get3A_485 = arith.index_cast %add3A_484 : i32 to index
      %get3A_486 = arith.constant 64 : index
      %get3A_487 = tpu.vector_load %arg6[%get3A_485, %get3A_486] {strides = array<i32>} : memref<64x256xf32, #tpu.memory_space<vmem>>, vector<16xf32>,
      %mul3A_488 = arith.constant 2 : i32
      %mul3A_489 = arith.muli %mul3A_488, %add3A_452 : i32
      %add3A_490 = arith.constant 0 : i32
      %add3A_491 = arith.addi %mul3A_489, %add3A_490 : i32
      %get3A_492 = arith.index_cast %add3A_491 : i32 to index
      %get3A_493 = arith.constant 80 : index
      %get3A_494 = tpu.vector_load %arg6[%get3A_492, %get3A_493] {strides = array<i32>} : memref<64x256xf32, #tpu.memory_space<vmem>>, vector<16xf32>,
      %mul3A_495 = arith.constant 2 : i32
      %mul3A_496 = arith.muli %mul3A_495, %add3A_452 : i32
      %add3A_497 = arith.constant 0 : i32
      %add3A_498 = arith.addi %mul3A_496, %add3A_497 : i32
      %get3A_499 = arith.index_cast %add3A_498 : i32 to index
      %get3A_500 = arith.constant 96 : index
      %get3A_501 = tpu.vector_load %arg6[%get3A_499, %get3A_500] {strides = array<i32>} : memref<64x256xf32, #tpu.memory_space<vmem>>, vector<16xf32>,
      %mul3A_502 = arith.constant 2 : i32
      %mul3A_503 = arith.muli %mul3A_502, %add3A_452 : i32
      %add3A_504 = arith.constant 0 : i32
      %add3A_505 = arith.addi %mul3A_503, %add3A_504 : i32
      %get3A_506 = arith.index_cast %add3A_505 : i32 to index
      %get3A_507 = arith.constant 112 : index
      %get3A_508 = tpu.vector_load %arg6[%get3A_506, %get3A_507] {strides = array<i32>} : memref<64x256xf32, #tpu.memory_space<vmem>>, vector<16xf32>,
      %mul3A_509 = arith.constant 2 : i32
      %mul3A_510 = arith.muli %mul3A_509, %add3A_452 : i32
      %add3A_511 = arith.constant 0 : i32
      %add3A_512 = arith.addi %mul3A_510, %add3A_511 : i32
      %get3A_513 = arith.index_cast %add3A_512 : i32 to index
      %get3A_514 = arith.constant 128 : index
      %get3A_515 = tpu.vector_load %arg6[%get3A_513, %get3A_514] {strides = array<i32>} : memref<64x256xf32, #tpu.memory_space<vmem>>, vector<16xf32>,
      %mul3A_516 = arith.constant 2 : i32
      %mul3A_517 = arith.muli %mul3A_516, %add3A_452 : i32
      %add3A_518 = arith.constant 0 : i32
      %add3A_519 = arith.addi %mul3A_517, %add3A_518 : i32
      %get3A_520 = arith.index_cast %add3A_519 : i32 to index
      %get3A_521 = arith.constant 144 : index
      %get3A_522 = tpu.vector_load %arg6[%get3A_520, %get3A_521] {strides = array<i32>} : memref<64x256xf32, #tpu.memory_space<vmem>>, vector<16xf32>,
      %mul3A_523 = arith.constant 2 : i32
      %mul3A_524 = arith.muli %mul3A_523, %add3A_452 : i32
      %add3A_525 = arith.constant 0 : i32
      %add3A_526 = arith.addi %mul3A_524, %add3A_525 : i32
      %get3A_527 = arith.index_cast %add3A_526 : i32 to index
      %get3A_528 = arith.constant 160 : index
      %get3A_529 = tpu.vector_load %arg6[%get3A_527, %get3A_528] {strides = array<i32>} : memref<64x256xf32, #tpu.memory_space<vmem>>, vector<16xf32>,
      %mul3A_530 = arith.constant 2 : i32
      %mul3A_531 = arith.muli %mul3A_530, %add3A_452 : i32
      %add3A_532 = arith.constant 0 : i32
      %add3A_533 = arith.addi %mul3A_531, %add3A_532 : i32
      %get3A_534 = arith.index_cast %add3A_533 : i32 to index
      %get3A_535 = arith.constant 176 : index
      %get3A_536 = tpu.vector_load %arg6[%get3A_534, %get3A_535] {strides = array<i32>} : memref<64x256xf32, #tpu.memory_space<vmem>>, vector<16xf32>,
      %mul3A_537 = arith.constant 2 : i32
      %mul3A_538 = arith.muli %mul3A_537, %add3A_452 : i32
      %add3A_539 = arith.constant 0 : i32
      %add3A_540 = arith.addi %mul3A_538, %add3A_539 : i32
      %get3A_541 = arith.index_cast %add3A_540 : i32 to index
      %get3A_542 = arith.constant 192 : index
      %get3A_543 = tpu.vector_load %arg6[%get3A_541, %get3A_542] {strides = array<i32>} : memref<64x256xf32, #tpu.memory_space<vmem>>, vector<16xf32>,
      %mul3A_544 = arith.constant 2 : i32
      %mul3A_545 = arith.muli %mul3A_544, %add3A_452 : i32
      %add3A_546 = arith.constant 0 : i32
      %add3A_547 = arith.addi %mul3A_545, %add3A_546 : i32
      %get3A_548 = arith.index_cast %add3A_547 : i32 to index
      %get3A_549 = arith.constant 208 : index
      %get3A_550 = tpu.vector_load %arg6[%get3A_548, %get3A_549] {strides = array<i32>} : memref<64x256xf32, #tpu.memory_space<vmem>>, vector<16xf32>,
      %mul3A_551 = arith.constant 2 : i32
      %mul3A_552 = arith.muli %mul3A_551, %add3A_452 : i32
      %add3A_553 = arith.constant 0 : i32
      %add3A_554 = arith.addi %mul3A_552, %add3A_553 : i32
      %get3A_555 = arith.index_cast %add3A_554 : i32 to index
      %get3A_556 = arith.constant 224 : index
      %get3A_557 = tpu.vector_load %arg6[%get3A_555, %get3A_556] {strides = array<i32>} : memref<64x256xf32, #tpu.memory_space<vmem>>, vector<16xf32>,
      %mul3A_558 = arith.constant 2 : i32
      %mul3A_559 = arith.muli %mul3A_558, %add3A_452 : i32
      %add3A_560 = arith.constant 0 : i32
      %add3A_561 = arith.addi %mul3A_559, %add3A_560 : i32
      %get3A_562 = arith.index_cast %add3A_561 : i32 to index
      %get3A_563 = arith.constant 240 : index
      %get3A_564 = tpu.vector_load %arg6[%get3A_562, %get3A_563] {strides = array<i32>} : memref<64x256xf32, #tpu.memory_space<vmem>>, vector<16xf32>,
      %mul3A_565 = arith.constant 2 : i32
      %mul3A_566 = arith.muli %mul3A_565, %add3A_452 : i32
      %add3A_567 = arith.constant 1 : i32
      %add3A_568 = arith.addi %mul3A_566, %add3A_567 : i32
      %get3A_569 = arith.index_cast %add3A_568 : i32 to index
      %get3A_570 = arith.constant 0 : index
      %get3A_571 = tpu.vector_load %arg6[%get3A_569, %get3A_570] {strides = array<i32>} : memref<64x256xf32, #tpu.memory_space<vmem>>, vector<16xf32>,
      %mul3A_572 = arith.constant 2 : i32
      %mul3A_573 = arith.muli %mul3A_572, %add3A_452 : i32
      %add3A_574 = arith.constant 1 : i32
      %add3A_575 = arith.addi %mul3A_573, %add3A_574 : i32
      %get3A_576 = arith.index_cast %add3A_575 : i32 to index
      %get3A_577 = arith.constant 16 : index
      %get3A_578 = tpu.vector_load %arg6[%get3A_576, %get3A_577] {strides = array<i32>} : memref<64x256xf32, #tpu.memory_space<vmem>>, vector<16xf32>,
      %mul3A_579 = arith.constant 2 : i32
      %mul3A_580 = arith.muli %mul3A_579, %add3A_452 : i32
      %add3A_581 = arith.constant 1 : i32
      %add3A_582 = arith.addi %mul3A_580, %add3A_581 : i32
      %get3A_583 = arith.index_cast %add3A_582 : i32 to index
      %get3A_584 = arith.constant 32 : index
      %get3A_585 = tpu.vector_load %arg6[%get3A_583, %get3A_584] {strides = array<i32>} : memref<64x256xf32, #tpu.memory_space<vmem>>, vector<16xf32>,
      %mul3A_586 = arith.constant 2 : i32
      %mul3A_587 = arith.muli %mul3A_586, %add3A_452 : i32
      %add3A_588 = arith.constant 1 : i32
      %add3A_589 = arith.addi %mul3A_587, %add3A_588 : i32
      %get3A_590 = arith.index_cast %add3A_589 : i32 to index
      %get3A_591 = arith.constant 48 : index
      %get3A_592 = tpu.vector_load %arg6[%get3A_590, %get3A_591] {strides = array<i32>} : memref<64x256xf32, #tpu.memory_space<vmem>>, vector<16xf32>,
      %mul3A_593 = arith.constant 2 : i32
      %mul3A_594 = arith.muli %mul3A_593, %add3A_452 : i32
      %add3A_595 = arith.constant 1 : i32
      %add3A_596 = arith.addi %mul3A_594, %add3A_595 : i32
      %get3A_597 = arith.index_cast %add3A_596 : i32 to index
      %get3A_598 = arith.constant 64 : index
      %get3A_599 = tpu.vector_load %arg6[%get3A_597, %get3A_598] {strides = array<i32>} : memref<64x256xf32, #tpu.memory_space<vmem>>, vector<16xf32>,
      %mul3A_600 = arith.constant 2 : i32
      %mul3A_601 = arith.muli %mul3A_600, %add3A_452 : i32
      %add3A_602 = arith.constant 1 : i32
      %add3A_603 = arith.addi %mul3A_601, %add3A_602 : i32
      %get3A_604 = arith.index_cast %add3A_603 : i32 to index
      %get3A_605 = arith.constant 80 : index
      %get3A_606 = tpu.vector_load %arg6[%get3A_604, %get3A_605] {strides = array<i32>} : memref<64x256xf32, #tpu.memory_space<vmem>>, vector<16xf32>,
      %mul3A_607 = arith.constant 2 : i32
      %mul3A_608 = arith.muli %mul3A_607, %add3A_452 : i32
      %add3A_609 = arith.constant 1 : i32
      %add3A_610 = arith.addi %mul3A_608, %add3A_609 : i32
      %get3A_611 = arith.index_cast %add3A_610 : i32 to index
      %get3A_612 = arith.constant 96 : index
      %get3A_613 = tpu.vector_load %arg6[%get3A_611, %get3A_612] {strides = array<i32>} : memref<64x256xf32, #tpu.memory_space<vmem>>, vector<16xf32>,
      %mul3A_614 = arith.constant 2 : i32
      %mul3A_615 = arith.muli %mul3A_614, %add3A_452 : i32
      %add3A_616 = arith.constant 1 : i32
      %add3A_617 = arith.addi %mul3A_615, %add3A_616 : i32
      %get3A_618 = arith.index_cast %add3A_617 : i32 to index
      %get3A_619 = arith.constant 112 : index
      %get3A_620 = tpu.vector_load %arg6[%get3A_618, %get3A_619] {strides = array<i32>} : memref<64x256xf32, #tpu.memory_space<vmem>>, vector<16xf32>,
      %mul3A_621 = arith.constant 2 : i32
      %mul3A_622 = arith.muli %mul3A_621, %add3A_452 : i32
      %add3A_623 = arith.constant 1 : i32
      %add3A_624 = arith.addi %mul3A_622, %add3A_623 : i32
      %get3A_625 = arith.index_cast %add3A_624 : i32 to index
      %get3A_626 = arith.constant 128 : index
      %get3A_627 = tpu.vector_load %arg6[%get3A_625, %get3A_626] {strides = array<i32>} : memref<64x256xf32, #tpu.memory_space<vmem>>, vector<16xf32>,
      %mul3A_628 = arith.constant 2 : i32
      %mul3A_629 = arith.muli %mul3A_628, %add3A_452 : i32
      %add3A_630 = arith.constant 1 : i32
      %add3A_631 = arith.addi %mul3A_629, %add3A_630 : i32
      %get3A_632 = arith.index_cast %add3A_631 : i32 to index
      %get3A_633 = arith.constant 144 : index
      %get3A_634 = tpu.vector_load %arg6[%get3A_632, %get3A_633] {strides = array<i32>} : memref<64x256xf32, #tpu.memory_space<vmem>>, vector<16xf32>,
      %mul3A_635 = arith.constant 2 : i32
      %mul3A_636 = arith.muli %mul3A_635, %add3A_452 : i32
      %add3A_637 = arith.constant 1 : i32
      %add3A_638 = arith.addi %mul3A_636, %add3A_637 : i32
      %get3A_639 = arith.index_cast %add3A_638 : i32 to index
      %get3A_640 = arith.constant 160 : index
      %get3A_641 = tpu.vector_load %arg6[%get3A_639, %get3A_640] {strides = array<i32>} : memref<64x256xf32, #tpu.memory_space<vmem>>, vector<16xf32>,
      %mul3A_642 = arith.constant 2 : i32
      %mul3A_643 = arith.muli %mul3A_642, %add3A_452 : i32
      %add3A_644 = arith.constant 1 : i32
      %add3A_645 = arith.addi %mul3A_643, %add3A_644 : i32
      %get3A_646 = arith.index_cast %add3A_645 : i32 to index
      %get3A_647 = arith.constant 176 : index
      %get3A_648 = tpu.vector_load %arg6[%get3A_646, %get3A_647] {strides = array<i32>} : memref<64x256xf32, #tpu.memory_space<vmem>>, vector<16xf32>,
      %mul3A_649 = arith.constant 2 : i32
      %mul3A_650 = arith.muli %mul3A_649, %add3A_452 : i32
      %add3A_651 = arith.constant 1 : i32
      %add3A_652 = arith.addi %mul3A_650, %add3A_651 : i32
      %get3A_653 = arith.index_cast %add3A_652 : i32 to index
      %get3A_654 = arith.constant 192 : index
      %get3A_655 = tpu.vector_load %arg6[%get3A_653, %get3A_654] {strides = array<i32>} : memref<64x256xf32, #tpu.memory_space<vmem>>, vector<16xf32>,
      %mul3A_656 = arith.constant 2 : i32
      %mul3A_657 = arith.muli %mul3A_656, %add3A_452 : i32
      %add3A_658 = arith.constant 1 : i32
      %add3A_659 = arith.addi %mul3A_657, %add3A_658 : i32
      %get3A_660 = arith.index_cast %add3A_659 : i32 to index
      %get3A_661 = arith.constant 208 : index
      %get3A_662 = tpu.vector_load %arg6[%get3A_660, %get3A_661] {strides = array<i32>} : memref<64x256xf32, #tpu.memory_space<vmem>>, vector<16xf32>,
      %mul3A_663 = arith.constant 2 : i32
      %mul3A_664 = arith.muli %mul3A_663, %add3A_452 : i32
      %add3A_665 = arith.constant 1 : i32
      %add3A_666 = arith.addi %mul3A_664, %add3A_665 : i32
      %get3A_667 = arith.index_cast %add3A_666 : i32 to index
      %get3A_668 = arith.constant 224 : index
      %get3A_669 = tpu.vector_load %arg6[%get3A_667, %get3A_668] {strides = array<i32>} : memref<64x256xf32, #tpu.memory_space<vmem>>, vector<16xf32>,
      %mul3A_670 = arith.constant 2 : i32
      %mul3A_671 = arith.muli %mul3A_670, %add3A_452 : i32
      %add3A_672 = arith.constant 1 : i32
      %add3A_673 = arith.addi %mul3A_671, %add3A_672 : i32
      %get3A_674 = arith.index_cast %add3A_673 : i32 to index
      %get3A_675 = arith.constant 240 : index
      %get3A_676 = tpu.vector_load %arg6[%get3A_674, %get3A_675] {strides = array<i32>} : memref<64x256xf32, #tpu.memory_space<vmem>>, vector<16xf32>,
      %scan3A_677 = arith.constant 0 : i32
      %scan3A_678 = arith.constant 0 : i32
      %scan3A_679 = arith.constant 32 : i32
      %scan3A_680 = arith.addi %scan3A_678, %scan3A_679 : i32
      %scan3A_681 = arith.constant 1 : i32
      scf.for %scan3A_1346 = %scan3A_678 to %scan3A_680 step %scan3A_681  : i32 {
        %swap3A = arith.constant 0 : i32
        %swap3A_1347 = arith.index_cast %swap3A : i32 to index
        %swap3A_1348 = arith.index_cast %scan3A_1346 : i32 to index
        %swap3A_1349 = arith.constant 0 : index
        %swap3A_1350 = tpu.vector_load %arg8[%swap3A_1347, %swap3A_1348, %swap3A_1349] {strides = array<i32>} : memref<2x32x512xf32, #tpu.memory_space<vmem>>, vector<16xf32>,
        tpu.vector_store %arg8[%swap3A_1347, %swap3A_1348, %swap3A_1349], %get3A_459 {strides = array<i32>} : memref<2x32x512xf32, #tpu.memory_space<vmem>>, vector<16xf32>,
        %swap3A_1351 = arith.constant 0 : i32
        %swap3A_1352 = arith.index_cast %swap3A_1351 : i32 to index
        %swap3A_1353 = arith.index_cast %scan3A_1346 : i32 to index
        %swap3A_1354 = arith.constant 16 : index
        %swap3A_1355 = tpu.vector_load %arg8[%swap3A_1352, %swap3A_1353, %swap3A_1354] {strides = array<i32>} : memref<2x32x512xf32, #tpu.memory_space<vmem>>, vector<16xf32>,
        tpu.vector_store %arg8[%swap3A_1352, %swap3A_1353, %swap3A_1354], %get3A_466 {strides = array<i32>} : memref<2x32x512xf32, #tpu.memory_space<vmem>>, vector<16xf32>,
        %swap3A_1356 = arith.constant 0 : i32
        %swap3A_1357 = arith.index_cast %swap3A_1356 : i32 to index
        %swap3A_1358 = arith.index_cast %scan3A_1346 : i32 to index
        %swap3A_1359 = arith.constant 32 : index
        %swap3A_1360 = tpu.vector_load %arg8[%swap3A_1357, %swap3A_1358, %swap3A_1359] {strides = array<i32>} : memref<2x32x512xf32, #tpu.memory_space<vmem>>, vector<16xf32>,
        tpu.vector_store %arg8[%swap3A_1357, %swap3A_1358, %swap3A_1359], %get3A_473 {strides = array<i32>} : memref<2x32x512xf32, #tpu.memory_space<vmem>>, vector<16xf32>,
        %swap3A_1361 = arith.constant 0 : i32
        %swap3A_1362 = arith.index_cast %swap3A_1361 : i32 to index
        %swap3A_1363 = arith.index_cast %scan3A_1346 : i32 to index
        %swap3A_1364 = arith.constant 48 : index
        %swap3A_1365 = tpu.vector_load %arg8[%swap3A_1362, %swap3A_1363, %swap3A_1364] {strides = array<i32>} : memref<2x32x512xf32, #tpu.memory_space<vmem>>, vector<16xf32>,
        tpu.vector_store %arg8[%swap3A_1362, %swap3A_1363, %swap3A_1364], %get3A_480 {strides = array<i32>} : memref<2x32x512xf32, #tpu.memory_space<vmem>>, vector<16xf32>,
        %swap3A_1366 = arith.constant 0 : i32
        %swap3A_1367 = arith.index_cast %swap3A_1366 : i32 to index
        %swap3A_1368 = arith.index_cast %scan3A_1346 : i32 to index
        %swap3A_1369 = arith.constant 64 : index
        %swap3A_1370 = tpu.vector_load %arg8[%swap3A_1367, %swap3A_1368, %swap3A_1369] {strides = array<i32>} : memref<2x32x512xf32, #tpu.memory_space<vmem>>, vector<16xf32>,
        tpu.vector_store %arg8[%swap3A_1367, %swap3A_1368, %swap3A_1369], %get3A_487 {strides = array<i32>} : memref<2x32x512xf32, #tpu.memory_space<vmem>>, vector<16xf32>,
        %swap3A_1371 = arith.constant 0 : i32
        %swap3A_1372 = arith.index_cast %swap3A_1371 : i32 to index
        %swap3A_1373 = arith.index_cast %scan3A_1346 : i32 to index
        %swap3A_1374 = arith.constant 80 : index
        %swap3A_1375 = tpu.vector_load %arg8[%swap3A_1372, %swap3A_1373, %swap3A_1374] {strides = array<i32>} : memref<2x32x512xf32, #tpu.memory_space<vmem>>, vector<16xf32>,
        tpu.vector_store %arg8[%swap3A_1372, %swap3A_1373, %swap3A_1374], %get3A_494 {strides = array<i32>} : memref<2x32x512xf32, #tpu.memory_space<vmem>>, vector<16xf32>,
        %swap3A_1376 = arith.constant 0 : i32
        %swap3A_1377 = arith.index_cast %swap3A_1376 : i32 to index
        %swap3A_1378 = arith.index_cast %scan3A_1346 : i32 to index
        %swap3A_1379 = arith.constant 96 : index
        %swap3A_1380 = tpu.vector_load %arg8[%swap3A_1377, %swap3A_1378, %swap3A_1379] {strides = array<i32>} : memref<2x32x512xf32, #tpu.memory_space<vmem>>, vector<16xf32>,
        tpu.vector_store %arg8[%swap3A_1377, %swap3A_1378, %swap3A_1379], %get3A_501 {strides = array<i32>} : memref<2x32x512xf32, #tpu.memory_space<vmem>>, vector<16xf32>,
        %swap3A_1381 = arith.constant 0 : i32
        %swap3A_1382 = arith.index_cast %swap3A_1381 : i32 to index
        %swap3A_1383 = arith.index_cast %scan3A_1346 : i32 to index
        %swap3A_1384 = arith.constant 112 : index
        %swap3A_1385 = tpu.vector_load %arg8[%swap3A_1382, %swap3A_1383, %swap3A_1384] {strides = array<i32>} : memref<2x32x512xf32, #tpu.memory_space<vmem>>, vector<16xf32>,
        tpu.vector_store %arg8[%swap3A_1382, %swap3A_1383, %swap3A_1384], %get3A_508 {strides = array<i32>} : memref<2x32x512xf32, #tpu.memory_space<vmem>>, vector<16xf32>,
        %swap3A_1386 = arith.constant 0 : i32
        %swap3A_1387 = arith.index_cast %swap3A_1386 : i32 to index
        %swap3A_1388 = arith.index_cast %scan3A_1346 : i32 to index
        %swap3A_1389 = arith.constant 128 : index
        %swap3A_1390 = tpu.vector_load %arg8[%swap3A_1387, %swap3A_1388, %swap3A_1389] {strides = array<i32>} : memref<2x32x512xf32, #tpu.memory_space<vmem>>, vector<16xf32>,
        tpu.vector_store %arg8[%swap3A_1387, %swap3A_1388, %swap3A_1389], %get3A_515 {strides = array<i32>} : memref<2x32x512xf32, #tpu.memory_space<vmem>>, vector<16xf32>,
        %swap3A_1391 = arith.constant 0 : i32
        %swap3A_1392 = arith.index_cast %swap3A_1391 : i32 to index
        %swap3A_1393 = arith.index_cast %scan3A_1346 : i32 to index
        %swap3A_1394 = arith.constant 144 : index
        %swap3A_1395 = tpu.vector_load %arg8[%swap3A_1392, %swap3A_1393, %swap3A_1394] {strides = array<i32>} : memref<2x32x512xf32, #tpu.memory_space<vmem>>, vector<16xf32>,
        tpu.vector_store %arg8[%swap3A_1392, %swap3A_1393, %swap3A_1394], %get3A_522 {strides = array<i32>} : memref<2x32x512xf32, #tpu.memory_space<vmem>>, vector<16xf32>,
        %swap3A_1396 = arith.constant 0 : i32
        %swap3A_1397 = arith.index_cast %swap3A_1396 : i32 to index
        %swap3A_1398 = arith.index_cast %scan3A_1346 : i32 to index
        %swap3A_1399 = arith.constant 160 : index
        %swap3A_1400 = tpu.vector_load %arg8[%swap3A_1397, %swap3A_1398, %swap3A_1399] {strides = array<i32>} : memref<2x32x512xf32, #tpu.memory_space<vmem>>, vector<16xf32>,
        tpu.vector_store %arg8[%swap3A_1397, %swap3A_1398, %swap3A_1399], %get3A_529 {strides = array<i32>} : memref<2x32x512xf32, #tpu.memory_space<vmem>>, vector<16xf32>,
        %swap3A_1401 = arith.constant 0 : i32
        %swap3A_1402 = arith.index_cast %swap3A_1401 : i32 to index
        %swap3A_1403 = arith.index_cast %scan3A_1346 : i32 to index
        %swap3A_1404 = arith.constant 176 : index
        %swap3A_1405 = tpu.vector_load %arg8[%swap3A_1402, %swap3A_1403, %swap3A_1404] {strides = array<i32>} : memref<2x32x512xf32, #tpu.memory_space<vmem>>, vector<16xf32>,
        tpu.vector_store %arg8[%swap3A_1402, %swap3A_1403, %swap3A_1404], %get3A_536 {strides = array<i32>} : memref<2x32x512xf32, #tpu.memory_space<vmem>>, vector<16xf32>,
        %swap3A_1406 = arith.constant 0 : i32
        %swap3A_1407 = arith.index_cast %swap3A_1406 : i32 to index
        %swap3A_1408 = arith.index_cast %scan3A_1346 : i32 to index
        %swap3A_1409 = arith.constant 192 : index
        %swap3A_1410 = tpu.vector_load %arg8[%swap3A_1407, %swap3A_1408, %swap3A_1409] {strides = array<i32>} : memref<2x32x512xf32, #tpu.memory_space<vmem>>, vector<16xf32>,
        tpu.vector_store %arg8[%swap3A_1407, %swap3A_1408, %swap3A_1409], %get3A_543 {strides = array<i32>} : memref<2x32x512xf32, #tpu.memory_space<vmem>>, vector<16xf32>,
        %swap3A_1411 = arith.constant 0 : i32
        %swap3A_1412 = arith.index_cast %swap3A_1411 : i32 to index
        %swap3A_1413 = arith.index_cast %scan3A_1346 : i32 to index
        %swap3A_1414 = arith.constant 208 : index
        %swap3A_1415 = tpu.vector_load %arg8[%swap3A_1412, %swap3A_1413, %swap3A_1414] {strides = array<i32>} : memref<2x32x512xf32, #tpu.memory_space<vmem>>, vector<16xf32>,
        tpu.vector_store %arg8[%swap3A_1412, %swap3A_1413, %swap3A_1414], %get3A_550 {strides = array<i32>} : memref<2x32x512xf32, #tpu.memory_space<vmem>>, vector<16xf32>,
        %swap3A_1416 = arith.constant 0 : i32
        %swap3A_1417 = arith.index_cast %swap3A_1416 : i32 to index
        %swap3A_1418 = arith.index_cast %scan3A_1346 : i32 to index
        %swap3A_1419 = arith.constant 224 : index
        %swap3A_1420 = tpu.vector_load %arg8[%swap3A_1417, %swap3A_1418, %swap3A_1419] {strides = array<i32>} : memref<2x32x512xf32, #tpu.memory_space<vmem>>, vector<16xf32>,
        tpu.vector_store %arg8[%swap3A_1417, %swap3A_1418, %swap3A_1419], %get3A_557 {strides = array<i32>} : memref<2x32x512xf32, #tpu.memory_space<vmem>>, vector<16xf32>,
        %swap3A_1421 = arith.constant 0 : i32
        %swap3A_1422 = arith.index_cast %swap3A_1421 : i32 to index
        %swap3A_1423 = arith.index_cast %scan3A_1346 : i32 to index
        %swap3A_1424 = arith.constant 240 : index
        %swap3A_1425 = tpu.vector_load %arg8[%swap3A_1422, %swap3A_1423, %swap3A_1424] {strides = array<i32>} : memref<2x32x512xf32, #tpu.memory_space<vmem>>, vector<16xf32>,
        tpu.vector_store %arg8[%swap3A_1422, %swap3A_1423, %swap3A_1424], %get3A_564 {strides = array<i32>} : memref<2x32x512xf32, #tpu.memory_space<vmem>>, vector<16xf32>,
        %swap3A_1426 = arith.constant 1 : i32
        %swap3A_1427 = arith.index_cast %swap3A_1426 : i32 to index
        %swap3A_1428 = arith.index_cast %scan3A_1346 : i32 to index
        %swap3A_1429 = arith.constant 0 : index
        %swap3A_1430 = tpu.vector_load %arg8[%swap3A_1427, %swap3A_1428, %swap3A_1429] {strides = array<i32>} : memref<2x32x512xf32, #tpu.memory_space<vmem>>, vector<16xf32>,
        tpu.vector_store %arg8[%swap3A_1427, %swap3A_1428, %swap3A_1429], %get3A_571 {strides = array<i32>} : memref<2x32x512xf32, #tpu.memory_space<vmem>>, vector<16xf32>,
        %swap3A_1431 = arith.constant 1 : i32
        %swap3A_1432 = arith.index_cast %swap3A_1431 : i32 to index
        %swap3A_1433 = arith.index_cast %scan3A_1346 : i32 to index
        %swap3A_1434 = arith.constant 16 : index
        %swap3A_1435 = tpu.vector_load %arg8[%swap3A_1432, %swap3A_1433, %swap3A_1434] {strides = array<i32>} : memref<2x32x512xf32, #tpu.memory_space<vmem>>, vector<16xf32>,
        tpu.vector_store %arg8[%swap3A_1432, %swap3A_1433, %swap3A_1434], %get3A_578 {strides = array<i32>} : memref<2x32x512xf32, #tpu.memory_space<vmem>>, vector<16xf32>,
        %swap3A_1436 = arith.constant 1 : i32
        %swap3A_1437 = arith.index_cast %swap3A_1436 : i32 to index
        %swap3A_1438 = arith.index_cast %scan3A_1346 : i32 to index
        %swap3A_1439 = arith.constant 32 : index
        %swap3A_1440 = tpu.vector_load %arg8[%swap3A_1437, %swap3A_1438, %swap3A_1439] {strides = array<i32>} : memref<2x32x512xf32, #tpu.memory_space<vmem>>, vector<16xf32>,
        tpu.vector_store %arg8[%swap3A_1437, %swap3A_1438, %swap3A_1439], %get3A_585 {strides = array<i32>} : memref<2x32x512xf32, #tpu.memory_space<vmem>>, vector<16xf32>,
        %swap3A_1441 = arith.constant 1 : i32
        %swap3A_1442 = arith.index_cast %swap3A_1441 : i32 to index
        %swap3A_1443 = arith.index_cast %scan3A_1346 : i32 to index
        %swap3A_1444 = arith.constant 48 : index
        %swap3A_1445 = tpu.vector_load %arg8[%swap3A_1442, %swap3A_1443, %swap3A_1444] {strides = array<i32>} : memref<2x32x512xf32, #tpu.memory_space<vmem>>, vector<16xf32>,
        tpu.vector_store %arg8[%swap3A_1442, %swap3A_1443, %swap3A_1444], %get3A_592 {strides = array<i32>} : memref<2x32x512xf32, #tpu.memory_space<vmem>>, vector<16xf32>,
        %swap3A_1446 = arith.constant 1 : i32
        %swap3A_1447 = arith.index_cast %swap3A_1446 : i32 to index
        %swap3A_1448 = arith.index_cast %scan3A_1346 : i32 to index
        %swap3A_1449 = arith.constant 64 : index
        %swap3A_1450 = tpu.vector_load %arg8[%swap3A_1447, %swap3A_1448, %swap3A_1449] {strides = array<i32>} : memref<2x32x512xf32, #tpu.memory_space<vmem>>, vector<16xf32>,
        tpu.vector_store %arg8[%swap3A_1447, %swap3A_1448, %swap3A_1449], %get3A_599 {strides = array<i32>} : memref<2x32x512xf32, #tpu.memory_space<vmem>>, vector<16xf32>,
        %swap3A_1451 = arith.constant 1 : i32
        %swap3A_1452 = arith.index_cast %swap3A_1451 : i32 to index
        %swap3A_1453 = arith.index_cast %scan3A_1346 : i32 to index
        %swap3A_1454 = arith.constant 80 : index
        %swap3A_1455 = tpu.vector_load %arg8[%swap3A_1452, %swap3A_1453, %swap3A_1454] {strides = array<i32>} : memref<2x32x512xf32, #tpu.memory_space<vmem>>, vector<16xf32>,
        tpu.vector_store %arg8[%swap3A_1452, %swap3A_1453, %swap3A_1454], %get3A_606 {strides = array<i32>} : memref<2x32x512xf32, #tpu.memory_space<vmem>>, vector<16xf32>,
        %swap3A_1456 = arith.constant 1 : i32
        %swap3A_1457 = arith.index_cast %swap3A_1456 : i32 to index
        %swap3A_1458 = arith.index_cast %scan3A_1346 : i32 to index
        %swap3A_1459 = arith.constant 96 : index
        %swap3A_1460 = tpu.vector_load %arg8[%swap3A_1457, %swap3A_1458, %swap3A_1459] {strides = array<i32>} : memref<2x32x512xf32, #tpu.memory_space<vmem>>, vector<16xf32>,
        tpu.vector_store %arg8[%swap3A_1457, %swap3A_1458, %swap3A_1459], %get3A_613 {strides = array<i32>} : memref<2x32x512xf32, #tpu.memory_space<vmem>>, vector<16xf32>,
        %swap3A_1461 = arith.constant 1 : i32
        %swap3A_1462 = arith.index_cast %swap3A_1461 : i32 to index
        %swap3A_1463 = arith.index_cast %scan3A_1346 : i32 to index
        %swap3A_1464 = arith.constant 112 : index
        %swap3A_1465 = tpu.vector_load %arg8[%swap3A_1462, %swap3A_1463, %swap3A_1464] {strides = array<i32>} : memref<2x32x512xf32, #tpu.memory_space<vmem>>, vector<16xf32>,
        tpu.vector_store %arg8[%swap3A_1462, %swap3A_1463, %swap3A_1464], %get3A_620 {strides = array<i32>} : memref<2x32x512xf32, #tpu.memory_space<vmem>>, vector<16xf32>,
        %swap3A_1466 = arith.constant 1 : i32
        %swap3A_1467 = arith.index_cast %swap3A_1466 : i32 to index
        %swap3A_1468 = arith.index_cast %scan3A_1346 : i32 to index
        %swap3A_1469 = arith.constant 128 : index
        %swap3A_1470 = tpu.vector_load %arg8[%swap3A_1467, %swap3A_1468, %swap3A_1469] {strides = array<i32>} : memref<2x32x512xf32, #tpu.memory_space<vmem>>, vector<16xf32>,
        tpu.vector_store %arg8[%swap3A_1467, %swap3A_1468, %swap3A_1469], %get3A_627 {strides = array<i32>} : memref<2x32x512xf32, #tpu.memory_space<vmem>>, vector<16xf32>,
        %swap3A_1471 = arith.constant 1 : i32
        %swap3A_1472 = arith.index_cast %swap3A_1471 : i32 to index
        %swap3A_1473 = arith.index_cast %scan3A_1346 : i32 to index
        %swap3A_1474 = arith.constant 144 : index
        %swap3A_1475 = tpu.vector_load %arg8[%swap3A_1472, %swap3A_1473, %swap3A_1474] {strides = array<i32>} : memref<2x32x512xf32, #tpu.memory_space<vmem>>, vector<16xf32>,
        tpu.vector_store %arg8[%swap3A_1472, %swap3A_1473, %swap3A_1474], %get3A_634 {strides = array<i32>} : memref<2x32x512xf32, #tpu.memory_space<vmem>>, vector<16xf32>,
        %swap3A_1476 = arith.constant 1 : i32
        %swap3A_1477 = arith.index_cast %swap3A_1476 : i32 to index
        %swap3A_1478 = arith.index_cast %scan3A_1346 : i32 to index
        %swap3A_1479 = arith.constant 160 : index
        %swap3A_1480 = tpu.vector_load %arg8[%swap3A_1477, %swap3A_1478, %swap3A_1479] {strides = array<i32>} : memref<2x32x512xf32, #tpu.memory_space<vmem>>, vector<16xf32>,
        tpu.vector_store %arg8[%swap3A_1477, %swap3A_1478, %swap3A_1479], %get3A_641 {strides = array<i32>} : memref<2x32x512xf32, #tpu.memory_space<vmem>>, vector<16xf32>,
        %swap3A_1481 = arith.constant 1 : i32
        %swap3A_1482 = arith.index_cast %swap3A_1481 : i32 to index
        %swap3A_1483 = arith.index_cast %scan3A_1346 : i32 to index
        %swap3A_1484 = arith.constant 176 : index
        %swap3A_1485 = tpu.vector_load %arg8[%swap3A_1482, %swap3A_1483, %swap3A_1484] {strides = array<i32>} : memref<2x32x512xf32, #tpu.memory_space<vmem>>, vector<16xf32>,
        tpu.vector_store %arg8[%swap3A_1482, %swap3A_1483, %swap3A_1484], %get3A_648 {strides = array<i32>} : memref<2x32x512xf32, #tpu.memory_space<vmem>>, vector<16xf32>,
        %swap3A_1486 = arith.constant 1 : i32
        %swap3A_1487 = arith.index_cast %swap3A_1486 : i32 to index
        %swap3A_1488 = arith.index_cast %scan3A_1346 : i32 to index
        %swap3A_1489 = arith.constant 192 : index
        %swap3A_1490 = tpu.vector_load %arg8[%swap3A_1487, %swap3A_1488, %swap3A_1489] {strides = array<i32>} : memref<2x32x512xf32, #tpu.memory_space<vmem>>, vector<16xf32>,
        tpu.vector_store %arg8[%swap3A_1487, %swap3A_1488, %swap3A_1489], %get3A_655 {strides = array<i32>} : memref<2x32x512xf32, #tpu.memory_space<vmem>>, vector<16xf32>,
        %swap3A_1491 = arith.constant 1 : i32
        %swap3A_1492 = arith.index_cast %swap3A_1491 : i32 to index
        %swap3A_1493 = arith.index_cast %scan3A_1346 : i32 to index
        %swap3A_1494 = arith.constant 208 : index
        %swap3A_1495 = tpu.vector_load %arg8[%swap3A_1492, %swap3A_1493, %swap3A_1494] {strides = array<i32>} : memref<2x32x512xf32, #tpu.memory_space<vmem>>, vector<16xf32>,
        tpu.vector_store %arg8[%swap3A_1492, %swap3A_1493, %swap3A_1494], %get3A_662 {strides = array<i32>} : memref<2x32x512xf32, #tpu.memory_space<vmem>>, vector<16xf32>,
        %swap3A_1496 = arith.constant 1 : i32
        %swap3A_1497 = arith.index_cast %swap3A_1496 : i32 to index
        %swap3A_1498 = arith.index_cast %scan3A_1346 : i32 to index
        %swap3A_1499 = arith.constant 224 : index
        %swap3A_1500 = tpu.vector_load %arg8[%swap3A_1497, %swap3A_1498, %swap3A_1499] {strides = array<i32>} : memref<2x32x512xf32, #tpu.memory_space<vmem>>, vector<16xf32>,
        tpu.vector_store %arg8[%swap3A_1497, %swap3A_1498, %swap3A_1499], %get3A_669 {strides = array<i32>} : memref<2x32x512xf32, #tpu.memory_space<vmem>>, vector<16xf32>,
        %swap3A_1501 = arith.constant 1 : i32
        %swap3A_1502 = arith.index_cast %swap3A_1501 : i32 to index
        %swap3A_1503 = arith.index_cast %scan3A_1346 : i32 to index
        %swap3A_1504 = arith.constant 240 : index
        %swap3A_1505 = tpu.vector_load %arg8[%swap3A_1502, %swap3A_1503, %swap3A_1504] {strides = array<i32>} : memref<2x32x512xf32, #tpu.memory_space<vmem>>, vector<16xf32>,
        tpu.vector_store %arg8[%swap3A_1502, %swap3A_1503, %swap3A_1504], %get3A_676 {strides = array<i32>} : memref<2x32x512xf32, #tpu.memory_space<vmem>>, vector<16xf32>,
      }
      %scan3A_682 = arith.constant 32 : i32
      %mul3A_683 = arith.constant 2 : i32
      %mul3A_684 = arith.muli %mul3A_683, %add3A_416 : i32
      %add3A_685 = arith.constant 0 : i32
      %add3A_686 = arith.addi %mul3A_684, %add3A_685 : i32
      %mul3A_687 = arith.constant 32 : i32
      %mul3A_688 = arith.muli %add3A_686, %mul3A_687 : i32
      %dma_wait3A_689 = arith.constant 0 : i32
      %dma_wait3A_690 = arith.constant 0 : i32
      %dma_wait3A_691 = arith.constant 256 : i32
      %dma_wait3A_692 = tpu.memref_slice %arg7[%dma_wait3A_689, %dma_wait3A_690, %dma_wait3A_691] : memref<2x32x512xf32, #tpu.memory_space<vmem>> -> memref<1x32x256xf32, #tpu.memory_space<vmem>>
      %dma_wait3A_693 = tpu.memref_squeeze %dma_wait3A_692 : memref<1x32x256xf32, #tpu.memory_space<vmem>> -> memref<32x256xf32, #tpu.memory_space<vmem>>
      %dma_wait3A_694 = tpu.memref_slice %arg5[%mul3A_688] : memref<2048xi32, #tpu.memory_space<vmem>> -> memref<32xi32, #tpu.memory_space<vmem>>
      %dma_wait3A_695 = arith.constant 0 : i32
      %dma_wait3A_696 = arith.constant 0 : i32
      %dma_wait3A_697 = tpu.memref_slice %arg2[%dma_wait3A_695, %dma_wait3A_696] : memref<5000x256xf32, #tpu.memory_space<hbm>> -> memref<5000x256xf32, #tpu.memory_space<hbm>>
      tpu.wait_indirect_dma semaphore(%arg10 : memref<!tpu.dma_semaphore, #tpu.memory_space<semaphore_mem>>) src(%dma_wait3A_697 : memref<5000x256xf32, #tpu.memory_space<hbm>>) dst(%dma_wait3A_693 : memref<32x256xf32, #tpu.memory_space<vmem>>)
      %mul3A_698 = arith.constant 2 : i32
      %mul3A_699 = arith.muli %mul3A_698, %add3A_416 : i32
      %add3A_700 = arith.constant 1 : i32
      %add3A_701 = arith.addi %mul3A_699, %add3A_700 : i32
      %mul3A_702 = arith.constant 32 : i32
      %mul3A_703 = arith.muli %add3A_701, %mul3A_702 : i32
      %dma_wait3A_704 = arith.constant 1 : i32
      %dma_wait3A_705 = arith.constant 0 : i32
      %dma_wait3A_706 = arith.constant 256 : i32
      %dma_wait3A_707 = tpu.memref_slice %arg7[%dma_wait3A_704, %dma_wait3A_705, %dma_wait3A_706] : memref<2x32x512xf32, #tpu.memory_space<vmem>> -> memref<1x32x256xf32, #tpu.memory_space<vmem>>
      %dma_wait3A_708 = tpu.memref_squeeze %dma_wait3A_707 : memref<1x32x256xf32, #tpu.memory_space<vmem>> -> memref<32x256xf32, #tpu.memory_space<vmem>>
      %dma_wait3A_709 = tpu.memref_slice %arg5[%mul3A_703] : memref<2048xi32, #tpu.memory_space<vmem>> -> memref<32xi32, #tpu.memory_space<vmem>>
      %dma_wait3A_710 = arith.constant 0 : i32
      %dma_wait3A_711 = arith.constant 0 : i32
      %dma_wait3A_712 = tpu.memref_slice %arg2[%dma_wait3A_710, %dma_wait3A_711] : memref<5000x256xf32, #tpu.memory_space<hbm>> -> memref<5000x256xf32, #tpu.memory_space<hbm>>
      tpu.wait_indirect_dma semaphore(%arg10 : memref<!tpu.dma_semaphore, #tpu.memory_space<semaphore_mem>>) src(%dma_wait3A_712 : memref<5000x256xf32, #tpu.memory_space<hbm>>) dst(%dma_wait3A_708 : memref<32x256xf32, #tpu.memory_space<vmem>>)
      %mul3A_713 = arith.constant 2 : i32
      %mul3A_714 = arith.muli %mul3A_713, %add3A_416 : i32
      %add3A_715 = arith.addi %mul3A_2, %mul3A_714 : i32
      %dma_start3A_716 = arith.constant 0 : i32
      %dma_start3A_717 = arith.constant 0 : i32
      %dma_start3A_718 = tpu.memref_slice %arg4[%add3A_715, %dma_start3A_716, %dma_start3A_717] : memref<2048x32x512xf32, #tpu.memory_space<hbm>> -> memref<2x32x512xf32, #tpu.memory_space<hbm>>
      %dma_start3A_719 = arith.constant 0 : i32
      %dma_start3A_720 = arith.constant 0 : i32
      %dma_start3A_721 = tpu.memref_slice %arg4[%add3A_715, %dma_start3A_719, %dma_start3A_720] : memref<2048x32x512xf32, #tpu.memory_space<hbm>> -> memref<2x32x512xf32, #tpu.memory_space<hbm>>
      tpu.enqueue_dma source(%arg7 : memref<2x32x512xf32, #tpu.memory_space<vmem>>) target(%dma_start3A_721 : memref<2x32x512xf32, #tpu.memory_space<hbm>>) target_semaphore(%arg13 : memref<!tpu.dma_semaphore, #tpu.memory_space<semaphore_mem>>)
      %mul3A_722 = arith.constant 3 : i32
      %mul3A_723 = arith.muli %mul3A_722, %scan3A_412 : i32
      %add3A_724 = arith.constant 1 : i32
      %add3A_725 = arith.addi %mul3A_723, %add3A_724 : i32
      %ge3A_726 = arith.constant 2 : i32
      %ge3A_727 = arith.cmpi sge, %add3A_725, %ge3A_726 : i32
      %convert_element_type3A_728 = arith.extui %ge3A_727 : i1 to i32
      %cond3A_729 = arith.constant 0 : i32
      %cond3A_730 = arith.cmpi ne, %convert_element_type3A_728, %cond3A_729 : i32
      scf.if %cond3A_730 {
        %sub3A = arith.constant 2 : i32
        %sub3A_1346 = arith.subi %add3A_725, %sub3A : i32
        %mul3A_1347 = arith.constant 2 : i32
        %mul3A_1348 = arith.muli %mul3A_1347, %sub3A_1346 : i32
        %add3A_1349 = arith.addi %mul3A_2, %mul3A_1348 : i32
        %dma_wait3A_1350 = arith.constant 0 : i32
        %dma_wait3A_1351 = arith.constant 0 : i32
        %dma_wait3A_1352 = tpu.memref_slice %arg4[%add3A_1349, %dma_wait3A_1350, %dma_wait3A_1351] : memref<2048x32x512xf32, #tpu.memory_space<hbm>> -> memref<2x32x512xf32, #tpu.memory_space<hbm>>
        %dma_wait3A_1353 = arith.constant 0 : i32
        %dma_wait3A_1354 = arith.constant 0 : i32
        %dma_wait3A_1355 = tpu.memref_slice %arg4[%add3A_1349, %dma_wait3A_1353, %dma_wait3A_1354] : memref<2048x32x512xf32, #tpu.memory_space<hbm>> -> memref<2x32x512xf32, #tpu.memory_space<hbm>>
        tpu.wait_dma2 semaphore(%arg15 : memref<!tpu.dma_semaphore, #tpu.memory_space<semaphore_mem>>) src(%arg9 : memref<2x32x512xf32, #tpu.memory_space<vmem>>) dst(%dma_wait3A_1355 : memref<2x32x512xf32, #tpu.memory_space<hbm>>)
      } else {
      }
      %add3A_731 = arith.constant 1 : i32
      %add3A_732 = arith.addi %add3A_725, %add3A_731 : i32
      %mul3A_733 = arith.constant 2 : i32
      %mul3A_734 = arith.muli %mul3A_733, %add3A_732 : i32
      %add3A_735 = arith.constant 0 : i32
      %add3A_736 = arith.addi %mul3A_734, %add3A_735 : i32
      %mul3A_737 = arith.constant 32 : i32
      %mul3A_738 = arith.muli %add3A_736, %mul3A_737 : i32
      %dma_start3A_739 = arith.constant 0 : i32
      %dma_start3A_740 = arith.constant 0 : i32
      %dma_start3A_741 = arith.constant 256 : i32
      %dma_start3A_742 = tpu.memref_slice %arg9[%dma_start3A_739, %dma_start3A_740, %dma_start3A_741] : memref<2x32x512xf32, #tpu.memory_space<vmem>> -> memref<1x32x256xf32, #tpu.memory_space<vmem>>
      %dma_start3A_743 = tpu.memref_squeeze %dma_start3A_742 : memref<1x32x256xf32, #tpu.memory_space<vmem>> -> memref<32x256xf32, #tpu.memory_space<vmem>>
      %dma_start3A_744 = tpu.memref_slice %arg5[%mul3A_738] : memref<2048xi32, #tpu.memory_space<vmem>> -> memref<32xi32, #tpu.memory_space<vmem>>
      %dma_start3A_745 = arith.constant 0 : i32
      %dma_start3A_746 = arith.constant 0 : i32
      %dma_start3A_747 = tpu.memref_slice %arg2[%dma_start3A_745, %dma_start3A_746] : memref<5000x256xf32, #tpu.memory_space<hbm>> -> memref<5000x256xf32, #tpu.memory_space<hbm>>
      tpu.enqueue_indirect_dma source(%dma_start3A_747 : memref<5000x256xf32, #tpu.memory_space<hbm>>) target(%dma_start3A_743 : memref<32x256xf32, #tpu.memory_space<vmem>>) offsets(%dma_start3A_744 : memref<32xi32, #tpu.memory_space<vmem>>) semaphore(%arg12 : memref<!tpu.dma_semaphore, #tpu.memory_space<semaphore_mem>>)
      %mul3A_748 = arith.constant 2 : i32
      %mul3A_749 = arith.muli %mul3A_748, %add3A_732 : i32
      %add3A_750 = arith.constant 1 : i32
      %add3A_751 = arith.addi %mul3A_749, %add3A_750 : i32
      %mul3A_752 = arith.constant 32 : i32
      %mul3A_753 = arith.muli %add3A_751, %mul3A_752 : i32
      %dma_start3A_754 = arith.constant 1 : i32
      %dma_start3A_755 = arith.constant 0 : i32
      %dma_start3A_756 = arith.constant 256 : i32
      %dma_start3A_757 = tpu.memref_slice %arg9[%dma_start3A_754, %dma_start3A_755, %dma_start3A_756] : memref<2x32x512xf32, #tpu.memory_space<vmem>> -> memref<1x32x256xf32, #tpu.memory_space<vmem>>
      %dma_start3A_758 = tpu.memref_squeeze %dma_start3A_757 : memref<1x32x256xf32, #tpu.memory_space<vmem>> -> memref<32x256xf32, #tpu.memory_space<vmem>>
      %dma_start3A_759 = tpu.memref_slice %arg5[%mul3A_753] : memref<2048xi32, #tpu.memory_space<vmem>> -> memref<32xi32, #tpu.memory_space<vmem>>
      %dma_start3A_760 = arith.constant 0 : i32
      %dma_start3A_761 = arith.constant 0 : i32
      %dma_start3A_762 = tpu.memref_slice %arg2[%dma_start3A_760, %dma_start3A_761] : memref<5000x256xf32, #tpu.memory_space<hbm>> -> memref<5000x256xf32, #tpu.memory_space<hbm>>
      tpu.enqueue_indirect_dma source(%dma_start3A_762 : memref<5000x256xf32, #tpu.memory_space<hbm>>) target(%dma_start3A_758 : memref<32x256xf32, #tpu.memory_space<vmem>>) offsets(%dma_start3A_759 : memref<32xi32, #tpu.memory_space<vmem>>) semaphore(%arg12 : memref<!tpu.dma_semaphore, #tpu.memory_space<semaphore_mem>>)
      %add3A_763 = arith.constant 1 : i32
      %add3A_764 = arith.addi %add3A_725, %add3A_763 : i32
      %mul3A_765 = arith.constant 2 : i32
      %mul3A_766 = arith.muli %mul3A_765, %add3A_764 : i32
      %add3A_767 = arith.constant 0 : i32
      %add3A_768 = arith.addi %mul3A_766, %add3A_767 : i32
      %get3A_769 = arith.index_cast %add3A_768 : i32 to index
      %get3A_770 = arith.constant 0 : index
      %get3A_771 = tpu.vector_load %arg6[%get3A_769, %get3A_770] {strides = array<i32>} : memref<64x256xf32, #tpu.memory_space<vmem>>, vector<16xf32>,
      %mul3A_772 = arith.constant 2 : i32
      %mul3A_773 = arith.muli %mul3A_772, %add3A_764 : i32
      %add3A_774 = arith.constant 0 : i32
      %add3A_775 = arith.addi %mul3A_773, %add3A_774 : i32
      %get3A_776 = arith.index_cast %add3A_775 : i32 to index
      %get3A_777 = arith.constant 16 : index
      %get3A_778 = tpu.vector_load %arg6[%get3A_776, %get3A_777] {strides = array<i32>} : memref<64x256xf32, #tpu.memory_space<vmem>>, vector<16xf32>,
      %mul3A_779 = arith.constant 2 : i32
      %mul3A_780 = arith.muli %mul3A_779, %add3A_764 : i32
      %add3A_781 = arith.constant 0 : i32
      %add3A_782 = arith.addi %mul3A_780, %add3A_781 : i32
      %get3A_783 = arith.index_cast %add3A_782 : i32 to index
      %get3A_784 = arith.constant 32 : index
      %get3A_785 = tpu.vector_load %arg6[%get3A_783, %get3A_784] {strides = array<i32>} : memref<64x256xf32, #tpu.memory_space<vmem>>, vector<16xf32>,
      %mul3A_786 = arith.constant 2 : i32
      %mul3A_787 = arith.muli %mul3A_786, %add3A_764 : i32
      %add3A_788 = arith.constant 0 : i32
      %add3A_789 = arith.addi %mul3A_787, %add3A_788 : i32
      %get3A_790 = arith.index_cast %add3A_789 : i32 to index
      %get3A_791 = arith.constant 48 : index
      %get3A_792 = tpu.vector_load %arg6[%get3A_790, %get3A_791] {strides = array<i32>} : memref<64x256xf32, #tpu.memory_space<vmem>>, vector<16xf32>,
      %mul3A_793 = arith.constant 2 : i32
      %mul3A_794 = arith.muli %mul3A_793, %add3A_764 : i32
      %add3A_795 = arith.constant 0 : i32
      %add3A_796 = arith.addi %mul3A_794, %add3A_795 : i32
      %get3A_797 = arith.index_cast %add3A_796 : i32 to index
      %get3A_798 = arith.constant 64 : index
      %get3A_799 = tpu.vector_load %arg6[%get3A_797, %get3A_798] {strides = array<i32>} : memref<64x256xf32, #tpu.memory_space<vmem>>, vector<16xf32>,
      %mul3A_800 = arith.constant 2 : i32
      %mul3A_801 = arith.muli %mul3A_800, %add3A_764 : i32
      %add3A_802 = arith.constant 0 : i32
      %add3A_803 = arith.addi %mul3A_801, %add3A_802 : i32
      %get3A_804 = arith.index_cast %add3A_803 : i32 to index
      %get3A_805 = arith.constant 80 : index
      %get3A_806 = tpu.vector_load %arg6[%get3A_804, %get3A_805] {strides = array<i32>} : memref<64x256xf32, #tpu.memory_space<vmem>>, vector<16xf32>,
      %mul3A_807 = arith.constant 2 : i32
      %mul3A_808 = arith.muli %mul3A_807, %add3A_764 : i32
      %add3A_809 = arith.constant 0 : i32
      %add3A_810 = arith.addi %mul3A_808, %add3A_809 : i32
      %get3A_811 = arith.index_cast %add3A_810 : i32 to index
      %get3A_812 = arith.constant 96 : index
      %get3A_813 = tpu.vector_load %arg6[%get3A_811, %get3A_812] {strides = array<i32>} : memref<64x256xf32, #tpu.memory_space<vmem>>, vector<16xf32>,
      %mul3A_814 = arith.constant 2 : i32
      %mul3A_815 = arith.muli %mul3A_814, %add3A_764 : i32
      %add3A_816 = arith.constant 0 : i32
      %add3A_817 = arith.addi %mul3A_815, %add3A_816 : i32
      %get3A_818 = arith.index_cast %add3A_817 : i32 to index
      %get3A_819 = arith.constant 112 : index
      %get3A_820 = tpu.vector_load %arg6[%get3A_818, %get3A_819] {strides = array<i32>} : memref<64x256xf32, #tpu.memory_space<vmem>>, vector<16xf32>,
      %mul3A_821 = arith.constant 2 : i32
      %mul3A_822 = arith.muli %mul3A_821, %add3A_764 : i32
      %add3A_823 = arith.constant 0 : i32
      %add3A_824 = arith.addi %mul3A_822, %add3A_823 : i32
      %get3A_825 = arith.index_cast %add3A_824 : i32 to index
      %get3A_826 = arith.constant 128 : index
      %get3A_827 = tpu.vector_load %arg6[%get3A_825, %get3A_826] {strides = array<i32>} : memref<64x256xf32, #tpu.memory_space<vmem>>, vector<16xf32>,
      %mul3A_828 = arith.constant 2 : i32
      %mul3A_829 = arith.muli %mul3A_828, %add3A_764 : i32
      %add3A_830 = arith.constant 0 : i32
      %add3A_831 = arith.addi %mul3A_829, %add3A_830 : i32
      %get3A_832 = arith.index_cast %add3A_831 : i32 to index
      %get3A_833 = arith.constant 144 : index
      %get3A_834 = tpu.vector_load %arg6[%get3A_832, %get3A_833] {strides = array<i32>} : memref<64x256xf32, #tpu.memory_space<vmem>>, vector<16xf32>,
      %mul3A_835 = arith.constant 2 : i32
      %mul3A_836 = arith.muli %mul3A_835, %add3A_764 : i32
      %add3A_837 = arith.constant 0 : i32
      %add3A_838 = arith.addi %mul3A_836, %add3A_837 : i32
      %get3A_839 = arith.index_cast %add3A_838 : i32 to index
      %get3A_840 = arith.constant 160 : index
      %get3A_841 = tpu.vector_load %arg6[%get3A_839, %get3A_840] {strides = array<i32>} : memref<64x256xf32, #tpu.memory_space<vmem>>, vector<16xf32>,
      %mul3A_842 = arith.constant 2 : i32
      %mul3A_843 = arith.muli %mul3A_842, %add3A_764 : i32
      %add3A_844 = arith.constant 0 : i32
      %add3A_845 = arith.addi %mul3A_843, %add3A_844 : i32
      %get3A_846 = arith.index_cast %add3A_845 : i32 to index
      %get3A_847 = arith.constant 176 : index
      %get3A_848 = tpu.vector_load %arg6[%get3A_846, %get3A_847] {strides = array<i32>} : memref<64x256xf32, #tpu.memory_space<vmem>>, vector<16xf32>,
      %mul3A_849 = arith.constant 2 : i32
      %mul3A_850 = arith.muli %mul3A_849, %add3A_764 : i32
      %add3A_851 = arith.constant 0 : i32
      %add3A_852 = arith.addi %mul3A_850, %add3A_851 : i32
      %get3A_853 = arith.index_cast %add3A_852 : i32 to index
      %get3A_854 = arith.constant 192 : index
      %get3A_855 = tpu.vector_load %arg6[%get3A_853, %get3A_854] {strides = array<i32>} : memref<64x256xf32, #tpu.memory_space<vmem>>, vector<16xf32>,
      %mul3A_856 = arith.constant 2 : i32
      %mul3A_857 = arith.muli %mul3A_856, %add3A_764 : i32
      %add3A_858 = arith.constant 0 : i32
      %add3A_859 = arith.addi %mul3A_857, %add3A_858 : i32
      %get3A_860 = arith.index_cast %add3A_859 : i32 to index
      %get3A_861 = arith.constant 208 : index
      %get3A_862 = tpu.vector_load %arg6[%get3A_860, %get3A_861] {strides = array<i32>} : memref<64x256xf32, #tpu.memory_space<vmem>>, vector<16xf32>,
      %mul3A_863 = arith.constant 2 : i32
      %mul3A_864 = arith.muli %mul3A_863, %add3A_764 : i32
      %add3A_865 = arith.constant 0 : i32
      %add3A_866 = arith.addi %mul3A_864, %add3A_865 : i32
      %get3A_867 = arith.index_cast %add3A_866 : i32 to index
      %get3A_868 = arith.constant 224 : index
      %get3A_869 = tpu.vector_load %arg6[%get3A_867, %get3A_868] {strides = array<i32>} : memref<64x256xf32, #tpu.memory_space<vmem>>, vector<16xf32>,
      %mul3A_870 = arith.constant 2 : i32
      %mul3A_871 = arith.muli %mul3A_870, %add3A_764 : i32
      %add3A_872 = arith.constant 0 : i32
      %add3A_873 = arith.addi %mul3A_871, %add3A_872 : i32
      %get3A_874 = arith.index_cast %add3A_873 : i32 to index
      %get3A_875 = arith.constant 240 : index
      %get3A_876 = tpu.vector_load %arg6[%get3A_874, %get3A_875] {strides = array<i32>} : memref<64x256xf32, #tpu.memory_space<vmem>>, vector<16xf32>,
      %mul3A_877 = arith.constant 2 : i32
      %mul3A_878 = arith.muli %mul3A_877, %add3A_764 : i32
      %add3A_879 = arith.constant 1 : i32
      %add3A_880 = arith.addi %mul3A_878, %add3A_879 : i32
      %get3A_881 = arith.index_cast %add3A_880 : i32 to index
      %get3A_882 = arith.constant 0 : index
      %get3A_883 = tpu.vector_load %arg6[%get3A_881, %get3A_882] {strides = array<i32>} : memref<64x256xf32, #tpu.memory_space<vmem>>, vector<16xf32>,
      %mul3A_884 = arith.constant 2 : i32
      %mul3A_885 = arith.muli %mul3A_884, %add3A_764 : i32
      %add3A_886 = arith.constant 1 : i32
      %add3A_887 = arith.addi %mul3A_885, %add3A_886 : i32
      %get3A_888 = arith.index_cast %add3A_887 : i32 to index
      %get3A_889 = arith.constant 16 : index
      %get3A_890 = tpu.vector_load %arg6[%get3A_888, %get3A_889] {strides = array<i32>} : memref<64x256xf32, #tpu.memory_space<vmem>>, vector<16xf32>,
      %mul3A_891 = arith.constant 2 : i32
      %mul3A_892 = arith.muli %mul3A_891, %add3A_764 : i32
      %add3A_893 = arith.constant 1 : i32
      %add3A_894 = arith.addi %mul3A_892, %add3A_893 : i32
      %get3A_895 = arith.index_cast %add3A_894 : i32 to index
      %get3A_896 = arith.constant 32 : index
      %get3A_897 = tpu.vector_load %arg6[%get3A_895, %get3A_896] {strides = array<i32>} : memref<64x256xf32, #tpu.memory_space<vmem>>, vector<16xf32>,
      %mul3A_898 = arith.constant 2 : i32
      %mul3A_899 = arith.muli %mul3A_898, %add3A_764 : i32
      %add3A_900 = arith.constant 1 : i32
      %add3A_901 = arith.addi %mul3A_899, %add3A_900 : i32
      %get3A_902 = arith.index_cast %add3A_901 : i32 to index
      %get3A_903 = arith.constant 48 : index
      %get3A_904 = tpu.vector_load %arg6[%get3A_902, %get3A_903] {strides = array<i32>} : memref<64x256xf32, #tpu.memory_space<vmem>>, vector<16xf32>,
      %mul3A_905 = arith.constant 2 : i32
      %mul3A_906 = arith.muli %mul3A_905, %add3A_764 : i32
      %add3A_907 = arith.constant 1 : i32
      %add3A_908 = arith.addi %mul3A_906, %add3A_907 : i32
      %get3A_909 = arith.index_cast %add3A_908 : i32 to index
      %get3A_910 = arith.constant 64 : index
      %get3A_911 = tpu.vector_load %arg6[%get3A_909, %get3A_910] {strides = array<i32>} : memref<64x256xf32, #tpu.memory_space<vmem>>, vector<16xf32>,
      %mul3A_912 = arith.constant 2 : i32
      %mul3A_913 = arith.muli %mul3A_912, %add3A_764 : i32
      %add3A_914 = arith.constant 1 : i32
      %add3A_915 = arith.addi %mul3A_913, %add3A_914 : i32
      %get3A_916 = arith.index_cast %add3A_915 : i32 to index
      %get3A_917 = arith.constant 80 : index
      %get3A_918 = tpu.vector_load %arg6[%get3A_916, %get3A_917] {strides = array<i32>} : memref<64x256xf32, #tpu.memory_space<vmem>>, vector<16xf32>,
      %mul3A_919 = arith.constant 2 : i32
      %mul3A_920 = arith.muli %mul3A_919, %add3A_764 : i32
      %add3A_921 = arith.constant 1 : i32
      %add3A_922 = arith.addi %mul3A_920, %add3A_921 : i32
      %get3A_923 = arith.index_cast %add3A_922 : i32 to index
      %get3A_924 = arith.constant 96 : index
      %get3A_925 = tpu.vector_load %arg6[%get3A_923, %get3A_924] {strides = array<i32>} : memref<64x256xf32, #tpu.memory_space<vmem>>, vector<16xf32>,
      %mul3A_926 = arith.constant 2 : i32
      %mul3A_927 = arith.muli %mul3A_926, %add3A_764 : i32
      %add3A_928 = arith.constant 1 : i32
      %add3A_929 = arith.addi %mul3A_927, %add3A_928 : i32
      %get3A_930 = arith.index_cast %add3A_929 : i32 to index
      %get3A_931 = arith.constant 112 : index
      %get3A_932 = tpu.vector_load %arg6[%get3A_930, %get3A_931] {strides = array<i32>} : memref<64x256xf32, #tpu.memory_space<vmem>>, vector<16xf32>,
      %mul3A_933 = arith.constant 2 : i32
      %mul3A_934 = arith.muli %mul3A_933, %add3A_764 : i32
      %add3A_935 = arith.constant 1 : i32
      %add3A_936 = arith.addi %mul3A_934, %add3A_935 : i32
      %get3A_937 = arith.index_cast %add3A_936 : i32 to index
      %get3A_938 = arith.constant 128 : index
      %get3A_939 = tpu.vector_load %arg6[%get3A_937, %get3A_938] {strides = array<i32>} : memref<64x256xf32, #tpu.memory_space<vmem>>, vector<16xf32>,
      %mul3A_940 = arith.constant 2 : i32
      %mul3A_941 = arith.muli %mul3A_940, %add3A_764 : i32
      %add3A_942 = arith.constant 1 : i32
      %add3A_943 = arith.addi %mul3A_941, %add3A_942 : i32
      %get3A_944 = arith.index_cast %add3A_943 : i32 to index
      %get3A_945 = arith.constant 144 : index
      %get3A_946 = tpu.vector_load %arg6[%get3A_944, %get3A_945] {strides = array<i32>} : memref<64x256xf32, #tpu.memory_space<vmem>>, vector<16xf32>,
      %mul3A_947 = arith.constant 2 : i32
      %mul3A_948 = arith.muli %mul3A_947, %add3A_764 : i32
      %add3A_949 = arith.constant 1 : i32
      %add3A_950 = arith.addi %mul3A_948, %add3A_949 : i32
      %get3A_951 = arith.index_cast %add3A_950 : i32 to index
      %get3A_952 = arith.constant 160 : index
      %get3A_953 = tpu.vector_load %arg6[%get3A_951, %get3A_952] {strides = array<i32>} : memref<64x256xf32, #tpu.memory_space<vmem>>, vector<16xf32>,
      %mul3A_954 = arith.constant 2 : i32
      %mul3A_955 = arith.muli %mul3A_954, %add3A_764 : i32
      %add3A_956 = arith.constant 1 : i32
      %add3A_957 = arith.addi %mul3A_955, %add3A_956 : i32
      %get3A_958 = arith.index_cast %add3A_957 : i32 to index
      %get3A_959 = arith.constant 176 : index
      %get3A_960 = tpu.vector_load %arg6[%get3A_958, %get3A_959] {strides = array<i32>} : memref<64x256xf32, #tpu.memory_space<vmem>>, vector<16xf32>,
      %mul3A_961 = arith.constant 2 : i32
      %mul3A_962 = arith.muli %mul3A_961, %add3A_764 : i32
      %add3A_963 = arith.constant 1 : i32
      %add3A_964 = arith.addi %mul3A_962, %add3A_963 : i32
      %get3A_965 = arith.index_cast %add3A_964 : i32 to index
      %get3A_966 = arith.constant 192 : index
      %get3A_967 = tpu.vector_load %arg6[%get3A_965, %get3A_966] {strides = array<i32>} : memref<64x256xf32, #tpu.memory_space<vmem>>, vector<16xf32>,
      %mul3A_968 = arith.constant 2 : i32
      %mul3A_969 = arith.muli %mul3A_968, %add3A_764 : i32
      %add3A_970 = arith.constant 1 : i32
      %add3A_971 = arith.addi %mul3A_969, %add3A_970 : i32
      %get3A_972 = arith.index_cast %add3A_971 : i32 to index
      %get3A_973 = arith.constant 208 : index
      %get3A_974 = tpu.vector_load %arg6[%get3A_972, %get3A_973] {strides = array<i32>} : memref<64x256xf32, #tpu.memory_space<vmem>>, vector<16xf32>,
      %mul3A_975 = arith.constant 2 : i32
      %mul3A_976 = arith.muli %mul3A_975, %add3A_764 : i32
      %add3A_977 = arith.constant 1 : i32
      %add3A_978 = arith.addi %mul3A_976, %add3A_977 : i32
      %get3A_979 = arith.index_cast %add3A_978 : i32 to index
      %get3A_980 = arith.constant 224 : index
      %get3A_981 = tpu.vector_load %arg6[%get3A_979, %get3A_980] {strides = array<i32>} : memref<64x256xf32, #tpu.memory_space<vmem>>, vector<16xf32>,
      %mul3A_982 = arith.constant 2 : i32
      %mul3A_983 = arith.muli %mul3A_982, %add3A_764 : i32
      %add3A_984 = arith.constant 1 : i32
      %add3A_985 = arith.addi %mul3A_983, %add3A_984 : i32
      %get3A_986 = arith.index_cast %add3A_985 : i32 to index
      %get3A_987 = arith.constant 240 : index
      %get3A_988 = tpu.vector_load %arg6[%get3A_986, %get3A_987] {strides = array<i32>} : memref<64x256xf32, #tpu.memory_space<vmem>>, vector<16xf32>,
      %scan3A_989 = arith.constant 0 : i32
      %scan3A_990 = arith.constant 0 : i32
      %scan3A_991 = arith.constant 32 : i32
      %scan3A_992 = arith.addi %scan3A_990, %scan3A_991 : i32
      %scan3A_993 = arith.constant 1 : i32
      scf.for %scan3A_1346 = %scan3A_990 to %scan3A_992 step %scan3A_993  : i32 {
        %swap3A = arith.constant 0 : i32
        %swap3A_1347 = arith.index_cast %swap3A : i32 to index
        %swap3A_1348 = arith.index_cast %scan3A_1346 : i32 to index
        %swap3A_1349 = arith.constant 0 : index
        %swap3A_1350 = tpu.vector_load %arg9[%swap3A_1347, %swap3A_1348, %swap3A_1349] {strides = array<i32>} : memref<2x32x512xf32, #tpu.memory_space<vmem>>, vector<16xf32>,
        tpu.vector_store %arg9[%swap3A_1347, %swap3A_1348, %swap3A_1349], %get3A_771 {strides = array<i32>} : memref<2x32x512xf32, #tpu.memory_space<vmem>>, vector<16xf32>,
        %swap3A_1351 = arith.constant 0 : i32
        %swap3A_1352 = arith.index_cast %swap3A_1351 : i32 to index
        %swap3A_1353 = arith.index_cast %scan3A_1346 : i32 to index
        %swap3A_1354 = arith.constant 16 : index
        %swap3A_1355 = tpu.vector_load %arg9[%swap3A_1352, %swap3A_1353, %swap3A_1354] {strides = array<i32>} : memref<2x32x512xf32, #tpu.memory_space<vmem>>, vector<16xf32>,
        tpu.vector_store %arg9[%swap3A_1352, %swap3A_1353, %swap3A_1354], %get3A_778 {strides = array<i32>} : memref<2x32x512xf32, #tpu.memory_space<vmem>>, vector<16xf32>,
        %swap3A_1356 = arith.constant 0 : i32
        %swap3A_1357 = arith.index_cast %swap3A_1356 : i32 to index
        %swap3A_1358 = arith.index_cast %scan3A_1346 : i32 to index
        %swap3A_1359 = arith.constant 32 : index
        %swap3A_1360 = tpu.vector_load %arg9[%swap3A_1357, %swap3A_1358, %swap3A_1359] {strides = array<i32>} : memref<2x32x512xf32, #tpu.memory_space<vmem>>, vector<16xf32>,
        tpu.vector_store %arg9[%swap3A_1357, %swap3A_1358, %swap3A_1359], %get3A_785 {strides = array<i32>} : memref<2x32x512xf32, #tpu.memory_space<vmem>>, vector<16xf32>,
        %swap3A_1361 = arith.constant 0 : i32
        %swap3A_1362 = arith.index_cast %swap3A_1361 : i32 to index
        %swap3A_1363 = arith.index_cast %scan3A_1346 : i32 to index
        %swap3A_1364 = arith.constant 48 : index
        %swap3A_1365 = tpu.vector_load %arg9[%swap3A_1362, %swap3A_1363, %swap3A_1364] {strides = array<i32>} : memref<2x32x512xf32, #tpu.memory_space<vmem>>, vector<16xf32>,
        tpu.vector_store %arg9[%swap3A_1362, %swap3A_1363, %swap3A_1364], %get3A_792 {strides = array<i32>} : memref<2x32x512xf32, #tpu.memory_space<vmem>>, vector<16xf32>,
        %swap3A_1366 = arith.constant 0 : i32
        %swap3A_1367 = arith.index_cast %swap3A_1366 : i32 to index
        %swap3A_1368 = arith.index_cast %scan3A_1346 : i32 to index
        %swap3A_1369 = arith.constant 64 : index
        %swap3A_1370 = tpu.vector_load %arg9[%swap3A_1367, %swap3A_1368, %swap3A_1369] {strides = array<i32>} : memref<2x32x512xf32, #tpu.memory_space<vmem>>, vector<16xf32>,
        tpu.vector_store %arg9[%swap3A_1367, %swap3A_1368, %swap3A_1369], %get3A_799 {strides = array<i32>} : memref<2x32x512xf32, #tpu.memory_space<vmem>>, vector<16xf32>,
        %swap3A_1371 = arith.constant 0 : i32
        %swap3A_1372 = arith.index_cast %swap3A_1371 : i32 to index
        %swap3A_1373 = arith.index_cast %scan3A_1346 : i32 to index
        %swap3A_1374 = arith.constant 80 : index
        %swap3A_1375 = tpu.vector_load %arg9[%swap3A_1372, %swap3A_1373, %swap3A_1374] {strides = array<i32>} : memref<2x32x512xf32, #tpu.memory_space<vmem>>, vector<16xf32>,
        tpu.vector_store %arg9[%swap3A_1372, %swap3A_1373, %swap3A_1374], %get3A_806 {strides = array<i32>} : memref<2x32x512xf32, #tpu.memory_space<vmem>>, vector<16xf32>,
        %swap3A_1376 = arith.constant 0 : i32
        %swap3A_1377 = arith.index_cast %swap3A_1376 : i32 to index
        %swap3A_1378 = arith.index_cast %scan3A_1346 : i32 to index
        %swap3A_1379 = arith.constant 96 : index
        %swap3A_1380 = tpu.vector_load %arg9[%swap3A_1377, %swap3A_1378, %swap3A_1379] {strides = array<i32>} : memref<2x32x512xf32, #tpu.memory_space<vmem>>, vector<16xf32>,
        tpu.vector_store %arg9[%swap3A_1377, %swap3A_1378, %swap3A_1379], %get3A_813 {strides = array<i32>} : memref<2x32x512xf32, #tpu.memory_space<vmem>>, vector<16xf32>,
        %swap3A_1381 = arith.constant 0 : i32
        %swap3A_1382 = arith.index_cast %swap3A_1381 : i32 to index
        %swap3A_1383 = arith.index_cast %scan3A_1346 : i32 to index
        %swap3A_1384 = arith.constant 112 : index
        %swap3A_1385 = tpu.vector_load %arg9[%swap3A_1382, %swap3A_1383, %swap3A_1384] {strides = array<i32>} : memref<2x32x512xf32, #tpu.memory_space<vmem>>, vector<16xf32>,
        tpu.vector_store %arg9[%swap3A_1382, %swap3A_1383, %swap3A_1384], %get3A_820 {strides = array<i32>} : memref<2x32x512xf32, #tpu.memory_space<vmem>>, vector<16xf32>,
        %swap3A_1386 = arith.constant 0 : i32
        %swap3A_1387 = arith.index_cast %swap3A_1386 : i32 to index
        %swap3A_1388 = arith.index_cast %scan3A_1346 : i32 to index
        %swap3A_1389 = arith.constant 128 : index
        %swap3A_1390 = tpu.vector_load %arg9[%swap3A_1387, %swap3A_1388, %swap3A_1389] {strides = array<i32>} : memref<2x32x512xf32, #tpu.memory_space<vmem>>, vector<16xf32>,
        tpu.vector_store %arg9[%swap3A_1387, %swap3A_1388, %swap3A_1389], %get3A_827 {strides = array<i32>} : memref<2x32x512xf32, #tpu.memory_space<vmem>>, vector<16xf32>,
        %swap3A_1391 = arith.constant 0 : i32
        %swap3A_1392 = arith.index_cast %swap3A_1391 : i32 to index
        %swap3A_1393 = arith.index_cast %scan3A_1346 : i32 to index
        %swap3A_1394 = arith.constant 144 : index
        %swap3A_1395 = tpu.vector_load %arg9[%swap3A_1392, %swap3A_1393, %swap3A_1394] {strides = array<i32>} : memref<2x32x512xf32, #tpu.memory_space<vmem>>, vector<16xf32>,
        tpu.vector_store %arg9[%swap3A_1392, %swap3A_1393, %swap3A_1394], %get3A_834 {strides = array<i32>} : memref<2x32x512xf32, #tpu.memory_space<vmem>>, vector<16xf32>,
        %swap3A_1396 = arith.constant 0 : i32
        %swap3A_1397 = arith.index_cast %swap3A_1396 : i32 to index
        %swap3A_1398 = arith.index_cast %scan3A_1346 : i32 to index
        %swap3A_1399 = arith.constant 160 : index
        %swap3A_1400 = tpu.vector_load %arg9[%swap3A_1397, %swap3A_1398, %swap3A_1399] {strides = array<i32>} : memref<2x32x512xf32, #tpu.memory_space<vmem>>, vector<16xf32>,
        tpu.vector_store %arg9[%swap3A_1397, %swap3A_1398, %swap3A_1399], %get3A_841 {strides = array<i32>} : memref<2x32x512xf32, #tpu.memory_space<vmem>>, vector<16xf32>,
        %swap3A_1401 = arith.constant 0 : i32
        %swap3A_1402 = arith.index_cast %swap3A_1401 : i32 to index
        %swap3A_1403 = arith.index_cast %scan3A_1346 : i32 to index
        %swap3A_1404 = arith.constant 176 : index
        %swap3A_1405 = tpu.vector_load %arg9[%swap3A_1402, %swap3A_1403, %swap3A_1404] {strides = array<i32>} : memref<2x32x512xf32, #tpu.memory_space<vmem>>, vector<16xf32>,
        tpu.vector_store %arg9[%swap3A_1402, %swap3A_1403, %swap3A_1404], %get3A_848 {strides = array<i32>} : memref<2x32x512xf32, #tpu.memory_space<vmem>>, vector<16xf32>,
        %swap3A_1406 = arith.constant 0 : i32
        %swap3A_1407 = arith.index_cast %swap3A_1406 : i32 to index
        %swap3A_1408 = arith.index_cast %scan3A_1346 : i32 to index
        %swap3A_1409 = arith.constant 192 : index
        %swap3A_1410 = tpu.vector_load %arg9[%swap3A_1407, %swap3A_1408, %swap3A_1409] {strides = array<i32>} : memref<2x32x512xf32, #tpu.memory_space<vmem>>, vector<16xf32>,
        tpu.vector_store %arg9[%swap3A_1407, %swap3A_1408, %swap3A_1409], %get3A_855 {strides = array<i32>} : memref<2x32x512xf32, #tpu.memory_space<vmem>>, vector<16xf32>,
        %swap3A_1411 = arith.constant 0 : i32
        %swap3A_1412 = arith.index_cast %swap3A_1411 : i32 to index
        %swap3A_1413 = arith.index_cast %scan3A_1346 : i32 to index
        %swap3A_1414 = arith.constant 208 : index
        %swap3A_1415 = tpu.vector_load %arg9[%swap3A_1412, %swap3A_1413, %swap3A_1414] {strides = array<i32>} : memref<2x32x512xf32, #tpu.memory_space<vmem>>, vector<16xf32>,
        tpu.vector_store %arg9[%swap3A_1412, %swap3A_1413, %swap3A_1414], %get3A_862 {strides = array<i32>} : memref<2x32x512xf32, #tpu.memory_space<vmem>>, vector<16xf32>,
        %swap3A_1416 = arith.constant 0 : i32
        %swap3A_1417 = arith.index_cast %swap3A_1416 : i32 to index
        %swap3A_1418 = arith.index_cast %scan3A_1346 : i32 to index
        %swap3A_1419 = arith.constant 224 : index
        %swap3A_1420 = tpu.vector_load %arg9[%swap3A_1417, %swap3A_1418, %swap3A_1419] {strides = array<i32>} : memref<2x32x512xf32, #tpu.memory_space<vmem>>, vector<16xf32>,
        tpu.vector_store %arg9[%swap3A_1417, %swap3A_1418, %swap3A_1419], %get3A_869 {strides = array<i32>} : memref<2x32x512xf32, #tpu.memory_space<vmem>>, vector<16xf32>,
        %swap3A_1421 = arith.constant 0 : i32
        %swap3A_1422 = arith.index_cast %swap3A_1421 : i32 to index
        %swap3A_1423 = arith.index_cast %scan3A_1346 : i32 to index
        %swap3A_1424 = arith.constant 240 : index
        %swap3A_1425 = tpu.vector_load %arg9[%swap3A_1422, %swap3A_1423, %swap3A_1424] {strides = array<i32>} : memref<2x32x512xf32, #tpu.memory_space<vmem>>, vector<16xf32>,
        tpu.vector_store %arg9[%swap3A_1422, %swap3A_1423, %swap3A_1424], %get3A_876 {strides = array<i32>} : memref<2x32x512xf32, #tpu.memory_space<vmem>>, vector<16xf32>,
        %swap3A_1426 = arith.constant 1 : i32
        %swap3A_1427 = arith.index_cast %swap3A_1426 : i32 to index
        %swap3A_1428 = arith.index_cast %scan3A_1346 : i32 to index
        %swap3A_1429 = arith.constant 0 : index
        %swap3A_1430 = tpu.vector_load %arg9[%swap3A_1427, %swap3A_1428, %swap3A_1429] {strides = array<i32>} : memref<2x32x512xf32, #tpu.memory_space<vmem>>, vector<16xf32>,
        tpu.vector_store %arg9[%swap3A_1427, %swap3A_1428, %swap3A_1429], %get3A_883 {strides = array<i32>} : memref<2x32x512xf32, #tpu.memory_space<vmem>>, vector<16xf32>,
        %swap3A_1431 = arith.constant 1 : i32
        %swap3A_1432 = arith.index_cast %swap3A_1431 : i32 to index
        %swap3A_1433 = arith.index_cast %scan3A_1346 : i32 to index
        %swap3A_1434 = arith.constant 16 : index
        %swap3A_1435 = tpu.vector_load %arg9[%swap3A_1432, %swap3A_1433, %swap3A_1434] {strides = array<i32>} : memref<2x32x512xf32, #tpu.memory_space<vmem>>, vector<16xf32>,
        tpu.vector_store %arg9[%swap3A_1432, %swap3A_1433, %swap3A_1434], %get3A_890 {strides = array<i32>} : memref<2x32x512xf32, #tpu.memory_space<vmem>>, vector<16xf32>,
        %swap3A_1436 = arith.constant 1 : i32
        %swap3A_1437 = arith.index_cast %swap3A_1436 : i32 to index
        %swap3A_1438 = arith.index_cast %scan3A_1346 : i32 to index
        %swap3A_1439 = arith.constant 32 : index
        %swap3A_1440 = tpu.vector_load %arg9[%swap3A_1437, %swap3A_1438, %swap3A_1439] {strides = array<i32>} : memref<2x32x512xf32, #tpu.memory_space<vmem>>, vector<16xf32>,
        tpu.vector_store %arg9[%swap3A_1437, %swap3A_1438, %swap3A_1439], %get3A_897 {strides = array<i32>} : memref<2x32x512xf32, #tpu.memory_space<vmem>>, vector<16xf32>,
        %swap3A_1441 = arith.constant 1 : i32
        %swap3A_1442 = arith.index_cast %swap3A_1441 : i32 to index
        %swap3A_1443 = arith.index_cast %scan3A_1346 : i32 to index
        %swap3A_1444 = arith.constant 48 : index
        %swap3A_1445 = tpu.vector_load %arg9[%swap3A_1442, %swap3A_1443, %swap3A_1444] {strides = array<i32>} : memref<2x32x512xf32, #tpu.memory_space<vmem>>, vector<16xf32>,
        tpu.vector_store %arg9[%swap3A_1442, %swap3A_1443, %swap3A_1444], %get3A_904 {strides = array<i32>} : memref<2x32x512xf32, #tpu.memory_space<vmem>>, vector<16xf32>,
        %swap3A_1446 = arith.constant 1 : i32
        %swap3A_1447 = arith.index_cast %swap3A_1446 : i32 to index
        %swap3A_1448 = arith.index_cast %scan3A_1346 : i32 to index
        %swap3A_1449 = arith.constant 64 : index
        %swap3A_1450 = tpu.vector_load %arg9[%swap3A_1447, %swap3A_1448, %swap3A_1449] {strides = array<i32>} : memref<2x32x512xf32, #tpu.memory_space<vmem>>, vector<16xf32>,
        tpu.vector_store %arg9[%swap3A_1447, %swap3A_1448, %swap3A_1449], %get3A_911 {strides = array<i32>} : memref<2x32x512xf32, #tpu.memory_space<vmem>>, vector<16xf32>,
        %swap3A_1451 = arith.constant 1 : i32
        %swap3A_1452 = arith.index_cast %swap3A_1451 : i32 to index
        %swap3A_1453 = arith.index_cast %scan3A_1346 : i32 to index
        %swap3A_1454 = arith.constant 80 : index
        %swap3A_1455 = tpu.vector_load %arg9[%swap3A_1452, %swap3A_1453, %swap3A_1454] {strides = array<i32>} : memref<2x32x512xf32, #tpu.memory_space<vmem>>, vector<16xf32>,
        tpu.vector_store %arg9[%swap3A_1452, %swap3A_1453, %swap3A_1454], %get3A_918 {strides = array<i32>} : memref<2x32x512xf32, #tpu.memory_space<vmem>>, vector<16xf32>,
        %swap3A_1456 = arith.constant 1 : i32
        %swap3A_1457 = arith.index_cast %swap3A_1456 : i32 to index
        %swap3A_1458 = arith.index_cast %scan3A_1346 : i32 to index
        %swap3A_1459 = arith.constant 96 : index
        %swap3A_1460 = tpu.vector_load %arg9[%swap3A_1457, %swap3A_1458, %swap3A_1459] {strides = array<i32>} : memref<2x32x512xf32, #tpu.memory_space<vmem>>, vector<16xf32>,
        tpu.vector_store %arg9[%swap3A_1457, %swap3A_1458, %swap3A_1459], %get3A_925 {strides = array<i32>} : memref<2x32x512xf32, #tpu.memory_space<vmem>>, vector<16xf32>,
        %swap3A_1461 = arith.constant 1 : i32
        %swap3A_1462 = arith.index_cast %swap3A_1461 : i32 to index
        %swap3A_1463 = arith.index_cast %scan3A_1346 : i32 to index
        %swap3A_1464 = arith.constant 112 : index
        %swap3A_1465 = tpu.vector_load %arg9[%swap3A_1462, %swap3A_1463, %swap3A_1464] {strides = array<i32>} : memref<2x32x512xf32, #tpu.memory_space<vmem>>, vector<16xf32>,
        tpu.vector_store %arg9[%swap3A_1462, %swap3A_1463, %swap3A_1464], %get3A_932 {strides = array<i32>} : memref<2x32x512xf32, #tpu.memory_space<vmem>>, vector<16xf32>,
        %swap3A_1466 = arith.constant 1 : i32
        %swap3A_1467 = arith.index_cast %swap3A_1466 : i32 to index
        %swap3A_1468 = arith.index_cast %scan3A_1346 : i32 to index
        %swap3A_1469 = arith.constant 128 : index
        %swap3A_1470 = tpu.vector_load %arg9[%swap3A_1467, %swap3A_1468, %swap3A_1469] {strides = array<i32>} : memref<2x32x512xf32, #tpu.memory_space<vmem>>, vector<16xf32>,
        tpu.vector_store %arg9[%swap3A_1467, %swap3A_1468, %swap3A_1469], %get3A_939 {strides = array<i32>} : memref<2x32x512xf32, #tpu.memory_space<vmem>>, vector<16xf32>,
        %swap3A_1471 = arith.constant 1 : i32
        %swap3A_1472 = arith.index_cast %swap3A_1471 : i32 to index
        %swap3A_1473 = arith.index_cast %scan3A_1346 : i32 to index
        %swap3A_1474 = arith.constant 144 : index
        %swap3A_1475 = tpu.vector_load %arg9[%swap3A_1472, %swap3A_1473, %swap3A_1474] {strides = array<i32>} : memref<2x32x512xf32, #tpu.memory_space<vmem>>, vector<16xf32>,
        tpu.vector_store %arg9[%swap3A_1472, %swap3A_1473, %swap3A_1474], %get3A_946 {strides = array<i32>} : memref<2x32x512xf32, #tpu.memory_space<vmem>>, vector<16xf32>,
        %swap3A_1476 = arith.constant 1 : i32
        %swap3A_1477 = arith.index_cast %swap3A_1476 : i32 to index
        %swap3A_1478 = arith.index_cast %scan3A_1346 : i32 to index
        %swap3A_1479 = arith.constant 160 : index
        %swap3A_1480 = tpu.vector_load %arg9[%swap3A_1477, %swap3A_1478, %swap3A_1479] {strides = array<i32>} : memref<2x32x512xf32, #tpu.memory_space<vmem>>, vector<16xf32>,
        tpu.vector_store %arg9[%swap3A_1477, %swap3A_1478, %swap3A_1479], %get3A_953 {strides = array<i32>} : memref<2x32x512xf32, #tpu.memory_space<vmem>>, vector<16xf32>,
        %swap3A_1481 = arith.constant 1 : i32
        %swap3A_1482 = arith.index_cast %swap3A_1481 : i32 to index
        %swap3A_1483 = arith.index_cast %scan3A_1346 : i32 to index
        %swap3A_1484 = arith.constant 176 : index
        %swap3A_1485 = tpu.vector_load %arg9[%swap3A_1482, %swap3A_1483, %swap3A_1484] {strides = array<i32>} : memref<2x32x512xf32, #tpu.memory_space<vmem>>, vector<16xf32>,
        tpu.vector_store %arg9[%swap3A_1482, %swap3A_1483, %swap3A_1484], %get3A_960 {strides = array<i32>} : memref<2x32x512xf32, #tpu.memory_space<vmem>>, vector<16xf32>,
        %swap3A_1486 = arith.constant 1 : i32
        %swap3A_1487 = arith.index_cast %swap3A_1486 : i32 to index
        %swap3A_1488 = arith.index_cast %scan3A_1346 : i32 to index
        %swap3A_1489 = arith.constant 192 : index
        %swap3A_1490 = tpu.vector_load %arg9[%swap3A_1487, %swap3A_1488, %swap3A_1489] {strides = array<i32>} : memref<2x32x512xf32, #tpu.memory_space<vmem>>, vector<16xf32>,
        tpu.vector_store %arg9[%swap3A_1487, %swap3A_1488, %swap3A_1489], %get3A_967 {strides = array<i32>} : memref<2x32x512xf32, #tpu.memory_space<vmem>>, vector<16xf32>,
        %swap3A_1491 = arith.constant 1 : i32
        %swap3A_1492 = arith.index_cast %swap3A_1491 : i32 to index
        %swap3A_1493 = arith.index_cast %scan3A_1346 : i32 to index
        %swap3A_1494 = arith.constant 208 : index
        %swap3A_1495 = tpu.vector_load %arg9[%swap3A_1492, %swap3A_1493, %swap3A_1494] {strides = array<i32>} : memref<2x32x512xf32, #tpu.memory_space<vmem>>, vector<16xf32>,
        tpu.vector_store %arg9[%swap3A_1492, %swap3A_1493, %swap3A_1494], %get3A_974 {strides = array<i32>} : memref<2x32x512xf32, #tpu.memory_space<vmem>>, vector<16xf32>,
        %swap3A_1496 = arith.constant 1 : i32
        %swap3A_1497 = arith.index_cast %swap3A_1496 : i32 to index
        %swap3A_1498 = arith.index_cast %scan3A_1346 : i32 to index
        %swap3A_1499 = arith.constant 224 : index
        %swap3A_1500 = tpu.vector_load %arg9[%swap3A_1497, %swap3A_1498, %swap3A_1499] {strides = array<i32>} : memref<2x32x512xf32, #tpu.memory_space<vmem>>, vector<16xf32>,
        tpu.vector_store %arg9[%swap3A_1497, %swap3A_1498, %swap3A_1499], %get3A_981 {strides = array<i32>} : memref<2x32x512xf32, #tpu.memory_space<vmem>>, vector<16xf32>,
        %swap3A_1501 = arith.constant 1 : i32
        %swap3A_1502 = arith.index_cast %swap3A_1501 : i32 to index
        %swap3A_1503 = arith.index_cast %scan3A_1346 : i32 to index
        %swap3A_1504 = arith.constant 240 : index
        %swap3A_1505 = tpu.vector_load %arg9[%swap3A_1502, %swap3A_1503, %swap3A_1504] {strides = array<i32>} : memref<2x32x512xf32, #tpu.memory_space<vmem>>, vector<16xf32>,
        tpu.vector_store %arg9[%swap3A_1502, %swap3A_1503, %swap3A_1504], %get3A_988 {strides = array<i32>} : memref<2x32x512xf32, #tpu.memory_space<vmem>>, vector<16xf32>,
      }
      %scan3A_994 = arith.constant 32 : i32
      %mul3A_995 = arith.constant 2 : i32
      %mul3A_996 = arith.muli %mul3A_995, %add3A_725 : i32
      %add3A_997 = arith.constant 0 : i32
      %add3A_998 = arith.addi %mul3A_996, %add3A_997 : i32
      %mul3A_999 = arith.constant 32 : i32
      %mul3A_1000 = arith.muli %add3A_998, %mul3A_999 : i32
      %dma_wait3A_1001 = arith.constant 0 : i32
      %dma_wait3A_1002 = arith.constant 0 : i32
      %dma_wait3A_1003 = arith.constant 256 : i32
      %dma_wait3A_1004 = tpu.memref_slice %arg8[%dma_wait3A_1001, %dma_wait3A_1002, %dma_wait3A_1003] : memref<2x32x512xf32, #tpu.memory_space<vmem>> -> memref<1x32x256xf32, #tpu.memory_space<vmem>>
      %dma_wait3A_1005 = tpu.memref_squeeze %dma_wait3A_1004 : memref<1x32x256xf32, #tpu.memory_space<vmem>> -> memref<32x256xf32, #tpu.memory_space<vmem>>
      %dma_wait3A_1006 = tpu.memref_slice %arg5[%mul3A_1000] : memref<2048xi32, #tpu.memory_space<vmem>> -> memref<32xi32, #tpu.memory_space<vmem>>
      %dma_wait3A_1007 = arith.constant 0 : i32
      %dma_wait3A_1008 = arith.constant 0 : i32
      %dma_wait3A_1009 = tpu.memref_slice %arg2[%dma_wait3A_1007, %dma_wait3A_1008] : memref<5000x256xf32, #tpu.memory_space<hbm>> -> memref<5000x256xf32, #tpu.memory_space<hbm>>
      tpu.wait_indirect_dma semaphore(%arg11 : memref<!tpu.dma_semaphore, #tpu.memory_space<semaphore_mem>>) src(%dma_wait3A_1009 : memref<5000x256xf32, #tpu.memory_space<hbm>>) dst(%dma_wait3A_1005 : memref<32x256xf32, #tpu.memory_space<vmem>>)
      %mul3A_1010 = arith.constant 2 : i32
      %mul3A_1011 = arith.muli %mul3A_1010, %add3A_725 : i32
      %add3A_1012 = arith.constant 1 : i32
      %add3A_1013 = arith.addi %mul3A_1011, %add3A_1012 : i32
      %mul3A_1014 = arith.constant 32 : i32
      %mul3A_1015 = arith.muli %add3A_1013, %mul3A_1014 : i32
      %dma_wait3A_1016 = arith.constant 1 : i32
      %dma_wait3A_1017 = arith.constant 0 : i32
      %dma_wait3A_1018 = arith.constant 256 : i32
      %dma_wait3A_1019 = tpu.memref_slice %arg8[%dma_wait3A_1016, %dma_wait3A_1017, %dma_wait3A_1018] : memref<2x32x512xf32, #tpu.memory_space<vmem>> -> memref<1x32x256xf32, #tpu.memory_space<vmem>>
      %dma_wait3A_1020 = tpu.memref_squeeze %dma_wait3A_1019 : memref<1x32x256xf32, #tpu.memory_space<vmem>> -> memref<32x256xf32, #tpu.memory_space<vmem>>
      %dma_wait3A_1021 = tpu.memref_slice %arg5[%mul3A_1015] : memref<2048xi32, #tpu.memory_space<vmem>> -> memref<32xi32, #tpu.memory_space<vmem>>
      %dma_wait3A_1022 = arith.constant 0 : i32
      %dma_wait3A_1023 = arith.constant 0 : i32
      %dma_wait3A_1024 = tpu.memref_slice %arg2[%dma_wait3A_1022, %dma_wait3A_1023] : memref<5000x256xf32, #tpu.memory_space<hbm>> -> memref<5000x256xf32, #tpu.memory_space<hbm>>
      tpu.wait_indirect_dma semaphore(%arg11 : memref<!tpu.dma_semaphore, #tpu.memory_space<semaphore_mem>>) src(%dma_wait3A_1024 : memref<5000x256xf32, #tpu.memory_space<hbm>>) dst(%dma_wait3A_1020 : memref<32x256xf32, #tpu.memory_space<vmem>>)
      %mul3A_1025 = arith.constant 2 : i32
      %mul3A_1026 = arith.muli %mul3A_1025, %add3A_725 : i32
      %add3A_1027 = arith.addi %mul3A_2, %mul3A_1026 : i32
      %dma_start3A_1028 = arith.constant 0 : i32
      %dma_start3A_1029 = arith.constant 0 : i32
      %dma_start3A_1030 = tpu.memref_slice %arg4[%add3A_1027, %dma_start3A_1028, %dma_start3A_1029] : memref<2048x32x512xf32, #tpu.memory_space<hbm>> -> memref<2x32x512xf32, #tpu.memory_space<hbm>>
      %dma_start3A_1031 = arith.constant 0 : i32
      %dma_start3A_1032 = arith.constant 0 : i32
      %dma_start3A_1033 = tpu.memref_slice %arg4[%add3A_1027, %dma_start3A_1031, %dma_start3A_1032] : memref<2048x32x512xf32, #tpu.memory_space<hbm>> -> memref<2x32x512xf32, #tpu.memory_space<hbm>>
      tpu.enqueue_dma source(%arg8 : memref<2x32x512xf32, #tpu.memory_space<vmem>>) target(%dma_start3A_1033 : memref<2x32x512xf32, #tpu.memory_space<hbm>>) target_semaphore(%arg14 : memref<!tpu.dma_semaphore, #tpu.memory_space<semaphore_mem>>)
      %mul3A_1034 = arith.constant 3 : i32
      %mul3A_1035 = arith.muli %mul3A_1034, %scan3A_412 : i32
      %add3A_1036 = arith.constant 2 : i32
      %add3A_1037 = arith.addi %mul3A_1035, %add3A_1036 : i32
      %ge3A_1038 = arith.constant 2 : i32
      %ge3A_1039 = arith.cmpi sge, %add3A_1037, %ge3A_1038 : i32
      %convert_element_type3A_1040 = arith.extui %ge3A_1039 : i1 to i32
      %cond3A_1041 = arith.constant 0 : i32
      %cond3A_1042 = arith.cmpi ne, %convert_element_type3A_1040, %cond3A_1041 : i32
      scf.if %cond3A_1042 {
        %sub3A = arith.constant 2 : i32
        %sub3A_1346 = arith.subi %add3A_1037, %sub3A : i32
        %mul3A_1347 = arith.constant 2 : i32
        %mul3A_1348 = arith.muli %mul3A_1347, %sub3A_1346 : i32
        %add3A_1349 = arith.addi %mul3A_2, %mul3A_1348 : i32
        %dma_wait3A_1350 = arith.constant 0 : i32
        %dma_wait3A_1351 = arith.constant 0 : i32
        %dma_wait3A_1352 = tpu.memref_slice %arg4[%add3A_1349, %dma_wait3A_1350, %dma_wait3A_1351] : memref<2048x32x512xf32, #tpu.memory_space<hbm>> -> memref<2x32x512xf32, #tpu.memory_space<hbm>>
        %dma_wait3A_1353 = arith.constant 0 : i32
        %dma_wait3A_1354 = arith.constant 0 : i32
        %dma_wait3A_1355 = tpu.memref_slice %arg4[%add3A_1349, %dma_wait3A_1353, %dma_wait3A_1354] : memref<2048x32x512xf32, #tpu.memory_space<hbm>> -> memref<2x32x512xf32, #tpu.memory_space<hbm>>
        tpu.wait_dma2 semaphore(%arg13 : memref<!tpu.dma_semaphore, #tpu.memory_space<semaphore_mem>>) src(%arg7 : memref<2x32x512xf32, #tpu.memory_space<vmem>>) dst(%dma_wait3A_1355 : memref<2x32x512xf32, #tpu.memory_space<hbm>>)
      } else {
      }
      %add3A_1043 = arith.constant 1 : i32
      %add3A_1044 = arith.addi %add3A_1037, %add3A_1043 : i32
      %mul3A_1045 = arith.constant 2 : i32
      %mul3A_1046 = arith.muli %mul3A_1045, %add3A_1044 : i32
      %add3A_1047 = arith.constant 0 : i32
      %add3A_1048 = arith.addi %mul3A_1046, %add3A_1047 : i32
      %mul3A_1049 = arith.constant 32 : i32
      %mul3A_1050 = arith.muli %add3A_1048, %mul3A_1049 : i32
      %dma_start3A_1051 = arith.constant 0 : i32
      %dma_start3A_1052 = arith.constant 0 : i32
      %dma_start3A_1053 = arith.constant 256 : i32
      %dma_start3A_1054 = tpu.memref_slice %arg7[%dma_start3A_1051, %dma_start3A_1052, %dma_start3A_1053] : memref<2x32x512xf32, #tpu.memory_space<vmem>> -> memref<1x32x256xf32, #tpu.memory_space<vmem>>
      %dma_start3A_1055 = tpu.memref_squeeze %dma_start3A_1054 : memref<1x32x256xf32, #tpu.memory_space<vmem>> -> memref<32x256xf32, #tpu.memory_space<vmem>>
      %dma_start3A_1056 = tpu.memref_slice %arg5[%mul3A_1050] : memref<2048xi32, #tpu.memory_space<vmem>> -> memref<32xi32, #tpu.memory_space<vmem>>
      %dma_start3A_1057 = arith.constant 0 : i32
      %dma_start3A_1058 = arith.constant 0 : i32
      %dma_start3A_1059 = tpu.memref_slice %arg2[%dma_start3A_1057, %dma_start3A_1058] : memref<5000x256xf32, #tpu.memory_space<hbm>> -> memref<5000x256xf32, #tpu.memory_space<hbm>>
      tpu.enqueue_indirect_dma source(%dma_start3A_1059 : memref<5000x256xf32, #tpu.memory_space<hbm>>) target(%dma_start3A_1055 : memref<32x256xf32, #tpu.memory_space<vmem>>) offsets(%dma_start3A_1056 : memref<32xi32, #tpu.memory_space<vmem>>) semaphore(%arg10 : memref<!tpu.dma_semaphore, #tpu.memory_space<semaphore_mem>>)
      %mul3A_1060 = arith.constant 2 : i32
      %mul3A_1061 = arith.muli %mul3A_1060, %add3A_1044 : i32
      %add3A_1062 = arith.constant 1 : i32
      %add3A_1063 = arith.addi %mul3A_1061, %add3A_1062 : i32
      %mul3A_1064 = arith.constant 32 : i32
      %mul3A_1065 = arith.muli %add3A_1063, %mul3A_1064 : i32
      %dma_start3A_1066 = arith.constant 1 : i32
      %dma_start3A_1067 = arith.constant 0 : i32
      %dma_start3A_1068 = arith.constant 256 : i32
      %dma_start3A_1069 = tpu.memref_slice %arg7[%dma_start3A_1066, %dma_start3A_1067, %dma_start3A_1068] : memref<2x32x512xf32, #tpu.memory_space<vmem>> -> memref<1x32x256xf32, #tpu.memory_space<vmem>>
      %dma_start3A_1070 = tpu.memref_squeeze %dma_start3A_1069 : memref<1x32x256xf32, #tpu.memory_space<vmem>> -> memref<32x256xf32, #tpu.memory_space<vmem>>
      %dma_start3A_1071 = tpu.memref_slice %arg5[%mul3A_1065] : memref<2048xi32, #tpu.memory_space<vmem>> -> memref<32xi32, #tpu.memory_space<vmem>>
      %dma_start3A_1072 = arith.constant 0 : i32
      %dma_start3A_1073 = arith.constant 0 : i32
      %dma_start3A_1074 = tpu.memref_slice %arg2[%dma_start3A_1072, %dma_start3A_1073] : memref<5000x256xf32, #tpu.memory_space<hbm>> -> memref<5000x256xf32, #tpu.memory_space<hbm>>
      tpu.enqueue_indirect_dma source(%dma_start3A_1074 : memref<5000x256xf32, #tpu.memory_space<hbm>>) target(%dma_start3A_1070 : memref<32x256xf32, #tpu.memory_space<vmem>>) offsets(%dma_start3A_1071 : memref<32xi32, #tpu.memory_space<vmem>>) semaphore(%arg10 : memref<!tpu.dma_semaphore, #tpu.memory_space<semaphore_mem>>)
      %add3A_1075 = arith.constant 1 : i32
      %add3A_1076 = arith.addi %add3A_1037, %add3A_1075 : i32
      %mul3A_1077 = arith.constant 2 : i32
      %mul3A_1078 = arith.muli %mul3A_1077, %add3A_1076 : i32
      %add3A_1079 = arith.constant 0 : i32
      %add3A_1080 = arith.addi %mul3A_1078, %add3A_1079 : i32
      %get3A_1081 = arith.index_cast %add3A_1080 : i32 to index
      %get3A_1082 = arith.constant 0 : index
      %get3A_1083 = tpu.vector_load %arg6[%get3A_1081, %get3A_1082] {strides = array<i32>} : memref<64x256xf32, #tpu.memory_space<vmem>>, vector<16xf32>,
      %mul3A_1084 = arith.constant 2 : i32
      %mul3A_1085 = arith.muli %mul3A_1084, %add3A_1076 : i32
      %add3A_1086 = arith.constant 0 : i32
      %add3A_1087 = arith.addi %mul3A_1085, %add3A_1086 : i32
      %get3A_1088 = arith.index_cast %add3A_1087 : i32 to index
      %get3A_1089 = arith.constant 16 : index
      %get3A_1090 = tpu.vector_load %arg6[%get3A_1088, %get3A_1089] {strides = array<i32>} : memref<64x256xf32, #tpu.memory_space<vmem>>, vector<16xf32>,
      %mul3A_1091 = arith.constant 2 : i32
      %mul3A_1092 = arith.muli %mul3A_1091, %add3A_1076 : i32
      %add3A_1093 = arith.constant 0 : i32
      %add3A_1094 = arith.addi %mul3A_1092, %add3A_1093 : i32
      %get3A_1095 = arith.index_cast %add3A_1094 : i32 to index
      %get3A_1096 = arith.constant 32 : index
      %get3A_1097 = tpu.vector_load %arg6[%get3A_1095, %get3A_1096] {strides = array<i32>} : memref<64x256xf32, #tpu.memory_space<vmem>>, vector<16xf32>,
      %mul3A_1098 = arith.constant 2 : i32
      %mul3A_1099 = arith.muli %mul3A_1098, %add3A_1076 : i32
      %add3A_1100 = arith.constant 0 : i32
      %add3A_1101 = arith.addi %mul3A_1099, %add3A_1100 : i32
      %get3A_1102 = arith.index_cast %add3A_1101 : i32 to index
      %get3A_1103 = arith.constant 48 : index
      %get3A_1104 = tpu.vector_load %arg6[%get3A_1102, %get3A_1103] {strides = array<i32>} : memref<64x256xf32, #tpu.memory_space<vmem>>, vector<16xf32>,
      %mul3A_1105 = arith.constant 2 : i32
      %mul3A_1106 = arith.muli %mul3A_1105, %add3A_1076 : i32
      %add3A_1107 = arith.constant 0 : i32
      %add3A_1108 = arith.addi %mul3A_1106, %add3A_1107 : i32
      %get3A_1109 = arith.index_cast %add3A_1108 : i32 to index
      %get3A_1110 = arith.constant 64 : index
      %get3A_1111 = tpu.vector_load %arg6[%get3A_1109, %get3A_1110] {strides = array<i32>} : memref<64x256xf32, #tpu.memory_space<vmem>>, vector<16xf32>,
      %mul3A_1112 = arith.constant 2 : i32
      %mul3A_1113 = arith.muli %mul3A_1112, %add3A_1076 : i32
      %add3A_1114 = arith.constant 0 : i32
      %add3A_1115 = arith.addi %mul3A_1113, %add3A_1114 : i32
      %get3A_1116 = arith.index_cast %add3A_1115 : i32 to index
      %get3A_1117 = arith.constant 80 : index
      %get3A_1118 = tpu.vector_load %arg6[%get3A_1116, %get3A_1117] {strides = array<i32>} : memref<64x256xf32, #tpu.memory_space<vmem>>, vector<16xf32>,
      %mul3A_1119 = arith.constant 2 : i32
      %mul3A_1120 = arith.muli %mul3A_1119, %add3A_1076 : i32
      %add3A_1121 = arith.constant 0 : i32
      %add3A_1122 = arith.addi %mul3A_1120, %add3A_1121 : i32
      %get3A_1123 = arith.index_cast %add3A_1122 : i32 to index
      %get3A_1124 = arith.constant 96 : index
      %get3A_1125 = tpu.vector_load %arg6[%get3A_1123, %get3A_1124] {strides = array<i32>} : memref<64x256xf32, #tpu.memory_space<vmem>>, vector<16xf32>,
      %mul3A_1126 = arith.constant 2 : i32
      %mul3A_1127 = arith.muli %mul3A_1126, %add3A_1076 : i32
      %add3A_1128 = arith.constant 0 : i32
      %add3A_1129 = arith.addi %mul3A_1127, %add3A_1128 : i32
      %get3A_1130 = arith.index_cast %add3A_1129 : i32 to index
      %get3A_1131 = arith.constant 112 : index
      %get3A_1132 = tpu.vector_load %arg6[%get3A_1130, %get3A_1131] {strides = array<i32>} : memref<64x256xf32, #tpu.memory_space<vmem>>, vector<16xf32>,
      %mul3A_1133 = arith.constant 2 : i32
      %mul3A_1134 = arith.muli %mul3A_1133, %add3A_1076 : i32
      %add3A_1135 = arith.constant 0 : i32
      %add3A_1136 = arith.addi %mul3A_1134, %add3A_1135 : i32
      %get3A_1137 = arith.index_cast %add3A_1136 : i32 to index
      %get3A_1138 = arith.constant 128 : index
      %get3A_1139 = tpu.vector_load %arg6[%get3A_1137, %get3A_1138] {strides = array<i32>} : memref<64x256xf32, #tpu.memory_space<vmem>>, vector<16xf32>,
      %mul3A_1140 = arith.constant 2 : i32
      %mul3A_1141 = arith.muli %mul3A_1140, %add3A_1076 : i32
      %add3A_1142 = arith.constant 0 : i32
      %add3A_1143 = arith.addi %mul3A_1141, %add3A_1142 : i32
      %get3A_1144 = arith.index_cast %add3A_1143 : i32 to index
      %get3A_1145 = arith.constant 144 : index
      %get3A_1146 = tpu.vector_load %arg6[%get3A_1144, %get3A_1145] {strides = array<i32>} : memref<64x256xf32, #tpu.memory_space<vmem>>, vector<16xf32>,
      %mul3A_1147 = arith.constant 2 : i32
      %mul3A_1148 = arith.muli %mul3A_1147, %add3A_1076 : i32
      %add3A_1149 = arith.constant 0 : i32
      %add3A_1150 = arith.addi %mul3A_1148, %add3A_1149 : i32
      %get3A_1151 = arith.index_cast %add3A_1150 : i32 to index
      %get3A_1152 = arith.constant 160 : index
      %get3A_1153 = tpu.vector_load %arg6[%get3A_1151, %get3A_1152] {strides = array<i32>} : memref<64x256xf32, #tpu.memory_space<vmem>>, vector<16xf32>,
      %mul3A_1154 = arith.constant 2 : i32
      %mul3A_1155 = arith.muli %mul3A_1154, %add3A_1076 : i32
      %add3A_1156 = arith.constant 0 : i32
      %add3A_1157 = arith.addi %mul3A_1155, %add3A_1156 : i32
      %get3A_1158 = arith.index_cast %add3A_1157 : i32 to index
      %get3A_1159 = arith.constant 176 : index
      %get3A_1160 = tpu.vector_load %arg6[%get3A_1158, %get3A_1159] {strides = array<i32>} : memref<64x256xf32, #tpu.memory_space<vmem>>, vector<16xf32>,
      %mul3A_1161 = arith.constant 2 : i32
      %mul3A_1162 = arith.muli %mul3A_1161, %add3A_1076 : i32
      %add3A_1163 = arith.constant 0 : i32
      %add3A_1164 = arith.addi %mul3A_1162, %add3A_1163 : i32
      %get3A_1165 = arith.index_cast %add3A_1164 : i32 to index
      %get3A_1166 = arith.constant 192 : index
      %get3A_1167 = tpu.vector_load %arg6[%get3A_1165, %get3A_1166] {strides = array<i32>} : memref<64x256xf32, #tpu.memory_space<vmem>>, vector<16xf32>,
      %mul3A_1168 = arith.constant 2 : i32
      %mul3A_1169 = arith.muli %mul3A_1168, %add3A_1076 : i32
      %add3A_1170 = arith.constant 0 : i32
      %add3A_1171 = arith.addi %mul3A_1169, %add3A_1170 : i32
      %get3A_1172 = arith.index_cast %add3A_1171 : i32 to index
      %get3A_1173 = arith.constant 208 : index
      %get3A_1174 = tpu.vector_load %arg6[%get3A_1172, %get3A_1173] {strides = array<i32>} : memref<64x256xf32, #tpu.memory_space<vmem>>, vector<16xf32>,
      %mul3A_1175 = arith.constant 2 : i32
      %mul3A_1176 = arith.muli %mul3A_1175, %add3A_1076 : i32
      %add3A_1177 = arith.constant 0 : i32
      %add3A_1178 = arith.addi %mul3A_1176, %add3A_1177 : i32
      %get3A_1179 = arith.index_cast %add3A_1178 : i32 to index
      %get3A_1180 = arith.constant 224 : index
      %get3A_1181 = tpu.vector_load %arg6[%get3A_1179, %get3A_1180] {strides = array<i32>} : memref<64x256xf32, #tpu.memory_space<vmem>>, vector<16xf32>,
      %mul3A_1182 = arith.constant 2 : i32
      %mul3A_1183 = arith.muli %mul3A_1182, %add3A_1076 : i32
      %add3A_1184 = arith.constant 0 : i32
      %add3A_1185 = arith.addi %mul3A_1183, %add3A_1184 : i32
      %get3A_1186 = arith.index_cast %add3A_1185 : i32 to index
      %get3A_1187 = arith.constant 240 : index
      %get3A_1188 = tpu.vector_load %arg6[%get3A_1186, %get3A_1187] {strides = array<i32>} : memref<64x256xf32, #tpu.memory_space<vmem>>, vector<16xf32>,
      %mul3A_1189 = arith.constant 2 : i32
      %mul3A_1190 = arith.muli %mul3A_1189, %add3A_1076 : i32
      %add3A_1191 = arith.constant 1 : i32
      %add3A_1192 = arith.addi %mul3A_1190, %add3A_1191 : i32
      %get3A_1193 = arith.index_cast %add3A_1192 : i32 to index
      %get3A_1194 = arith.constant 0 : index
      %get3A_1195 = tpu.vector_load %arg6[%get3A_1193, %get3A_1194] {strides = array<i32>} : memref<64x256xf32, #tpu.memory_space<vmem>>, vector<16xf32>,
      %mul3A_1196 = arith.constant 2 : i32
      %mul3A_1197 = arith.muli %mul3A_1196, %add3A_1076 : i32
      %add3A_1198 = arith.constant 1 : i32
      %add3A_1199 = arith.addi %mul3A_1197, %add3A_1198 : i32
      %get3A_1200 = arith.index_cast %add3A_1199 : i32 to index
      %get3A_1201 = arith.constant 16 : index
      %get3A_1202 = tpu.vector_load %arg6[%get3A_1200, %get3A_1201] {strides = array<i32>} : memref<64x256xf32, #tpu.memory_space<vmem>>, vector<16xf32>,
      %mul3A_1203 = arith.constant 2 : i32
      %mul3A_1204 = arith.muli %mul3A_1203, %add3A_1076 : i32
      %add3A_1205 = arith.constant 1 : i32
      %add3A_1206 = arith.addi %mul3A_1204, %add3A_1205 : i32
      %get3A_1207 = arith.index_cast %add3A_1206 : i32 to index
      %get3A_1208 = arith.constant 32 : index
      %get3A_1209 = tpu.vector_load %arg6[%get3A_1207, %get3A_1208] {strides = array<i32>} : memref<64x256xf32, #tpu.memory_space<vmem>>, vector<16xf32>,
      %mul3A_1210 = arith.constant 2 : i32
      %mul3A_1211 = arith.muli %mul3A_1210, %add3A_1076 : i32
      %add3A_1212 = arith.constant 1 : i32
      %add3A_1213 = arith.addi %mul3A_1211, %add3A_1212 : i32
      %get3A_1214 = arith.index_cast %add3A_1213 : i32 to index
      %get3A_1215 = arith.constant 48 : index
      %get3A_1216 = tpu.vector_load %arg6[%get3A_1214, %get3A_1215] {strides = array<i32>} : memref<64x256xf32, #tpu.memory_space<vmem>>, vector<16xf32>,
      %mul3A_1217 = arith.constant 2 : i32
      %mul3A_1218 = arith.muli %mul3A_1217, %add3A_1076 : i32
      %add3A_1219 = arith.constant 1 : i32
      %add3A_1220 = arith.addi %mul3A_1218, %add3A_1219 : i32
      %get3A_1221 = arith.index_cast %add3A_1220 : i32 to index
      %get3A_1222 = arith.constant 64 : index
      %get3A_1223 = tpu.vector_load %arg6[%get3A_1221, %get3A_1222] {strides = array<i32>} : memref<64x256xf32, #tpu.memory_space<vmem>>, vector<16xf32>,
      %mul3A_1224 = arith.constant 2 : i32
      %mul3A_1225 = arith.muli %mul3A_1224, %add3A_1076 : i32
      %add3A_1226 = arith.constant 1 : i32
      %add3A_1227 = arith.addi %mul3A_1225, %add3A_1226 : i32
      %get3A_1228 = arith.index_cast %add3A_1227 : i32 to index
      %get3A_1229 = arith.constant 80 : index
      %get3A_1230 = tpu.vector_load %arg6[%get3A_1228, %get3A_1229] {strides = array<i32>} : memref<64x256xf32, #tpu.memory_space<vmem>>, vector<16xf32>,
      %mul3A_1231 = arith.constant 2 : i32
      %mul3A_1232 = arith.muli %mul3A_1231, %add3A_1076 : i32
      %add3A_1233 = arith.constant 1 : i32
      %add3A_1234 = arith.addi %mul3A_1232, %add3A_1233 : i32
      %get3A_1235 = arith.index_cast %add3A_1234 : i32 to index
      %get3A_1236 = arith.constant 96 : index
      %get3A_1237 = tpu.vector_load %arg6[%get3A_1235, %get3A_1236] {strides = array<i32>} : memref<64x256xf32, #tpu.memory_space<vmem>>, vector<16xf32>,
      %mul3A_1238 = arith.constant 2 : i32
      %mul3A_1239 = arith.muli %mul3A_1238, %add3A_1076 : i32
      %add3A_1240 = arith.constant 1 : i32
      %add3A_1241 = arith.addi %mul3A_1239, %add3A_1240 : i32
      %get3A_1242 = arith.index_cast %add3A_1241 : i32 to index
      %get3A_1243 = arith.constant 112 : index
      %get3A_1244 = tpu.vector_load %arg6[%get3A_1242, %get3A_1243] {strides = array<i32>} : memref<64x256xf32, #tpu.memory_space<vmem>>, vector<16xf32>,
      %mul3A_1245 = arith.constant 2 : i32
      %mul3A_1246 = arith.muli %mul3A_1245, %add3A_1076 : i32
      %add3A_1247 = arith.constant 1 : i32
      %add3A_1248 = arith.addi %mul3A_1246, %add3A_1247 : i32
      %get3A_1249 = arith.index_cast %add3A_1248 : i32 to index
      %get3A_1250 = arith.constant 128 : index
      %get3A_1251 = tpu.vector_load %arg6[%get3A_1249, %get3A_1250] {strides = array<i32>} : memref<64x256xf32, #tpu.memory_space<vmem>>, vector<16xf32>,
      %mul3A_1252 = arith.constant 2 : i32
      %mul3A_1253 = arith.muli %mul3A_1252, %add3A_1076 : i32
      %add3A_1254 = arith.constant 1 : i32
      %add3A_1255 = arith.addi %mul3A_1253, %add3A_1254 : i32
      %get3A_1256 = arith.index_cast %add3A_1255 : i32 to index
      %get3A_1257 = arith.constant 144 : index
      %get3A_1258 = tpu.vector_load %arg6[%get3A_1256, %get3A_1257] {strides = array<i32>} : memref<64x256xf32, #tpu.memory_space<vmem>>, vector<16xf32>,
      %mul3A_1259 = arith.constant 2 : i32
      %mul3A_1260 = arith.muli %mul3A_1259, %add3A_1076 : i32
      %add3A_1261 = arith.constant 1 : i32
      %add3A_1262 = arith.addi %mul3A_1260, %add3A_1261 : i32
      %get3A_1263 = arith.index_cast %add3A_1262 : i32 to index
      %get3A_1264 = arith.constant 160 : index
      %get3A_1265 = tpu.vector_load %arg6[%get3A_1263, %get3A_1264] {strides = array<i32>} : memref<64x256xf32, #tpu.memory_space<vmem>>, vector<16xf32>,
      %mul3A_1266 = arith.constant 2 : i32
      %mul3A_1267 = arith.muli %mul3A_1266, %add3A_1076 : i32
      %add3A_1268 = arith.constant 1 : i32
      %add3A_1269 = arith.addi %mul3A_1267, %add3A_1268 : i32
      %get3A_1270 = arith.index_cast %add3A_1269 : i32 to index
      %get3A_1271 = arith.constant 176 : index
      %get3A_1272 = tpu.vector_load %arg6[%get3A_1270, %get3A_1271] {strides = array<i32>} : memref<64x256xf32, #tpu.memory_space<vmem>>, vector<16xf32>,
      %mul3A_1273 = arith.constant 2 : i32
      %mul3A_1274 = arith.muli %mul3A_1273, %add3A_1076 : i32
      %add3A_1275 = arith.constant 1 : i32
      %add3A_1276 = arith.addi %mul3A_1274, %add3A_1275 : i32
      %get3A_1277 = arith.index_cast %add3A_1276 : i32 to index
      %get3A_1278 = arith.constant 192 : index
      %get3A_1279 = tpu.vector_load %arg6[%get3A_1277, %get3A_1278] {strides = array<i32>} : memref<64x256xf32, #tpu.memory_space<vmem>>, vector<16xf32>,
      %mul3A_1280 = arith.constant 2 : i32
      %mul3A_1281 = arith.muli %mul3A_1280, %add3A_1076 : i32
      %add3A_1282 = arith.constant 1 : i32
      %add3A_1283 = arith.addi %mul3A_1281, %add3A_1282 : i32
      %get3A_1284 = arith.index_cast %add3A_1283 : i32 to index
      %get3A_1285 = arith.constant 208 : index
      %get3A_1286 = tpu.vector_load %arg6[%get3A_1284, %get3A_1285] {strides = array<i32>} : memref<64x256xf32, #tpu.memory_space<vmem>>, vector<16xf32>,
      %mul3A_1287 = arith.constant 2 : i32
      %mul3A_1288 = arith.muli %mul3A_1287, %add3A_1076 : i32
      %add3A_1289 = arith.constant 1 : i32
      %add3A_1290 = arith.addi %mul3A_1288, %add3A_1289 : i32
      %get3A_1291 = arith.index_cast %add3A_1290 : i32 to index
      %get3A_1292 = arith.constant 224 : index
      %get3A_1293 = tpu.vector_load %arg6[%get3A_1291, %get3A_1292] {strides = array<i32>} : memref<64x256xf32, #tpu.memory_space<vmem>>, vector<16xf32>,
      %mul3A_1294 = arith.constant 2 : i32
      %mul3A_1295 = arith.muli %mul3A_1294, %add3A_1076 : i32
      %add3A_1296 = arith.constant 1 : i32
      %add3A_1297 = arith.addi %mul3A_1295, %add3A_1296 : i32
      %get3A_1298 = arith.index_cast %add3A_1297 : i32 to index
      %get3A_1299 = arith.constant 240 : index
      %get3A_1300 = tpu.vector_load %arg6[%get3A_1298, %get3A_1299] {strides = array<i32>} : memref<64x256xf32, #tpu.memory_space<vmem>>, vector<16xf32>,
      %scan3A_1301 = arith.constant 0 : i32
      %scan3A_1302 = arith.constant 0 : i32
      %scan3A_1303 = arith.constant 32 : i32
      %scan3A_1304 = arith.addi %scan3A_1302, %scan3A_1303 : i32
      %scan3A_1305 = arith.constant 1 : i32
      scf.for %scan3A_1346 = %scan3A_1302 to %scan3A_1304 step %scan3A_1305  : i32 {
        %swap3A = arith.constant 0 : i32
        %swap3A_1347 = arith.index_cast %swap3A : i32 to index
        %swap3A_1348 = arith.index_cast %scan3A_1346 : i32 to index
        %swap3A_1349 = arith.constant 0 : index
        %swap3A_1350 = tpu.vector_load %arg7[%swap3A_1347, %swap3A_1348, %swap3A_1349] {strides = array<i32>} : memref<2x32x512xf32, #tpu.memory_space<vmem>>, vector<16xf32>,
        tpu.vector_store %arg7[%swap3A_1347, %swap3A_1348, %swap3A_1349], %get3A_1083 {strides = array<i32>} : memref<2x32x512xf32, #tpu.memory_space<vmem>>, vector<16xf32>,
        %swap3A_1351 = arith.constant 0 : i32
        %swap3A_1352 = arith.index_cast %swap3A_1351 : i32 to index
        %swap3A_1353 = arith.index_cast %scan3A_1346 : i32 to index
        %swap3A_1354 = arith.constant 16 : index
        %swap3A_1355 = tpu.vector_load %arg7[%swap3A_1352, %swap3A_1353, %swap3A_1354] {strides = array<i32>} : memref<2x32x512xf32, #tpu.memory_space<vmem>>, vector<16xf32>,
        tpu.vector_store %arg7[%swap3A_1352, %swap3A_1353, %swap3A_1354], %get3A_1090 {strides = array<i32>} : memref<2x32x512xf32, #tpu.memory_space<vmem>>, vector<16xf32>,
        %swap3A_1356 = arith.constant 0 : i32
        %swap3A_1357 = arith.index_cast %swap3A_1356 : i32 to index
        %swap3A_1358 = arith.index_cast %scan3A_1346 : i32 to index
        %swap3A_1359 = arith.constant 32 : index
        %swap3A_1360 = tpu.vector_load %arg7[%swap3A_1357, %swap3A_1358, %swap3A_1359] {strides = array<i32>} : memref<2x32x512xf32, #tpu.memory_space<vmem>>, vector<16xf32>,
        tpu.vector_store %arg7[%swap3A_1357, %swap3A_1358, %swap3A_1359], %get3A_1097 {strides = array<i32>} : memref<2x32x512xf32, #tpu.memory_space<vmem>>, vector<16xf32>,
        %swap3A_1361 = arith.constant 0 : i32
        %swap3A_1362 = arith.index_cast %swap3A_1361 : i32 to index
        %swap3A_1363 = arith.index_cast %scan3A_1346 : i32 to index
        %swap3A_1364 = arith.constant 48 : index
        %swap3A_1365 = tpu.vector_load %arg7[%swap3A_1362, %swap3A_1363, %swap3A_1364] {strides = array<i32>} : memref<2x32x512xf32, #tpu.memory_space<vmem>>, vector<16xf32>,
        tpu.vector_store %arg7[%swap3A_1362, %swap3A_1363, %swap3A_1364], %get3A_1104 {strides = array<i32>} : memref<2x32x512xf32, #tpu.memory_space<vmem>>, vector<16xf32>,
        %swap3A_1366 = arith.constant 0 : i32
        %swap3A_1367 = arith.index_cast %swap3A_1366 : i32 to index
        %swap3A_1368 = arith.index_cast %scan3A_1346 : i32 to index
        %swap3A_1369 = arith.constant 64 : index
        %swap3A_1370 = tpu.vector_load %arg7[%swap3A_1367, %swap3A_1368, %swap3A_1369] {strides = array<i32>} : memref<2x32x512xf32, #tpu.memory_space<vmem>>, vector<16xf32>,
        tpu.vector_store %arg7[%swap3A_1367, %swap3A_1368, %swap3A_1369], %get3A_1111 {strides = array<i32>} : memref<2x32x512xf32, #tpu.memory_space<vmem>>, vector<16xf32>,
        %swap3A_1371 = arith.constant 0 : i32
        %swap3A_1372 = arith.index_cast %swap3A_1371 : i32 to index
        %swap3A_1373 = arith.index_cast %scan3A_1346 : i32 to index
        %swap3A_1374 = arith.constant 80 : index
        %swap3A_1375 = tpu.vector_load %arg7[%swap3A_1372, %swap3A_1373, %swap3A_1374] {strides = array<i32>} : memref<2x32x512xf32, #tpu.memory_space<vmem>>, vector<16xf32>,
        tpu.vector_store %arg7[%swap3A_1372, %swap3A_1373, %swap3A_1374], %get3A_1118 {strides = array<i32>} : memref<2x32x512xf32, #tpu.memory_space<vmem>>, vector<16xf32>,
        %swap3A_1376 = arith.constant 0 : i32
        %swap3A_1377 = arith.index_cast %swap3A_1376 : i32 to index
        %swap3A_1378 = arith.index_cast %scan3A_1346 : i32 to index
        %swap3A_1379 = arith.constant 96 : index
        %swap3A_1380 = tpu.vector_load %arg7[%swap3A_1377, %swap3A_1378, %swap3A_1379] {strides = array<i32>} : memref<2x32x512xf32, #tpu.memory_space<vmem>>, vector<16xf32>,
        tpu.vector_store %arg7[%swap3A_1377, %swap3A_1378, %swap3A_1379], %get3A_1125 {strides = array<i32>} : memref<2x32x512xf32, #tpu.memory_space<vmem>>, vector<16xf32>,
        %swap3A_1381 = arith.constant 0 : i32
        %swap3A_1382 = arith.index_cast %swap3A_1381 : i32 to index
        %swap3A_1383 = arith.index_cast %scan3A_1346 : i32 to index
        %swap3A_1384 = arith.constant 112 : index
        %swap3A_1385 = tpu.vector_load %arg7[%swap3A_1382, %swap3A_1383, %swap3A_1384] {strides = array<i32>} : memref<2x32x512xf32, #tpu.memory_space<vmem>>, vector<16xf32>,
        tpu.vector_store %arg7[%swap3A_1382, %swap3A_1383, %swap3A_1384], %get3A_1132 {strides = array<i32>} : memref<2x32x512xf32, #tpu.memory_space<vmem>>, vector<16xf32>,
        %swap3A_1386 = arith.constant 0 : i32
        %swap3A_1387 = arith.index_cast %swap3A_1386 : i32 to index
        %swap3A_1388 = arith.index_cast %scan3A_1346 : i32 to index
        %swap3A_1389 = arith.constant 128 : index
        %swap3A_1390 = tpu.vector_load %arg7[%swap3A_1387, %swap3A_1388, %swap3A_1389] {strides = array<i32>} : memref<2x32x512xf32, #tpu.memory_space<vmem>>, vector<16xf32>,
        tpu.vector_store %arg7[%swap3A_1387, %swap3A_1388, %swap3A_1389], %get3A_1139 {strides = array<i32>} : memref<2x32x512xf32, #tpu.memory_space<vmem>>, vector<16xf32>,
        %swap3A_1391 = arith.constant 0 : i32
        %swap3A_1392 = arith.index_cast %swap3A_1391 : i32 to index
        %swap3A_1393 = arith.index_cast %scan3A_1346 : i32 to index
        %swap3A_1394 = arith.constant 144 : index
        %swap3A_1395 = tpu.vector_load %arg7[%swap3A_1392, %swap3A_1393, %swap3A_1394] {strides = array<i32>} : memref<2x32x512xf32, #tpu.memory_space<vmem>>, vector<16xf32>,
        tpu.vector_store %arg7[%swap3A_1392, %swap3A_1393, %swap3A_1394], %get3A_1146 {strides = array<i32>} : memref<2x32x512xf32, #tpu.memory_space<vmem>>, vector<16xf32>,
        %swap3A_1396 = arith.constant 0 : i32
        %swap3A_1397 = arith.index_cast %swap3A_1396 : i32 to index
        %swap3A_1398 = arith.index_cast %scan3A_1346 : i32 to index
        %swap3A_1399 = arith.constant 160 : index
        %swap3A_1400 = tpu.vector_load %arg7[%swap3A_1397, %swap3A_1398, %swap3A_1399] {strides = array<i32>} : memref<2x32x512xf32, #tpu.memory_space<vmem>>, vector<16xf32>,
        tpu.vector_store %arg7[%swap3A_1397, %swap3A_1398, %swap3A_1399], %get3A_1153 {strides = array<i32>} : memref<2x32x512xf32, #tpu.memory_space<vmem>>, vector<16xf32>,
        %swap3A_1401 = arith.constant 0 : i32
        %swap3A_1402 = arith.index_cast %swap3A_1401 : i32 to index
        %swap3A_1403 = arith.index_cast %scan3A_1346 : i32 to index
        %swap3A_1404 = arith.constant 176 : index
        %swap3A_1405 = tpu.vector_load %arg7[%swap3A_1402, %swap3A_1403, %swap3A_1404] {strides = array<i32>} : memref<2x32x512xf32, #tpu.memory_space<vmem>>, vector<16xf32>,
        tpu.vector_store %arg7[%swap3A_1402, %swap3A_1403, %swap3A_1404], %get3A_1160 {strides = array<i32>} : memref<2x32x512xf32, #tpu.memory_space<vmem>>, vector<16xf32>,
        %swap3A_1406 = arith.constant 0 : i32
        %swap3A_1407 = arith.index_cast %swap3A_1406 : i32 to index
        %swap3A_1408 = arith.index_cast %scan3A_1346 : i32 to index
        %swap3A_1409 = arith.constant 192 : index
        %swap3A_1410 = tpu.vector_load %arg7[%swap3A_1407, %swap3A_1408, %swap3A_1409] {strides = array<i32>} : memref<2x32x512xf32, #tpu.memory_space<vmem>>, vector<16xf32>,
        tpu.vector_store %arg7[%swap3A_1407, %swap3A_1408, %swap3A_1409], %get3A_1167 {strides = array<i32>} : memref<2x32x512xf32, #tpu.memory_space<vmem>>, vector<16xf32>,
        %swap3A_1411 = arith.constant 0 : i32
        %swap3A_1412 = arith.index_cast %swap3A_1411 : i32 to index
        %swap3A_1413 = arith.index_cast %scan3A_1346 : i32 to index
        %swap3A_1414 = arith.constant 208 : index
        %swap3A_1415 = tpu.vector_load %arg7[%swap3A_1412, %swap3A_1413, %swap3A_1414] {strides = array<i32>} : memref<2x32x512xf32, #tpu.memory_space<vmem>>, vector<16xf32>,
        tpu.vector_store %arg7[%swap3A_1412, %swap3A_1413, %swap3A_1414], %get3A_1174 {strides = array<i32>} : memref<2x32x512xf32, #tpu.memory_space<vmem>>, vector<16xf32>,
        %swap3A_1416 = arith.constant 0 : i32
        %swap3A_1417 = arith.index_cast %swap3A_1416 : i32 to index
        %swap3A_1418 = arith.index_cast %scan3A_1346 : i32 to index
        %swap3A_1419 = arith.constant 224 : index
        %swap3A_1420 = tpu.vector_load %arg7[%swap3A_1417, %swap3A_1418, %swap3A_1419] {strides = array<i32>} : memref<2x32x512xf32, #tpu.memory_space<vmem>>, vector<16xf32>,
        tpu.vector_store %arg7[%swap3A_1417, %swap3A_1418, %swap3A_1419], %get3A_1181 {strides = array<i32>} : memref<2x32x512xf32, #tpu.memory_space<vmem>>, vector<16xf32>,
        %swap3A_1421 = arith.constant 0 : i32
        %swap3A_1422 = arith.index_cast %swap3A_1421 : i32 to index
        %swap3A_1423 = arith.index_cast %scan3A_1346 : i32 to index
        %swap3A_1424 = arith.constant 240 : index
        %swap3A_1425 = tpu.vector_load %arg7[%swap3A_1422, %swap3A_1423, %swap3A_1424] {strides = array<i32>} : memref<2x32x512xf32, #tpu.memory_space<vmem>>, vector<16xf32>,
        tpu.vector_store %arg7[%swap3A_1422, %swap3A_1423, %swap3A_1424], %get3A_1188 {strides = array<i32>} : memref<2x32x512xf32, #tpu.memory_space<vmem>>, vector<16xf32>,
        %swap3A_1426 = arith.constant 1 : i32
        %swap3A_1427 = arith.index_cast %swap3A_1426 : i32 to index
        %swap3A_1428 = arith.index_cast %scan3A_1346 : i32 to index
        %swap3A_1429 = arith.constant 0 : index
        %swap3A_1430 = tpu.vector_load %arg7[%swap3A_1427, %swap3A_1428, %swap3A_1429] {strides = array<i32>} : memref<2x32x512xf32, #tpu.memory_space<vmem>>, vector<16xf32>,
        tpu.vector_store %arg7[%swap3A_1427, %swap3A_1428, %swap3A_1429], %get3A_1195 {strides = array<i32>} : memref<2x32x512xf32, #tpu.memory_space<vmem>>, vector<16xf32>,
        %swap3A_1431 = arith.constant 1 : i32
        %swap3A_1432 = arith.index_cast %swap3A_1431 : i32 to index
        %swap3A_1433 = arith.index_cast %scan3A_1346 : i32 to index
        %swap3A_1434 = arith.constant 16 : index
        %swap3A_1435 = tpu.vector_load %arg7[%swap3A_1432, %swap3A_1433, %swap3A_1434] {strides = array<i32>} : memref<2x32x512xf32, #tpu.memory_space<vmem>>, vector<16xf32>,
        tpu.vector_store %arg7[%swap3A_1432, %swap3A_1433, %swap3A_1434], %get3A_1202 {strides = array<i32>} : memref<2x32x512xf32, #tpu.memory_space<vmem>>, vector<16xf32>,
        %swap3A_1436 = arith.constant 1 : i32
        %swap3A_1437 = arith.index_cast %swap3A_1436 : i32 to index
        %swap3A_1438 = arith.index_cast %scan3A_1346 : i32 to index
        %swap3A_1439 = arith.constant 32 : index
        %swap3A_1440 = tpu.vector_load %arg7[%swap3A_1437, %swap3A_1438, %swap3A_1439] {strides = array<i32>} : memref<2x32x512xf32, #tpu.memory_space<vmem>>, vector<16xf32>,
        tpu.vector_store %arg7[%swap3A_1437, %swap3A_1438, %swap3A_1439], %get3A_1209 {strides = array<i32>} : memref<2x32x512xf32, #tpu.memory_space<vmem>>, vector<16xf32>,
        %swap3A_1441 = arith.constant 1 : i32
        %swap3A_1442 = arith.index_cast %swap3A_1441 : i32 to index
        %swap3A_1443 = arith.index_cast %scan3A_1346 : i32 to index
        %swap3A_1444 = arith.constant 48 : index
        %swap3A_1445 = tpu.vector_load %arg7[%swap3A_1442, %swap3A_1443, %swap3A_1444] {strides = array<i32>} : memref<2x32x512xf32, #tpu.memory_space<vmem>>, vector<16xf32>,
        tpu.vector_store %arg7[%swap3A_1442, %swap3A_1443, %swap3A_1444], %get3A_1216 {strides = array<i32>} : memref<2x32x512xf32, #tpu.memory_space<vmem>>, vector<16xf32>,
        %swap3A_1446 = arith.constant 1 : i32
        %swap3A_1447 = arith.index_cast %swap3A_1446 : i32 to index
        %swap3A_1448 = arith.index_cast %scan3A_1346 : i32 to index
        %swap3A_1449 = arith.constant 64 : index
        %swap3A_1450 = tpu.vector_load %arg7[%swap3A_1447, %swap3A_1448, %swap3A_1449] {strides = array<i32>} : memref<2x32x512xf32, #tpu.memory_space<vmem>>, vector<16xf32>,
        tpu.vector_store %arg7[%swap3A_1447, %swap3A_1448, %swap3A_1449], %get3A_1223 {strides = array<i32>} : memref<2x32x512xf32, #tpu.memory_space<vmem>>, vector<16xf32>,
        %swap3A_1451 = arith.constant 1 : i32
        %swap3A_1452 = arith.index_cast %swap3A_1451 : i32 to index
        %swap3A_1453 = arith.index_cast %scan3A_1346 : i32 to index
        %swap3A_1454 = arith.constant 80 : index
        %swap3A_1455 = tpu.vector_load %arg7[%swap3A_1452, %swap3A_1453, %swap3A_1454] {strides = array<i32>} : memref<2x32x512xf32, #tpu.memory_space<vmem>>, vector<16xf32>,
        tpu.vector_store %arg7[%swap3A_1452, %swap3A_1453, %swap3A_1454], %get3A_1230 {strides = array<i32>} : memref<2x32x512xf32, #tpu.memory_space<vmem>>, vector<16xf32>,
        %swap3A_1456 = arith.constant 1 : i32
        %swap3A_1457 = arith.index_cast %swap3A_1456 : i32 to index
        %swap3A_1458 = arith.index_cast %scan3A_1346 : i32 to index
        %swap3A_1459 = arith.constant 96 : index
        %swap3A_1460 = tpu.vector_load %arg7[%swap3A_1457, %swap3A_1458, %swap3A_1459] {strides = array<i32>} : memref<2x32x512xf32, #tpu.memory_space<vmem>>, vector<16xf32>,
        tpu.vector_store %arg7[%swap3A_1457, %swap3A_1458, %swap3A_1459], %get3A_1237 {strides = array<i32>} : memref<2x32x512xf32, #tpu.memory_space<vmem>>, vector<16xf32>,
        %swap3A_1461 = arith.constant 1 : i32
        %swap3A_1462 = arith.index_cast %swap3A_1461 : i32 to index
        %swap3A_1463 = arith.index_cast %scan3A_1346 : i32 to index
        %swap3A_1464 = arith.constant 112 : index
        %swap3A_1465 = tpu.vector_load %arg7[%swap3A_1462, %swap3A_1463, %swap3A_1464] {strides = array<i32>} : memref<2x32x512xf32, #tpu.memory_space<vmem>>, vector<16xf32>,
        tpu.vector_store %arg7[%swap3A_1462, %swap3A_1463, %swap3A_1464], %get3A_1244 {strides = array<i32>} : memref<2x32x512xf32, #tpu.memory_space<vmem>>, vector<16xf32>,
        %swap3A_1466 = arith.constant 1 : i32
        %swap3A_1467 = arith.index_cast %swap3A_1466 : i32 to index
        %swap3A_1468 = arith.index_cast %scan3A_1346 : i32 to index
        %swap3A_1469 = arith.constant 128 : index
        %swap3A_1470 = tpu.vector_load %arg7[%swap3A_1467, %swap3A_1468, %swap3A_1469] {strides = array<i32>} : memref<2x32x512xf32, #tpu.memory_space<vmem>>, vector<16xf32>,
        tpu.vector_store %arg7[%swap3A_1467, %swap3A_1468, %swap3A_1469], %get3A_1251 {strides = array<i32>} : memref<2x32x512xf32, #tpu.memory_space<vmem>>, vector<16xf32>,
        %swap3A_1471 = arith.constant 1 : i32
        %swap3A_1472 = arith.index_cast %swap3A_1471 : i32 to index
        %swap3A_1473 = arith.index_cast %scan3A_1346 : i32 to index
        %swap3A_1474 = arith.constant 144 : index
        %swap3A_1475 = tpu.vector_load %arg7[%swap3A_1472, %swap3A_1473, %swap3A_1474] {strides = array<i32>} : memref<2x32x512xf32, #tpu.memory_space<vmem>>, vector<16xf32>,
        tpu.vector_store %arg7[%swap3A_1472, %swap3A_1473, %swap3A_1474], %get3A_1258 {strides = array<i32>} : memref<2x32x512xf32, #tpu.memory_space<vmem>>, vector<16xf32>,
        %swap3A_1476 = arith.constant 1 : i32
        %swap3A_1477 = arith.index_cast %swap3A_1476 : i32 to index
        %swap3A_1478 = arith.index_cast %scan3A_1346 : i32 to index
        %swap3A_1479 = arith.constant 160 : index
        %swap3A_1480 = tpu.vector_load %arg7[%swap3A_1477, %swap3A_1478, %swap3A_1479] {strides = array<i32>} : memref<2x32x512xf32, #tpu.memory_space<vmem>>, vector<16xf32>,
        tpu.vector_store %arg7[%swap3A_1477, %swap3A_1478, %swap3A_1479], %get3A_1265 {strides = array<i32>} : memref<2x32x512xf32, #tpu.memory_space<vmem>>, vector<16xf32>,
        %swap3A_1481 = arith.constant 1 : i32
        %swap3A_1482 = arith.index_cast %swap3A_1481 : i32 to index
        %swap3A_1483 = arith.index_cast %scan3A_1346 : i32 to index
        %swap3A_1484 = arith.constant 176 : index
        %swap3A_1485 = tpu.vector_load %arg7[%swap3A_1482, %swap3A_1483, %swap3A_1484] {strides = array<i32>} : memref<2x32x512xf32, #tpu.memory_space<vmem>>, vector<16xf32>,
        tpu.vector_store %arg7[%swap3A_1482, %swap3A_1483, %swap3A_1484], %get3A_1272 {strides = array<i32>} : memref<2x32x512xf32, #tpu.memory_space<vmem>>, vector<16xf32>,
        %swap3A_1486 = arith.constant 1 : i32
        %swap3A_1487 = arith.index_cast %swap3A_1486 : i32 to index
        %swap3A_1488 = arith.index_cast %scan3A_1346 : i32 to index
        %swap3A_1489 = arith.constant 192 : index
        %swap3A_1490 = tpu.vector_load %arg7[%swap3A_1487, %swap3A_1488, %swap3A_1489] {strides = array<i32>} : memref<2x32x512xf32, #tpu.memory_space<vmem>>, vector<16xf32>,
        tpu.vector_store %arg7[%swap3A_1487, %swap3A_1488, %swap3A_1489], %get3A_1279 {strides = array<i32>} : memref<2x32x512xf32, #tpu.memory_space<vmem>>, vector<16xf32>,
        %swap3A_1491 = arith.constant 1 : i32
        %swap3A_1492 = arith.index_cast %swap3A_1491 : i32 to index
        %swap3A_1493 = arith.index_cast %scan3A_1346 : i32 to index
        %swap3A_1494 = arith.constant 208 : index
        %swap3A_1495 = tpu.vector_load %arg7[%swap3A_1492, %swap3A_1493, %swap3A_1494] {strides = array<i32>} : memref<2x32x512xf32, #tpu.memory_space<vmem>>, vector<16xf32>,
        tpu.vector_store %arg7[%swap3A_1492, %swap3A_1493, %swap3A_1494], %get3A_1286 {strides = array<i32>} : memref<2x32x512xf32, #tpu.memory_space<vmem>>, vector<16xf32>,
        %swap3A_1496 = arith.constant 1 : i32
        %swap3A_1497 = arith.index_cast %swap3A_1496 : i32 to index
        %swap3A_1498 = arith.index_cast %scan3A_1346 : i32 to index
        %swap3A_1499 = arith.constant 224 : index
        %swap3A_1500 = tpu.vector_load %arg7[%swap3A_1497, %swap3A_1498, %swap3A_1499] {strides = array<i32>} : memref<2x32x512xf32, #tpu.memory_space<vmem>>, vector<16xf32>,
        tpu.vector_store %arg7[%swap3A_1497, %swap3A_1498, %swap3A_1499], %get3A_1293 {strides = array<i32>} : memref<2x32x512xf32, #tpu.memory_space<vmem>>, vector<16xf32>,
        %swap3A_1501 = arith.constant 1 : i32
        %swap3A_1502 = arith.index_cast %swap3A_1501 : i32 to index
        %swap3A_1503 = arith.index_cast %scan3A_1346 : i32 to index
        %swap3A_1504 = arith.constant 240 : index
        %swap3A_1505 = tpu.vector_load %arg7[%swap3A_1502, %swap3A_1503, %swap3A_1504] {strides = array<i32>} : memref<2x32x512xf32, #tpu.memory_space<vmem>>, vector<16xf32>,
        tpu.vector_store %arg7[%swap3A_1502, %swap3A_1503, %swap3A_1504], %get3A_1300 {strides = array<i32>} : memref<2x32x512xf32, #tpu.memory_space<vmem>>, vector<16xf32>,
      }
      %scan3A_1306 = arith.constant 32 : i32
      %mul3A_1307 = arith.constant 2 : i32
      %mul3A_1308 = arith.muli %mul3A_1307, %add3A_1037 : i32
      %add3A_1309 = arith.constant 0 : i32
      %add3A_1310 = arith.addi %mul3A_1308, %add3A_1309 : i32
      %mul3A_1311 = arith.constant 32 : i32
      %mul3A_1312 = arith.muli %add3A_1310, %mul3A_1311 : i32
      %dma_wait3A_1313 = arith.constant 0 : i32
      %dma_wait3A_1314 = arith.constant 0 : i32
      %dma_wait3A_1315 = arith.constant 256 : i32
      %dma_wait3A_1316 = tpu.memref_slice %arg9[%dma_wait3A_1313, %dma_wait3A_1314, %dma_wait3A_1315] : memref<2x32x512xf32, #tpu.memory_space<vmem>> -> memref<1x32x256xf32, #tpu.memory_space<vmem>>
      %dma_wait3A_1317 = tpu.memref_squeeze %dma_wait3A_1316 : memref<1x32x256xf32, #tpu.memory_space<vmem>> -> memref<32x256xf32, #tpu.memory_space<vmem>>
      %dma_wait3A_1318 = tpu.memref_slice %arg5[%mul3A_1312] : memref<2048xi32, #tpu.memory_space<vmem>> -> memref<32xi32, #tpu.memory_space<vmem>>
      %dma_wait3A_1319 = arith.constant 0 : i32
      %dma_wait3A_1320 = arith.constant 0 : i32
      %dma_wait3A_1321 = tpu.memref_slice %arg2[%dma_wait3A_1319, %dma_wait3A_1320] : memref<5000x256xf32, #tpu.memory_space<hbm>> -> memref<5000x256xf32, #tpu.memory_space<hbm>>
      tpu.wait_indirect_dma semaphore(%arg12 : memref<!tpu.dma_semaphore, #tpu.memory_space<semaphore_mem>>) src(%dma_wait3A_1321 : memref<5000x256xf32, #tpu.memory_space<hbm>>) dst(%dma_wait3A_1317 : memref<32x256xf32, #tpu.memory_space<vmem>>)
      %mul3A_1322 = arith.constant 2 : i32
      %mul3A_1323 = arith.muli %mul3A_1322, %add3A_1037 : i32
      %add3A_1324 = arith.constant 1 : i32
      %add3A_1325 = arith.addi %mul3A_1323, %add3A_1324 : i32
      %mul3A_1326 = arith.constant 32 : i32
      %mul3A_1327 = arith.muli %add3A_1325, %mul3A_1326 : i32
      %dma_wait3A_1328 = arith.constant 1 : i32
      %dma_wait3A_1329 = arith.constant 0 : i32
      %dma_wait3A_1330 = arith.constant 256 : i32
      %dma_wait3A_1331 = tpu.memref_slice %arg9[%dma_wait3A_1328, %dma_wait3A_1329, %dma_wait3A_1330] : memref<2x32x512xf32, #tpu.memory_space<vmem>> -> memref<1x32x256xf32, #tpu.memory_space<vmem>>
      %dma_wait3A_1332 = tpu.memref_squeeze %dma_wait3A_1331 : memref<1x32x256xf32, #tpu.memory_space<vmem>> -> memref<32x256xf32, #tpu.memory_space<vmem>>
      %dma_wait3A_1333 = tpu.memref_slice %arg5[%mul3A_1327] : memref<2048xi32, #tpu.memory_space<vmem>> -> memref<32xi32, #tpu.memory_space<vmem>>
      %dma_wait3A_1334 = arith.constant 0 : i32
      %dma_wait3A_1335 = arith.constant 0 : i32
      %dma_wait3A_1336 = tpu.memref_slice %arg2[%dma_wait3A_1334, %dma_wait3A_1335] : memref<5000x256xf32, #tpu.memory_space<hbm>> -> memref<5000x256xf32, #tpu.memory_space<hbm>>
      tpu.wait_indirect_dma semaphore(%arg12 : memref<!tpu.dma_semaphore, #tpu.memory_space<semaphore_mem>>) src(%dma_wait3A_1336 : memref<5000x256xf32, #tpu.memory_space<hbm>>) dst(%dma_wait3A_1332 : memref<32x256xf32, #tpu.memory_space<vmem>>)
      %mul3A_1337 = arith.constant 2 : i32
      %mul3A_1338 = arith.muli %mul3A_1337, %add3A_1037 : i32
      %add3A_1339 = arith.addi %mul3A_2, %mul3A_1338 : i32
      %dma_start3A_1340 = arith.constant 0 : i32
      %dma_start3A_1341 = arith.constant 0 : i32
      %dma_start3A_1342 = tpu.memref_slice %arg4[%add3A_1339, %dma_start3A_1340, %dma_start3A_1341] : memref<2048x32x512xf32, #tpu.memory_space<hbm>> -> memref<2x32x512xf32, #tpu.memory_space<hbm>>
      %dma_start3A_1343 = arith.constant 0 : i32
      %dma_start3A_1344 = arith.constant 0 : i32
      %dma_start3A_1345 = tpu.memref_slice %arg4[%add3A_1339, %dma_start3A_1343, %dma_start3A_1344] : memref<2048x32x512xf32, #tpu.memory_space<hbm>> -> memref<2x32x512xf32, #tpu.memory_space<hbm>>
      tpu.enqueue_dma source(%arg9 : memref<2x32x512xf32, #tpu.memory_space<vmem>>) target(%dma_start3A_1345 : memref<2x32x512xf32, #tpu.memory_space<hbm>>) target_semaphore(%arg15 : memref<!tpu.dma_semaphore, #tpu.memory_space<semaphore_mem>>)
    }
    %scan3A_170 = arith.constant 10 : i32
    %add3A_171 = arith.constant 56 : i32
    %add3A_172 = arith.addi %mul3A_2, %add3A_171 : i32
    %dma_wait3A = arith.constant 0 : i32
    %dma_wait3A_173 = arith.constant 0 : i32
    %dma_wait3A_174 = tpu.memref_slice %arg4[%add3A_172, %dma_wait3A, %dma_wait3A_173] : memref<2048x32x512xf32, #tpu.memory_space<hbm>> -> memref<2x32x512xf32, #tpu.memory_space<hbm>>
    %dma_wait3A_175 = arith.constant 0 : i32
    %dma_wait3A_176 = arith.constant 0 : i32
    %dma_wait3A_177 = tpu.memref_slice %arg4[%add3A_172, %dma_wait3A_175, %dma_wait3A_176] : memref<2048x32x512xf32, #tpu.memory_space<hbm>> -> memref<2x32x512xf32, #tpu.memory_space<hbm>>
    tpu.wait_dma2 semaphore(%arg14 : memref<!tpu.dma_semaphore, #tpu.memory_space<semaphore_mem>>) src(%arg8 : memref<2x32x512xf32, #tpu.memory_space<vmem>>) dst(%dma_wait3A_177 : memref<2x32x512xf32, #tpu.memory_space<hbm>>)
    %dma_start3A_178 = arith.constant 0 : i32
    %dma_start3A_179 = arith.constant 0 : i32
    %dma_start3A_180 = arith.constant 256 : i32
    %dma_start3A_181 = tpu.memref_slice %arg8[%dma_start3A_178, %dma_start3A_179, %dma_start3A_180] : memref<2x32x512xf32, #tpu.memory_space<vmem>> -> memref<1x32x256xf32, #tpu.memory_space<vmem>>
    %dma_start3A_182 = tpu.memref_squeeze %dma_start3A_181 : memref<1x32x256xf32, #tpu.memory_space<vmem>> -> memref<32x256xf32, #tpu.memory_space<vmem>>
    %dma_start3A_183 = arith.constant 1984 : i32
    %dma_start3A_184 = tpu.memref_slice %arg5[%dma_start3A_183] : memref<2048xi32, #tpu.memory_space<vmem>> -> memref<32xi32, #tpu.memory_space<vmem>>
    %dma_start3A_185 = arith.constant 0 : i32
    %dma_start3A_186 = arith.constant 0 : i32
    %dma_start3A_187 = tpu.memref_slice %arg2[%dma_start3A_185, %dma_start3A_186] : memref<5000x256xf32, #tpu.memory_space<hbm>> -> memref<5000x256xf32, #tpu.memory_space<hbm>>
    tpu.enqueue_indirect_dma source(%dma_start3A_187 : memref<5000x256xf32, #tpu.memory_space<hbm>>) target(%dma_start3A_182 : memref<32x256xf32, #tpu.memory_space<vmem>>) offsets(%dma_start3A_184 : memref<32xi32, #tpu.memory_space<vmem>>) semaphore(%arg11 : memref<!tpu.dma_semaphore, #tpu.memory_space<semaphore_mem>>)
    %dma_start3A_188 = arith.constant 1 : i32
    %dma_start3A_189 = arith.constant 0 : i32
    %dma_start3A_190 = arith.constant 256 : i32
    %dma_start3A_191 = tpu.memref_slice %arg8[%dma_start3A_188, %dma_start3A_189, %dma_start3A_190] : memref<2x32x512xf32, #tpu.memory_space<vmem>> -> memref<1x32x256xf32, #tpu.memory_space<vmem>>
    %dma_start3A_192 = tpu.memref_squeeze %dma_start3A_191 : memref<1x32x256xf32, #tpu.memory_space<vmem>> -> memref<32x256xf32, #tpu.memory_space<vmem>>
    %dma_start3A_193 = arith.constant 2016 : i32
    %dma_start3A_194 = tpu.memref_slice %arg5[%dma_start3A_193] : memref<2048xi32, #tpu.memory_space<vmem>> -> memref<32xi32, #tpu.memory_space<vmem>>
    %dma_start3A_195 = arith.constant 0 : i32
    %dma_start3A_196 = arith.constant 0 : i32
    %dma_start3A_197 = tpu.memref_slice %arg2[%dma_start3A_195, %dma_start3A_196] : memref<5000x256xf32, #tpu.memory_space<hbm>> -> memref<5000x256xf32, #tpu.memory_space<hbm>>
    tpu.enqueue_indirect_dma source(%dma_start3A_197 : memref<5000x256xf32, #tpu.memory_space<hbm>>) target(%dma_start3A_192 : memref<32x256xf32, #tpu.memory_space<vmem>>) offsets(%dma_start3A_194 : memref<32xi32, #tpu.memory_space<vmem>>) semaphore(%arg11 : memref<!tpu.dma_semaphore, #tpu.memory_space<semaphore_mem>>)
    %get3A_198 = arith.constant 62 : i32
    %get3A_199 = arith.index_cast %get3A_198 : i32 to index
    %get3A_200 = arith.constant 0 : index
    %get3A_201 = tpu.vector_load %arg6[%get3A_199, %get3A_200] {strides = array<i32>} : memref<64x256xf32, #tpu.memory_space<vmem>>, vector<16xf32>,
    %get3A_202 = arith.constant 62 : i32
    %get3A_203 = arith.index_cast %get3A_202 : i32 to index
    %get3A_204 = arith.constant 16 : index
    %get3A_205 = tpu.vector_load %arg6[%get3A_203, %get3A_204] {strides = array<i32>} : memref<64x256xf32, #tpu.memory_space<vmem>>, vector<16xf32>,
    %get3A_206 = arith.constant 62 : i32
    %get3A_207 = arith.index_cast %get3A_206 : i32 to index
    %get3A_208 = arith.constant 32 : index
    %get3A_209 = tpu.vector_load %arg6[%get3A_207, %get3A_208] {strides = array<i32>} : memref<64x256xf32, #tpu.memory_space<vmem>>, vector<16xf32>,
    %get3A_210 = arith.constant 62 : i32
    %get3A_211 = arith.index_cast %get3A_210 : i32 to index
    %get3A_212 = arith.constant 48 : index
    %get3A_213 = tpu.vector_load %arg6[%get3A_211, %get3A_212] {strides = array<i32>} : memref<64x256xf32, #tpu.memory_space<vmem>>, vector<16xf32>,
    %get3A_214 = arith.constant 62 : i32
    %get3A_215 = arith.index_cast %get3A_214 : i32 to index
    %get3A_216 = arith.constant 64 : index
    %get3A_217 = tpu.vector_load %arg6[%get3A_215, %get3A_216] {strides = array<i32>} : memref<64x256xf32, #tpu.memory_space<vmem>>, vector<16xf32>,
    %get3A_218 = arith.constant 62 : i32
    %get3A_219 = arith.index_cast %get3A_218 : i32 to index
    %get3A_220 = arith.constant 80 : index
    %get3A_221 = tpu.vector_load %arg6[%get3A_219, %get3A_220] {strides = array<i32>} : memref<64x256xf32, #tpu.memory_space<vmem>>, vector<16xf32>,
    %get3A_222 = arith.constant 62 : i32
    %get3A_223 = arith.index_cast %get3A_222 : i32 to index
    %get3A_224 = arith.constant 96 : index
    %get3A_225 = tpu.vector_load %arg6[%get3A_223, %get3A_224] {strides = array<i32>} : memref<64x256xf32, #tpu.memory_space<vmem>>, vector<16xf32>,
    %get3A_226 = arith.constant 62 : i32
    %get3A_227 = arith.index_cast %get3A_226 : i32 to index
    %get3A_228 = arith.constant 112 : index
    %get3A_229 = tpu.vector_load %arg6[%get3A_227, %get3A_228] {strides = array<i32>} : memref<64x256xf32, #tpu.memory_space<vmem>>, vector<16xf32>,
    %get3A_230 = arith.constant 62 : i32
    %get3A_231 = arith.index_cast %get3A_230 : i32 to index
    %get3A_232 = arith.constant 128 : index
    %get3A_233 = tpu.vector_load %arg6[%get3A_231, %get3A_232] {strides = array<i32>} : memref<64x256xf32, #tpu.memory_space<vmem>>, vector<16xf32>,
    %get3A_234 = arith.constant 62 : i32
    %get3A_235 = arith.index_cast %get3A_234 : i32 to index
    %get3A_236 = arith.constant 144 : index
    %get3A_237 = tpu.vector_load %arg6[%get3A_235, %get3A_236] {strides = array<i32>} : memref<64x256xf32, #tpu.memory_space<vmem>>, vector<16xf32>,
    %get3A_238 = arith.constant 62 : i32
    %get3A_239 = arith.index_cast %get3A_238 : i32 to index
    %get3A_240 = arith.constant 160 : index
    %get3A_241 = tpu.vector_load %arg6[%get3A_239, %get3A_240] {strides = array<i32>} : memref<64x256xf32, #tpu.memory_space<vmem>>, vector<16xf32>,
    %get3A_242 = arith.constant 62 : i32
    %get3A_243 = arith.index_cast %get3A_242 : i32 to index
    %get3A_244 = arith.constant 176 : index
    %get3A_245 = tpu.vector_load %arg6[%get3A_243, %get3A_244] {strides = array<i32>} : memref<64x256xf32, #tpu.memory_space<vmem>>, vector<16xf32>,
    %get3A_246 = arith.constant 62 : i32
    %get3A_247 = arith.index_cast %get3A_246 : i32 to index
    %get3A_248 = arith.constant 192 : index
    %get3A_249 = tpu.vector_load %arg6[%get3A_247, %get3A_248] {strides = array<i32>} : memref<64x256xf32, #tpu.memory_space<vmem>>, vector<16xf32>,
    %get3A_250 = arith.constant 62 : i32
    %get3A_251 = arith.index_cast %get3A_250 : i32 to index
    %get3A_252 = arith.constant 208 : index
    %get3A_253 = tpu.vector_load %arg6[%get3A_251, %get3A_252] {strides = array<i32>} : memref<64x256xf32, #tpu.memory_space<vmem>>, vector<16xf32>,
    %get3A_254 = arith.constant 62 : i32
    %get3A_255 = arith.index_cast %get3A_254 : i32 to index
    %get3A_256 = arith.constant 224 : index
    %get3A_257 = tpu.vector_load %arg6[%get3A_255, %get3A_256] {strides = array<i32>} : memref<64x256xf32, #tpu.memory_space<vmem>>, vector<16xf32>,
    %get3A_258 = arith.constant 62 : i32
    %get3A_259 = arith.index_cast %get3A_258 : i32 to index
    %get3A_260 = arith.constant 240 : index
    %get3A_261 = tpu.vector_load %arg6[%get3A_259, %get3A_260] {strides = array<i32>} : memref<64x256xf32, #tpu.memory_space<vmem>>, vector<16xf32>,
    %get3A_262 = arith.constant 63 : i32
    %get3A_263 = arith.index_cast %get3A_262 : i32 to index
    %get3A_264 = arith.constant 0 : index
    %get3A_265 = tpu.vector_load %arg6[%get3A_263, %get3A_264] {strides = array<i32>} : memref<64x256xf32, #tpu.memory_space<vmem>>, vector<16xf32>,
    %get3A_266 = arith.constant 63 : i32
    %get3A_267 = arith.index_cast %get3A_266 : i32 to index
    %get3A_268 = arith.constant 16 : index
    %get3A_269 = tpu.vector_load %arg6[%get3A_267, %get3A_268] {strides = array<i32>} : memref<64x256xf32, #tpu.memory_space<vmem>>, vector<16xf32>,
    %get3A_270 = arith.constant 63 : i32
    %get3A_271 = arith.index_cast %get3A_270 : i32 to index
    %get3A_272 = arith.constant 32 : index
    %get3A_273 = tpu.vector_load %arg6[%get3A_271, %get3A_272] {strides = array<i32>} : memref<64x256xf32, #tpu.memory_space<vmem>>, vector<16xf32>,
    %get3A_274 = arith.constant 63 : i32
    %get3A_275 = arith.index_cast %get3A_274 : i32 to index
    %get3A_276 = arith.constant 48 : index
    %get3A_277 = tpu.vector_load %arg6[%get3A_275, %get3A_276] {strides = array<i32>} : memref<64x256xf32, #tpu.memory_space<vmem>>, vector<16xf32>,
    %get3A_278 = arith.constant 63 : i32
    %get3A_279 = arith.index_cast %get3A_278 : i32 to index
    %get3A_280 = arith.constant 64 : index
    %get3A_281 = tpu.vector_load %arg6[%get3A_279, %get3A_280] {strides = array<i32>} : memref<64x256xf32, #tpu.memory_space<vmem>>, vector<16xf32>,
    %get3A_282 = arith.constant 63 : i32
    %get3A_283 = arith.index_cast %get3A_282 : i32 to index
    %get3A_284 = arith.constant 80 : index
    %get3A_285 = tpu.vector_load %arg6[%get3A_283, %get3A_284] {strides = array<i32>} : memref<64x256xf32, #tpu.memory_space<vmem>>, vector<16xf32>,
    %get3A_286 = arith.constant 63 : i32
    %get3A_287 = arith.index_cast %get3A_286 : i32 to index
    %get3A_288 = arith.constant 96 : index
    %get3A_289 = tpu.vector_load %arg6[%get3A_287, %get3A_288] {strides = array<i32>} : memref<64x256xf32, #tpu.memory_space<vmem>>, vector<16xf32>,
    %get3A_290 = arith.constant 63 : i32
    %get3A_291 = arith.index_cast %get3A_290 : i32 to index
    %get3A_292 = arith.constant 112 : index
    %get3A_293 = tpu.vector_load %arg6[%get3A_291, %get3A_292] {strides = array<i32>} : memref<64x256xf32, #tpu.memory_space<vmem>>, vector<16xf32>,
    %get3A_294 = arith.constant 63 : i32
    %get3A_295 = arith.index_cast %get3A_294 : i32 to index
    %get3A_296 = arith.constant 128 : index
    %get3A_297 = tpu.vector_load %arg6[%get3A_295, %get3A_296] {strides = array<i32>} : memref<64x256xf32, #tpu.memory_space<vmem>>, vector<16xf32>,
    %get3A_298 = arith.constant 63 : i32
    %get3A_299 = arith.index_cast %get3A_298 : i32 to index
    %get3A_300 = arith.constant 144 : index
    %get3A_301 = tpu.vector_load %arg6[%get3A_299, %get3A_300] {strides = array<i32>} : memref<64x256xf32, #tpu.memory_space<vmem>>, vector<16xf32>,
    %get3A_302 = arith.constant 63 : i32
    %get3A_303 = arith.index_cast %get3A_302 : i32 to index
    %get3A_304 = arith.constant 160 : index
    %get3A_305 = tpu.vector_load %arg6[%get3A_303, %get3A_304] {strides = array<i32>} : memref<64x256xf32, #tpu.memory_space<vmem>>, vector<16xf32>,
    %get3A_306 = arith.constant 63 : i32
    %get3A_307 = arith.index_cast %get3A_306 : i32 to index
    %get3A_308 = arith.constant 176 : index
    %get3A_309 = tpu.vector_load %arg6[%get3A_307, %get3A_308] {strides = array<i32>} : memref<64x256xf32, #tpu.memory_space<vmem>>, vector<16xf32>,
    %get3A_310 = arith.constant 63 : i32
    %get3A_311 = arith.index_cast %get3A_310 : i32 to index
    %get3A_312 = arith.constant 192 : index
    %get3A_313 = tpu.vector_load %arg6[%get3A_311, %get3A_312] {strides = array<i32>} : memref<64x256xf32, #tpu.memory_space<vmem>>, vector<16xf32>,
    %get3A_314 = arith.constant 63 : i32
    %get3A_315 = arith.index_cast %get3A_314 : i32 to index
    %get3A_316 = arith.constant 208 : index
    %get3A_317 = tpu.vector_load %arg6[%get3A_315, %get3A_316] {strides = array<i32>} : memref<64x256xf32, #tpu.memory_space<vmem>>, vector<16xf32>,
    %get3A_318 = arith.constant 63 : i32
    %get3A_319 = arith.index_cast %get3A_318 : i32 to index
    %get3A_320 = arith.constant 224 : index
    %get3A_321 = tpu.vector_load %arg6[%get3A_319, %get3A_320] {strides = array<i32>} : memref<64x256xf32, #tpu.memory_space<vmem>>, vector<16xf32>,
    %get3A_322 = arith.constant 63 : i32
    %get3A_323 = arith.index_cast %get3A_322 : i32 to index
    %get3A_324 = arith.constant 240 : index
    %get3A_325 = tpu.vector_load %arg6[%get3A_323, %get3A_324] {strides = array<i32>} : memref<64x256xf32, #tpu.memory_space<vmem>>, vector<16xf32>,
    %scan3A_326 = arith.constant 0 : i32
    %scan3A_327 = arith.constant 0 : i32
    %scan3A_328 = arith.constant 32 : i32
    %scan3A_329 = arith.addi %scan3A_327, %scan3A_328 : i32
    %scan3A_330 = arith.constant 1 : i32
    scf.for %scan3A_412 = %scan3A_327 to %scan3A_329 step %scan3A_330  : i32 {
      %swap3A = arith.constant 0 : i32
      %swap3A_413 = arith.index_cast %swap3A : i32 to index
      %swap3A_414 = arith.index_cast %scan3A_412 : i32 to index
      %swap3A_415 = arith.constant 0 : index
      %swap3A_416 = tpu.vector_load %arg8[%swap3A_413, %swap3A_414, %swap3A_415] {strides = array<i32>} : memref<2x32x512xf32, #tpu.memory_space<vmem>>, vector<16xf32>,
      tpu.vector_store %arg8[%swap3A_413, %swap3A_414, %swap3A_415], %get3A_201 {strides = array<i32>} : memref<2x32x512xf32, #tpu.memory_space<vmem>>, vector<16xf32>,
      %swap3A_417 = arith.constant 0 : i32
      %swap3A_418 = arith.index_cast %swap3A_417 : i32 to index
      %swap3A_419 = arith.index_cast %scan3A_412 : i32 to index
      %swap3A_420 = arith.constant 16 : index
      %swap3A_421 = tpu.vector_load %arg8[%swap3A_418, %swap3A_419, %swap3A_420] {strides = array<i32>} : memref<2x32x512xf32, #tpu.memory_space<vmem>>, vector<16xf32>,
      tpu.vector_store %arg8[%swap3A_418, %swap3A_419, %swap3A_420], %get3A_205 {strides = array<i32>} : memref<2x32x512xf32, #tpu.memory_space<vmem>>, vector<16xf32>,
      %swap3A_422 = arith.constant 0 : i32
      %swap3A_423 = arith.index_cast %swap3A_422 : i32 to index
      %swap3A_424 = arith.index_cast %scan3A_412 : i32 to index
      %swap3A_425 = arith.constant 32 : index
      %swap3A_426 = tpu.vector_load %arg8[%swap3A_423, %swap3A_424, %swap3A_425] {strides = array<i32>} : memref<2x32x512xf32, #tpu.memory_space<vmem>>, vector<16xf32>,
      tpu.vector_store %arg8[%swap3A_423, %swap3A_424, %swap3A_425], %get3A_209 {strides = array<i32>} : memref<2x32x512xf32, #tpu.memory_space<vmem>>, vector<16xf32>,
      %swap3A_427 = arith.constant 0 : i32
      %swap3A_428 = arith.index_cast %swap3A_427 : i32 to index
      %swap3A_429 = arith.index_cast %scan3A_412 : i32 to index
      %swap3A_430 = arith.constant 48 : index
      %swap3A_431 = tpu.vector_load %arg8[%swap3A_428, %swap3A_429, %swap3A_430] {strides = array<i32>} : memref<2x32x512xf32, #tpu.memory_space<vmem>>, vector<16xf32>,
      tpu.vector_store %arg8[%swap3A_428, %swap3A_429, %swap3A_430], %get3A_213 {strides = array<i32>} : memref<2x32x512xf32, #tpu.memory_space<vmem>>, vector<16xf32>,
      %swap3A_432 = arith.constant 0 : i32
      %swap3A_433 = arith.index_cast %swap3A_432 : i32 to index
      %swap3A_434 = arith.index_cast %scan3A_412 : i32 to index
      %swap3A_435 = arith.constant 64 : index
      %swap3A_436 = tpu.vector_load %arg8[%swap3A_433, %swap3A_434, %swap3A_435] {strides = array<i32>} : memref<2x32x512xf32, #tpu.memory_space<vmem>>, vector<16xf32>,
      tpu.vector_store %arg8[%swap3A_433, %swap3A_434, %swap3A_435], %get3A_217 {strides = array<i32>} : memref<2x32x512xf32, #tpu.memory_space<vmem>>, vector<16xf32>,
      %swap3A_437 = arith.constant 0 : i32
      %swap3A_438 = arith.index_cast %swap3A_437 : i32 to index
      %swap3A_439 = arith.index_cast %scan3A_412 : i32 to index
      %swap3A_440 = arith.constant 80 : index
      %swap3A_441 = tpu.vector_load %arg8[%swap3A_438, %swap3A_439, %swap3A_440] {strides = array<i32>} : memref<2x32x512xf32, #tpu.memory_space<vmem>>, vector<16xf32>,
      tpu.vector_store %arg8[%swap3A_438, %swap3A_439, %swap3A_440], %get3A_221 {strides = array<i32>} : memref<2x32x512xf32, #tpu.memory_space<vmem>>, vector<16xf32>,
      %swap3A_442 = arith.constant 0 : i32
      %swap3A_443 = arith.index_cast %swap3A_442 : i32 to index
      %swap3A_444 = arith.index_cast %scan3A_412 : i32 to index
      %swap3A_445 = arith.constant 96 : index
      %swap3A_446 = tpu.vector_load %arg8[%swap3A_443, %swap3A_444, %swap3A_445] {strides = array<i32>} : memref<2x32x512xf32, #tpu.memory_space<vmem>>, vector<16xf32>,
      tpu.vector_store %arg8[%swap3A_443, %swap3A_444, %swap3A_445], %get3A_225 {strides = array<i32>} : memref<2x32x512xf32, #tpu.memory_space<vmem>>, vector<16xf32>,
      %swap3A_447 = arith.constant 0 : i32
      %swap3A_448 = arith.index_cast %swap3A_447 : i32 to index
      %swap3A_449 = arith.index_cast %scan3A_412 : i32 to index
      %swap3A_450 = arith.constant 112 : index
      %swap3A_451 = tpu.vector_load %arg8[%swap3A_448, %swap3A_449, %swap3A_450] {strides = array<i32>} : memref<2x32x512xf32, #tpu.memory_space<vmem>>, vector<16xf32>,
      tpu.vector_store %arg8[%swap3A_448, %swap3A_449, %swap3A_450], %get3A_229 {strides = array<i32>} : memref<2x32x512xf32, #tpu.memory_space<vmem>>, vector<16xf32>,
      %swap3A_452 = arith.constant 0 : i32
      %swap3A_453 = arith.index_cast %swap3A_452 : i32 to index
      %swap3A_454 = arith.index_cast %scan3A_412 : i32 to index
      %swap3A_455 = arith.constant 128 : index
      %swap3A_456 = tpu.vector_load %arg8[%swap3A_453, %swap3A_454, %swap3A_455] {strides = array<i32>} : memref<2x32x512xf32, #tpu.memory_space<vmem>>, vector<16xf32>,
      tpu.vector_store %arg8[%swap3A_453, %swap3A_454, %swap3A_455], %get3A_233 {strides = array<i32>} : memref<2x32x512xf32, #tpu.memory_space<vmem>>, vector<16xf32>,
      %swap3A_457 = arith.constant 0 : i32
      %swap3A_458 = arith.index_cast %swap3A_457 : i32 to index
      %swap3A_459 = arith.index_cast %scan3A_412 : i32 to index
      %swap3A_460 = arith.constant 144 : index
      %swap3A_461 = tpu.vector_load %arg8[%swap3A_458, %swap3A_459, %swap3A_460] {strides = array<i32>} : memref<2x32x512xf32, #tpu.memory_space<vmem>>, vector<16xf32>,
      tpu.vector_store %arg8[%swap3A_458, %swap3A_459, %swap3A_460], %get3A_237 {strides = array<i32>} : memref<2x32x512xf32, #tpu.memory_space<vmem>>, vector<16xf32>,
      %swap3A_462 = arith.constant 0 : i32
      %swap3A_463 = arith.index_cast %swap3A_462 : i32 to index
      %swap3A_464 = arith.index_cast %scan3A_412 : i32 to index
      %swap3A_465 = arith.constant 160 : index
      %swap3A_466 = tpu.vector_load %arg8[%swap3A_463, %swap3A_464, %swap3A_465] {strides = array<i32>} : memref<2x32x512xf32, #tpu.memory_space<vmem>>, vector<16xf32>,
      tpu.vector_store %arg8[%swap3A_463, %swap3A_464, %swap3A_465], %get3A_241 {strides = array<i32>} : memref<2x32x512xf32, #tpu.memory_space<vmem>>, vector<16xf32>,
      %swap3A_467 = arith.constant 0 : i32
      %swap3A_468 = arith.index_cast %swap3A_467 : i32 to index
      %swap3A_469 = arith.index_cast %scan3A_412 : i32 to index
      %swap3A_470 = arith.constant 176 : index
      %swap3A_471 = tpu.vector_load %arg8[%swap3A_468, %swap3A_469, %swap3A_470] {strides = array<i32>} : memref<2x32x512xf32, #tpu.memory_space<vmem>>, vector<16xf32>,
      tpu.vector_store %arg8[%swap3A_468, %swap3A_469, %swap3A_470], %get3A_245 {strides = array<i32>} : memref<2x32x512xf32, #tpu.memory_space<vmem>>, vector<16xf32>,
      %swap3A_472 = arith.constant 0 : i32
      %swap3A_473 = arith.index_cast %swap3A_472 : i32 to index
      %swap3A_474 = arith.index_cast %scan3A_412 : i32 to index
      %swap3A_475 = arith.constant 192 : index
      %swap3A_476 = tpu.vector_load %arg8[%swap3A_473, %swap3A_474, %swap3A_475] {strides = array<i32>} : memref<2x32x512xf32, #tpu.memory_space<vmem>>, vector<16xf32>,
      tpu.vector_store %arg8[%swap3A_473, %swap3A_474, %swap3A_475], %get3A_249 {strides = array<i32>} : memref<2x32x512xf32, #tpu.memory_space<vmem>>, vector<16xf32>,
      %swap3A_477 = arith.constant 0 : i32
      %swap3A_478 = arith.index_cast %swap3A_477 : i32 to index
      %swap3A_479 = arith.index_cast %scan3A_412 : i32 to index
      %swap3A_480 = arith.constant 208 : index
      %swap3A_481 = tpu.vector_load %arg8[%swap3A_478, %swap3A_479, %swap3A_480] {strides = array<i32>} : memref<2x32x512xf32, #tpu.memory_space<vmem>>, vector<16xf32>,
      tpu.vector_store %arg8[%swap3A_478, %swap3A_479, %swap3A_480], %get3A_253 {strides = array<i32>} : memref<2x32x512xf32, #tpu.memory_space<vmem>>, vector<16xf32>,
      %swap3A_482 = arith.constant 0 : i32
      %swap3A_483 = arith.index_cast %swap3A_482 : i32 to index
      %swap3A_484 = arith.index_cast %scan3A_412 : i32 to index
      %swap3A_485 = arith.constant 224 : index
      %swap3A_486 = tpu.vector_load %arg8[%swap3A_483, %swap3A_484, %swap3A_485] {strides = array<i32>} : memref<2x32x512xf32, #tpu.memory_space<vmem>>, vector<16xf32>,
      tpu.vector_store %arg8[%swap3A_483, %swap3A_484, %swap3A_485], %get3A_257 {strides = array<i32>} : memref<2x32x512xf32, #tpu.memory_space<vmem>>, vector<16xf32>,
      %swap3A_487 = arith.constant 0 : i32
      %swap3A_488 = arith.index_cast %swap3A_487 : i32 to index
      %swap3A_489 = arith.index_cast %scan3A_412 : i32 to index
      %swap3A_490 = arith.constant 240 : index
      %swap3A_491 = tpu.vector_load %arg8[%swap3A_488, %swap3A_489, %swap3A_490] {strides = array<i32>} : memref<2x32x512xf32, #tpu.memory_space<vmem>>, vector<16xf32>,
      tpu.vector_store %arg8[%swap3A_488, %swap3A_489, %swap3A_490], %get3A_261 {strides = array<i32>} : memref<2x32x512xf32, #tpu.memory_space<vmem>>, vector<16xf32>,
      %swap3A_492 = arith.constant 1 : i32
      %swap3A_493 = arith.index_cast %swap3A_492 : i32 to index
      %swap3A_494 = arith.index_cast %scan3A_412 : i32 to index
      %swap3A_495 = arith.constant 0 : index
      %swap3A_496 = tpu.vector_load %arg8[%swap3A_493, %swap3A_494, %swap3A_495] {strides = array<i32>} : memref<2x32x512xf32, #tpu.memory_space<vmem>>, vector<16xf32>,
      tpu.vector_store %arg8[%swap3A_493, %swap3A_494, %swap3A_495], %get3A_265 {strides = array<i32>} : memref<2x32x512xf32, #tpu.memory_space<vmem>>, vector<16xf32>,
      %swap3A_497 = arith.constant 1 : i32
      %swap3A_498 = arith.index_cast %swap3A_497 : i32 to index
      %swap3A_499 = arith.index_cast %scan3A_412 : i32 to index
      %swap3A_500 = arith.constant 16 : index
      %swap3A_501 = tpu.vector_load %arg8[%swap3A_498, %swap3A_499, %swap3A_500] {strides = array<i32>} : memref<2x32x512xf32, #tpu.memory_space<vmem>>, vector<16xf32>,
      tpu.vector_store %arg8[%swap3A_498, %swap3A_499, %swap3A_500], %get3A_269 {strides = array<i32>} : memref<2x32x512xf32, #tpu.memory_space<vmem>>, vector<16xf32>,
      %swap3A_502 = arith.constant 1 : i32
      %swap3A_503 = arith.index_cast %swap3A_502 : i32 to index
      %swap3A_504 = arith.index_cast %scan3A_412 : i32 to index
      %swap3A_505 = arith.constant 32 : index
      %swap3A_506 = tpu.vector_load %arg8[%swap3A_503, %swap3A_504, %swap3A_505] {strides = array<i32>} : memref<2x32x512xf32, #tpu.memory_space<vmem>>, vector<16xf32>,
      tpu.vector_store %arg8[%swap3A_503, %swap3A_504, %swap3A_505], %get3A_273 {strides = array<i32>} : memref<2x32x512xf32, #tpu.memory_space<vmem>>, vector<16xf32>,
      %swap3A_507 = arith.constant 1 : i32
      %swap3A_508 = arith.index_cast %swap3A_507 : i32 to index
      %swap3A_509 = arith.index_cast %scan3A_412 : i32 to index
      %swap3A_510 = arith.constant 48 : index
      %swap3A_511 = tpu.vector_load %arg8[%swap3A_508, %swap3A_509, %swap3A_510] {strides = array<i32>} : memref<2x32x512xf32, #tpu.memory_space<vmem>>, vector<16xf32>,
      tpu.vector_store %arg8[%swap3A_508, %swap3A_509, %swap3A_510], %get3A_277 {strides = array<i32>} : memref<2x32x512xf32, #tpu.memory_space<vmem>>, vector<16xf32>,
      %swap3A_512 = arith.constant 1 : i32
      %swap3A_513 = arith.index_cast %swap3A_512 : i32 to index
      %swap3A_514 = arith.index_cast %scan3A_412 : i32 to index
      %swap3A_515 = arith.constant 64 : index
      %swap3A_516 = tpu.vector_load %arg8[%swap3A_513, %swap3A_514, %swap3A_515] {strides = array<i32>} : memref<2x32x512xf32, #tpu.memory_space<vmem>>, vector<16xf32>,
      tpu.vector_store %arg8[%swap3A_513, %swap3A_514, %swap3A_515], %get3A_281 {strides = array<i32>} : memref<2x32x512xf32, #tpu.memory_space<vmem>>, vector<16xf32>,
      %swap3A_517 = arith.constant 1 : i32
      %swap3A_518 = arith.index_cast %swap3A_517 : i32 to index
      %swap3A_519 = arith.index_cast %scan3A_412 : i32 to index
      %swap3A_520 = arith.constant 80 : index
      %swap3A_521 = tpu.vector_load %arg8[%swap3A_518, %swap3A_519, %swap3A_520] {strides = array<i32>} : memref<2x32x512xf32, #tpu.memory_space<vmem>>, vector<16xf32>,
      tpu.vector_store %arg8[%swap3A_518, %swap3A_519, %swap3A_520], %get3A_285 {strides = array<i32>} : memref<2x32x512xf32, #tpu.memory_space<vmem>>, vector<16xf32>,
      %swap3A_522 = arith.constant 1 : i32
      %swap3A_523 = arith.index_cast %swap3A_522 : i32 to index
      %swap3A_524 = arith.index_cast %scan3A_412 : i32 to index
      %swap3A_525 = arith.constant 96 : index
      %swap3A_526 = tpu.vector_load %arg8[%swap3A_523, %swap3A_524, %swap3A_525] {strides = array<i32>} : memref<2x32x512xf32, #tpu.memory_space<vmem>>, vector<16xf32>,
      tpu.vector_store %arg8[%swap3A_523, %swap3A_524, %swap3A_525], %get3A_289 {strides = array<i32>} : memref<2x32x512xf32, #tpu.memory_space<vmem>>, vector<16xf32>,
      %swap3A_527 = arith.constant 1 : i32
      %swap3A_528 = arith.index_cast %swap3A_527 : i32 to index
      %swap3A_529 = arith.index_cast %scan3A_412 : i32 to index
      %swap3A_530 = arith.constant 112 : index
      %swap3A_531 = tpu.vector_load %arg8[%swap3A_528, %swap3A_529, %swap3A_530] {strides = array<i32>} : memref<2x32x512xf32, #tpu.memory_space<vmem>>, vector<16xf32>,
      tpu.vector_store %arg8[%swap3A_528, %swap3A_529, %swap3A_530], %get3A_293 {strides = array<i32>} : memref<2x32x512xf32, #tpu.memory_space<vmem>>, vector<16xf32>,
      %swap3A_532 = arith.constant 1 : i32
      %swap3A_533 = arith.index_cast %swap3A_532 : i32 to index
      %swap3A_534 = arith.index_cast %scan3A_412 : i32 to index
      %swap3A_535 = arith.constant 128 : index
      %swap3A_536 = tpu.vector_load %arg8[%swap3A_533, %swap3A_534, %swap3A_535] {strides = array<i32>} : memref<2x32x512xf32, #tpu.memory_space<vmem>>, vector<16xf32>,
      tpu.vector_store %arg8[%swap3A_533, %swap3A_534, %swap3A_535], %get3A_297 {strides = array<i32>} : memref<2x32x512xf32, #tpu.memory_space<vmem>>, vector<16xf32>,
      %swap3A_537 = arith.constant 1 : i32
      %swap3A_538 = arith.index_cast %swap3A_537 : i32 to index
      %swap3A_539 = arith.index_cast %scan3A_412 : i32 to index
      %swap3A_540 = arith.constant 144 : index
      %swap3A_541 = tpu.vector_load %arg8[%swap3A_538, %swap3A_539, %swap3A_540] {strides = array<i32>} : memref<2x32x512xf32, #tpu.memory_space<vmem>>, vector<16xf32>,
      tpu.vector_store %arg8[%swap3A_538, %swap3A_539, %swap3A_540], %get3A_301 {strides = array<i32>} : memref<2x32x512xf32, #tpu.memory_space<vmem>>, vector<16xf32>,
      %swap3A_542 = arith.constant 1 : i32
      %swap3A_543 = arith.index_cast %swap3A_542 : i32 to index
      %swap3A_544 = arith.index_cast %scan3A_412 : i32 to index
      %swap3A_545 = arith.constant 160 : index
      %swap3A_546 = tpu.vector_load %arg8[%swap3A_543, %swap3A_544, %swap3A_545] {strides = array<i32>} : memref<2x32x512xf32, #tpu.memory_space<vmem>>, vector<16xf32>,
      tpu.vector_store %arg8[%swap3A_543, %swap3A_544, %swap3A_545], %get3A_305 {strides = array<i32>} : memref<2x32x512xf32, #tpu.memory_space<vmem>>, vector<16xf32>,
      %swap3A_547 = arith.constant 1 : i32
      %swap3A_548 = arith.index_cast %swap3A_547 : i32 to index
      %swap3A_549 = arith.index_cast %scan3A_412 : i32 to index
      %swap3A_550 = arith.constant 176 : index
      %swap3A_551 = tpu.vector_load %arg8[%swap3A_548, %swap3A_549, %swap3A_550] {strides = array<i32>} : memref<2x32x512xf32, #tpu.memory_space<vmem>>, vector<16xf32>,
      tpu.vector_store %arg8[%swap3A_548, %swap3A_549, %swap3A_550], %get3A_309 {strides = array<i32>} : memref<2x32x512xf32, #tpu.memory_space<vmem>>, vector<16xf32>,
      %swap3A_552 = arith.constant 1 : i32
      %swap3A_553 = arith.index_cast %swap3A_552 : i32 to index
      %swap3A_554 = arith.index_cast %scan3A_412 : i32 to index
      %swap3A_555 = arith.constant 192 : index
      %swap3A_556 = tpu.vector_load %arg8[%swap3A_553, %swap3A_554, %swap3A_555] {strides = array<i32>} : memref<2x32x512xf32, #tpu.memory_space<vmem>>, vector<16xf32>,
      tpu.vector_store %arg8[%swap3A_553, %swap3A_554, %swap3A_555], %get3A_313 {strides = array<i32>} : memref<2x32x512xf32, #tpu.memory_space<vmem>>, vector<16xf32>,
      %swap3A_557 = arith.constant 1 : i32
      %swap3A_558 = arith.index_cast %swap3A_557 : i32 to index
      %swap3A_559 = arith.index_cast %scan3A_412 : i32 to index
      %swap3A_560 = arith.constant 208 : index
      %swap3A_561 = tpu.vector_load %arg8[%swap3A_558, %swap3A_559, %swap3A_560] {strides = array<i32>} : memref<2x32x512xf32, #tpu.memory_space<vmem>>, vector<16xf32>,
      tpu.vector_store %arg8[%swap3A_558, %swap3A_559, %swap3A_560], %get3A_317 {strides = array<i32>} : memref<2x32x512xf32, #tpu.memory_space<vmem>>, vector<16xf32>,
      %swap3A_562 = arith.constant 1 : i32
      %swap3A_563 = arith.index_cast %swap3A_562 : i32 to index
      %swap3A_564 = arith.index_cast %scan3A_412 : i32 to index
      %swap3A_565 = arith.constant 224 : index
      %swap3A_566 = tpu.vector_load %arg8[%swap3A_563, %swap3A_564, %swap3A_565] {strides = array<i32>} : memref<2x32x512xf32, #tpu.memory_space<vmem>>, vector<16xf32>,
      tpu.vector_store %arg8[%swap3A_563, %swap3A_564, %swap3A_565], %get3A_321 {strides = array<i32>} : memref<2x32x512xf32, #tpu.memory_space<vmem>>, vector<16xf32>,
      %swap3A_567 = arith.constant 1 : i32
      %swap3A_568 = arith.index_cast %swap3A_567 : i32 to index
      %swap3A_569 = arith.index_cast %scan3A_412 : i32 to index
      %swap3A_570 = arith.constant 240 : index
      %swap3A_571 = tpu.vector_load %arg8[%swap3A_568, %swap3A_569, %swap3A_570] {strides = array<i32>} : memref<2x32x512xf32, #tpu.memory_space<vmem>>, vector<16xf32>,
      tpu.vector_store %arg8[%swap3A_568, %swap3A_569, %swap3A_570], %get3A_325 {strides = array<i32>} : memref<2x32x512xf32, #tpu.memory_space<vmem>>, vector<16xf32>,
    }
    %scan3A_331 = arith.constant 32 : i32
    %dma_wait3A_332 = arith.constant 0 : i32
    %dma_wait3A_333 = arith.constant 0 : i32
    %dma_wait3A_334 = arith.constant 256 : i32
    %dma_wait3A_335 = tpu.memref_slice %arg7[%dma_wait3A_332, %dma_wait3A_333, %dma_wait3A_334] : memref<2x32x512xf32, #tpu.memory_space<vmem>> -> memref<1x32x256xf32, #tpu.memory_space<vmem>>
    %dma_wait3A_336 = tpu.memref_squeeze %dma_wait3A_335 : memref<1x32x256xf32, #tpu.memory_space<vmem>> -> memref<32x256xf32, #tpu.memory_space<vmem>>
    %dma_wait3A_337 = arith.constant 1920 : i32
    %dma_wait3A_338 = tpu.memref_slice %arg5[%dma_wait3A_337] : memref<2048xi32, #tpu.memory_space<vmem>> -> memref<32xi32, #tpu.memory_space<vmem>>
    %dma_wait3A_339 = arith.constant 0 : i32
    %dma_wait3A_340 = arith.constant 0 : i32
    %dma_wait3A_341 = tpu.memref_slice %arg2[%dma_wait3A_339, %dma_wait3A_340] : memref<5000x256xf32, #tpu.memory_space<hbm>> -> memref<5000x256xf32, #tpu.memory_space<hbm>>
    tpu.wait_indirect_dma semaphore(%arg10 : memref<!tpu.dma_semaphore, #tpu.memory_space<semaphore_mem>>) src(%dma_wait3A_341 : memref<5000x256xf32, #tpu.memory_space<hbm>>) dst(%dma_wait3A_336 : memref<32x256xf32, #tpu.memory_space<vmem>>)
    %dma_wait3A_342 = arith.constant 1 : i32
    %dma_wait3A_343 = arith.constant 0 : i32
    %dma_wait3A_344 = arith.constant 256 : i32
    %dma_wait3A_345 = tpu.memref_slice %arg7[%dma_wait3A_342, %dma_wait3A_343, %dma_wait3A_344] : memref<2x32x512xf32, #tpu.memory_space<vmem>> -> memref<1x32x256xf32, #tpu.memory_space<vmem>>
    %dma_wait3A_346 = tpu.memref_squeeze %dma_wait3A_345 : memref<1x32x256xf32, #tpu.memory_space<vmem>> -> memref<32x256xf32, #tpu.memory_space<vmem>>
    %dma_wait3A_347 = arith.constant 1952 : i32
    %dma_wait3A_348 = tpu.memref_slice %arg5[%dma_wait3A_347] : memref<2048xi32, #tpu.memory_space<vmem>> -> memref<32xi32, #tpu.memory_space<vmem>>
    %dma_wait3A_349 = arith.constant 0 : i32
    %dma_wait3A_350 = arith.constant 0 : i32
    %dma_wait3A_351 = tpu.memref_slice %arg2[%dma_wait3A_349, %dma_wait3A_350] : memref<5000x256xf32, #tpu.memory_space<hbm>> -> memref<5000x256xf32, #tpu.memory_space<hbm>>
    tpu.wait_indirect_dma semaphore(%arg10 : memref<!tpu.dma_semaphore, #tpu.memory_space<semaphore_mem>>) src(%dma_wait3A_351 : memref<5000x256xf32, #tpu.memory_space<hbm>>) dst(%dma_wait3A_346 : memref<32x256xf32, #tpu.memory_space<vmem>>)
    %add3A_352 = arith.constant 60 : i32
    %add3A_353 = arith.addi %mul3A_2, %add3A_352 : i32
    %dma_start3A_354 = arith.constant 0 : i32
    %dma_start3A_355 = arith.constant 0 : i32
    %dma_start3A_356 = tpu.memref_slice %arg4[%add3A_353, %dma_start3A_354, %dma_start3A_355] : memref<2048x32x512xf32, #tpu.memory_space<hbm>> -> memref<2x32x512xf32, #tpu.memory_space<hbm>>
    %dma_start3A_357 = arith.constant 0 : i32
    %dma_start3A_358 = arith.constant 0 : i32
    %dma_start3A_359 = tpu.memref_slice %arg4[%add3A_353, %dma_start3A_357, %dma_start3A_358] : memref<2048x32x512xf32, #tpu.memory_space<hbm>> -> memref<2x32x512xf32, #tpu.memory_space<hbm>>
    tpu.enqueue_dma source(%arg7 : memref<2x32x512xf32, #tpu.memory_space<vmem>>) target(%dma_start3A_359 : memref<2x32x512xf32, #tpu.memory_space<hbm>>) target_semaphore(%arg13 : memref<!tpu.dma_semaphore, #tpu.memory_space<semaphore_mem>>)
    %add3A_360 = arith.constant 58 : i32
    %add3A_361 = arith.addi %mul3A_2, %add3A_360 : i32
    %dma_wait3A_362 = arith.constant 0 : i32
    %dma_wait3A_363 = arith.constant 0 : i32
    %dma_wait3A_364 = tpu.memref_slice %arg4[%add3A_361, %dma_wait3A_362, %dma_wait3A_363] : memref<2048x32x512xf32, #tpu.memory_space<hbm>> -> memref<2x32x512xf32, #tpu.memory_space<hbm>>
    %dma_wait3A_365 = arith.constant 0 : i32
    %dma_wait3A_366 = arith.constant 0 : i32
    %dma_wait3A_367 = tpu.memref_slice %arg4[%add3A_361, %dma_wait3A_365, %dma_wait3A_366] : memref<2048x32x512xf32, #tpu.memory_space<hbm>> -> memref<2x32x512xf32, #tpu.memory_space<hbm>>
    tpu.wait_dma2 semaphore(%arg15 : memref<!tpu.dma_semaphore, #tpu.memory_space<semaphore_mem>>) src(%arg9 : memref<2x32x512xf32, #tpu.memory_space<vmem>>) dst(%dma_wait3A_367 : memref<2x32x512xf32, #tpu.memory_space<hbm>>)
    %dma_wait3A_368 = arith.constant 0 : i32
    %dma_wait3A_369 = arith.constant 0 : i32
    %dma_wait3A_370 = arith.constant 256 : i32
    %dma_wait3A_371 = tpu.memref_slice %arg8[%dma_wait3A_368, %dma_wait3A_369, %dma_wait3A_370] : memref<2x32x512xf32, #tpu.memory_space<vmem>> -> memref<1x32x256xf32, #tpu.memory_space<vmem>>
    %dma_wait3A_372 = tpu.memref_squeeze %dma_wait3A_371 : memref<1x32x256xf32, #tpu.memory_space<vmem>> -> memref<32x256xf32, #tpu.memory_space<vmem>>
    %dma_wait3A_373 = arith.constant 1984 : i32
    %dma_wait3A_374 = tpu.memref_slice %arg5[%dma_wait3A_373] : memref<2048xi32, #tpu.memory_space<vmem>> -> memref<32xi32, #tpu.memory_space<vmem>>
    %dma_wait3A_375 = arith.constant 0 : i32
    %dma_wait3A_376 = arith.constant 0 : i32
    %dma_wait3A_377 = tpu.memref_slice %arg2[%dma_wait3A_375, %dma_wait3A_376] : memref<5000x256xf32, #tpu.memory_space<hbm>> -> memref<5000x256xf32, #tpu.memory_space<hbm>>
    tpu.wait_indirect_dma semaphore(%arg11 : memref<!tpu.dma_semaphore, #tpu.memory_space<semaphore_mem>>) src(%dma_wait3A_377 : memref<5000x256xf32, #tpu.memory_space<hbm>>) dst(%dma_wait3A_372 : memref<32x256xf32, #tpu.memory_space<vmem>>)
    %dma_wait3A_378 = arith.constant 1 : i32
    %dma_wait3A_379 = arith.constant 0 : i32
    %dma_wait3A_380 = arith.constant 256 : i32
    %dma_wait3A_381 = tpu.memref_slice %arg8[%dma_wait3A_378, %dma_wait3A_379, %dma_wait3A_380] : memref<2x32x512xf32, #tpu.memory_space<vmem>> -> memref<1x32x256xf32, #tpu.memory_space<vmem>>
    %dma_wait3A_382 = tpu.memref_squeeze %dma_wait3A_381 : memref<1x32x256xf32, #tpu.memory_space<vmem>> -> memref<32x256xf32, #tpu.memory_space<vmem>>
    %dma_wait3A_383 = arith.constant 2016 : i32
    %dma_wait3A_384 = tpu.memref_slice %arg5[%dma_wait3A_383] : memref<2048xi32, #tpu.memory_space<vmem>> -> memref<32xi32, #tpu.memory_space<vmem>>
    %dma_wait3A_385 = arith.constant 0 : i32
    %dma_wait3A_386 = arith.constant 0 : i32
    %dma_wait3A_387 = tpu.memref_slice %arg2[%dma_wait3A_385, %dma_wait3A_386] : memref<5000x256xf32, #tpu.memory_space<hbm>> -> memref<5000x256xf32, #tpu.memory_space<hbm>>
    tpu.wait_indirect_dma semaphore(%arg11 : memref<!tpu.dma_semaphore, #tpu.memory_space<semaphore_mem>>) src(%dma_wait3A_387 : memref<5000x256xf32, #tpu.memory_space<hbm>>) dst(%dma_wait3A_382 : memref<32x256xf32, #tpu.memory_space<vmem>>)
    %add3A_388 = arith.constant 62 : i32
    %add3A_389 = arith.addi %mul3A_2, %add3A_388 : i32
    %dma_start3A_390 = arith.constant 0 : i32
    %dma_start3A_391 = arith.constant 0 : i32
    %dma_start3A_392 = tpu.memref_slice %arg4[%add3A_389, %dma_start3A_390, %dma_start3A_391] : memref<2048x32x512xf32, #tpu.memory_space<hbm>> -> memref<2x32x512xf32, #tpu.memory_space<hbm>>
    %dma_start3A_393 = arith.constant 0 : i32
    %dma_start3A_394 = arith.constant 0 : i32
    %dma_start3A_395 = tpu.memref_slice %arg4[%add3A_389, %dma_start3A_393, %dma_start3A_394] : memref<2048x32x512xf32, #tpu.memory_space<hbm>> -> memref<2x32x512xf32, #tpu.memory_space<hbm>>
    tpu.enqueue_dma source(%arg8 : memref<2x32x512xf32, #tpu.memory_space<vmem>>) target(%dma_start3A_395 : memref<2x32x512xf32, #tpu.memory_space<hbm>>) target_semaphore(%arg14 : memref<!tpu.dma_semaphore, #tpu.memory_space<semaphore_mem>>)
    %add3A_396 = arith.constant 60 : i32
    %add3A_397 = arith.addi %mul3A_2, %add3A_396 : i32
    %dma_wait3A_398 = arith.constant 0 : i32
    %dma_wait3A_399 = arith.constant 0 : i32
    %dma_wait3A_400 = tpu.memref_slice %arg4[%add3A_397, %dma_wait3A_398, %dma_wait3A_399] : memref<2048x32x512xf32, #tpu.memory_space<hbm>> -> memref<2x32x512xf32, #tpu.memory_space<hbm>>
    %dma_wait3A_401 = arith.constant 0 : i32
    %dma_wait3A_402 = arith.constant 0 : i32
    %dma_wait3A_403 = tpu.memref_slice %arg4[%add3A_397, %dma_wait3A_401, %dma_wait3A_402] : memref<2048x32x512xf32, #tpu.memory_space<hbm>> -> memref<2x32x512xf32, #tpu.memory_space<hbm>>
    tpu.wait_dma2 semaphore(%arg13 : memref<!tpu.dma_semaphore, #tpu.memory_space<semaphore_mem>>) src(%arg7 : memref<2x32x512xf32, #tpu.memory_space<vmem>>) dst(%dma_wait3A_403 : memref<2x32x512xf32, #tpu.memory_space<hbm>>)
    %add3A_404 = arith.constant 62 : i32
    %add3A_405 = arith.addi %mul3A_2, %add3A_404 : i32
    %dma_wait3A_406 = arith.constant 0 : i32
    %dma_wait3A_407 = arith.constant 0 : i32
    %dma_wait3A_408 = tpu.memref_slice %arg4[%add3A_405, %dma_wait3A_406, %dma_wait3A_407] : memref<2048x32x512xf32, #tpu.memory_space<hbm>> -> memref<2x32x512xf32, #tpu.memory_space<hbm>>
    %dma_wait3A_409 = arith.constant 0 : i32
    %dma_wait3A_410 = arith.constant 0 : i32
    %dma_wait3A_411 = tpu.memref_slice %arg4[%add3A_405, %dma_wait3A_409, %dma_wait3A_410] : memref<2048x32x512xf32, #tpu.memory_space<hbm>> -> memref<2x32x512xf32, #tpu.memory_space<hbm>>
    tpu.wait_dma2 semaphore(%arg14 : memref<!tpu.dma_semaphore, #tpu.memory_space<semaphore_mem>>) src(%arg8 : memref<2x32x512xf32, #tpu.memory_space<vmem>>) dst(%dma_wait3A_411 : memref<2x32x512xf32, #tpu.memory_space<hbm>>)
    return
  }
}

</mosaic_0001>

<sc_bundles>
// kernel: kernel.3.cloned.1.call-start
scs
__scs_entry_jumppad:
0x0: {  	(pc) =	sbr.rel $0x88, $3  }
0x1: {  	(tag) =	ssettag $0x0;
	lr =	simm.s32 $0x1  }
0x2: {  	[smem:$0x3F9F] =	sst lr;
	_ =	strace $0xD0000000  }
0x3: {  	_ = 	snop  }
0x4: {  	_ = 	snop  }
0x5: {  	_ = 	snop  }
0x6: {  	_ = 	snop  }
0x7: {  	_ = 	snop  }
__scs_overlays_trampoline_lowered:
0x8: {  	[smem:$0x3FAE] =	sst s0  }
0x9: {  	[smem:$0x3FAF] =	sst s1  }
0xa: {  	[smem:$0x3FB0] =	sst s2  }
0xb: {  	[smem:$0x3FB1] =	sst s3  }
0xc: {  	[smem:$0x3FB2] =	sst s4  }
0xd: {  	[smem:$0x3FB3] =	sst s5  }
0xe: {  	[smem:$0x3FB4] =	sst s6  }
0xf: {  	[smem:$0x3FB5] =	sst s7  }
0x10: {  	[smem:$0x3FB6] =	sst s8  }
0x11: {  	[smem:$0x3FB7] =	sst s9;
	s0 =	simm.s32 @!p0 $0x0  }
0x12: {  	s1 =	sld [smem:$0x3F9D];
	s0 =	simm.s32 @p0 $0x1  }
0x13: {  	[smem:$0x3FB8] =	sst s0;
	s0 =	simm.s32 @!p1 $0x0  }
0x14: {  	s2 =	sld [smem:$0x3F9C];
	s0 =	simm.s32 @p1 $0x1  }
0x15: {  	[smem:$0x3FB9] =	sst s0;
	s0 =	simm.s32 @!p2 $0x0  }
0x16: {  	s3 =	sld [smem:$0x3FDB];
	s0 =	simm.s32 @p2 $0x1  }
0x17: {  	s4 =	simm.s32 $0x1BF5;
	[smem:$0x3FBB] =	sst s0  }
0x18: {  	s0 =	sld [smem:$0x3F9E];
	_ =	swait.ge [sflag:s4], $0x0  }
0x19: {  	s7 =	sld [smem:$0x3F9F]  }
0x1a: {  	s8 =	sadd.s32 $0xFFFFE003, lr  }
0x1b: {  	s9 =	sadd.s32 $0xFFFFFEF7, lr;
	s5 =	simm.s32 $0xFFFFFFFF;
	p2 =	slt.u32 s8, $0xFFFFF086  }
0x1c: {  	p1 =	slt.u32 s9, $0xF7A;
	s5 =	simm.s32 @!p2 $0x0  }
0x1d: {  	s5 =	simm.s32 @p1 $0x1;
	p0 =	seq.s32 s7, s2  }
0x1e: {  	s7 =	smul.u32 @!p0 $0xF7A, s2;
	p2 =	seq.s32 @!p0 s5, $0x0  }
0x1f: {  	s9 =	smul.u32 $0xF7A, s1;
	s8 =	simm.s32 @!p0 $0x1BF5;
	p2 =	por !p2, p0  }
0x20: {  	[sflag:s8] =	ssyncset.s32 @!p0 $0xFFFFF086;
	s6 =	sadd.s32 @!p0 s3, s7;
	s7 =	simm.s32 @!p0 $0x108  }
0x21: {  	s3 =	sadd.s32 s3, s9;
	s6 =	sadd.s32 @!p0 $0x88, s6;
	s7 =	simm.s32 @p2 $0x1082  }
0x22: {  	[simem:s7], [sflag:s8] =	dma.local @!p0 [hbm:s6], $0xF7A  }
0x23: {  	s9 =	sor.u32 $0xD0000000, s2;
	s6 =	simm.s32 $0x108;
	_ =	swait.ge @!p0 [sflag:s8], $0x0  }
0x24: {  	s3 =	sadd.s32 $0x88, s3;
	s6 =	simm.s32 @!p1 $0x1082;
	[sflag:s4] =	ssyncset.s32 $0xFFFFF086  }
0x25: {  	[simem:s6], [sflag:s4] =	dma.local [hbm:s3], $0xF7A  }
0x26: {  	[smem:$0x3F9F] =	sst s1;
	(tag) =	ssettag s2;
	_ =	strace s9  }
0x27: {  	s1 =	sld [smem:$0x3FAF]  }
0x28: {  	s2 =	sld [smem:$0x3FB0]  }
0x29: {  	s4 =	sld [smem:$0x3FB2]  }
0x2a: {  	p0 =	seq.s32 s5, $0x0;
	s5 =	sld [smem:$0x3FB3]  }
0x2b: {  	s6 =	sld [smem:$0x3FB4]  }
0x2c: {  	s7 =	sld [smem:$0x3FB5]  }
0x2d: {  	s3 =	simm.s32 $0x108;
	s8 =	sld [smem:$0x3FB6]  }
0x2e: {  	s3 =	simm.s32 @!p0 $0x1082;
	s9 =	sld [smem:$0x3FB7]  }
0x2f: {  	lr =	sadd.s32 s0, s3;
	s0 =	sld [smem:$0x3FAE]  }
0x30: {  	s3 =	sld [smem:$0x3FB1]  }
0x31: {  	[smem:$0x3FBA] =	sst s10  }
0x32: {  	s10 =	sld [smem:$0x3FB8];
	_ =	sdelay $0x3  }
0x33: {  	p0 =	seq.s32 s10, $0x1;
	s10 =	sld [smem:$0x3FBA];
	_ =	sdelay $0x3  }
0x34: {  	[smem:$0x3FBA] =	sst s10  }
0x35: {  	s10 =	sld [smem:$0x3FB9];
	_ =	sdelay $0x3  }
0x36: {  	p1 =	seq.s32 s10, $0x1;
	s10 =	sld [smem:$0x3FBA];
	_ =	sdelay $0x3  }
0x37: {  	[smem:$0x3FBA] =	sst s10  }
0x38: {  	s10 =	sld [smem:$0x3FBB]  }
0x39: {  	_ = 	snop;
	(pc) =	sbr.ind lr, $3  }
0x3a: {  	_ = 	snop  }
0x3b: {  	_ = 	snop  }
0x3c: {  	p2 =	seq.s32 s10, $0x1;
	s10 =	sld [smem:$0x3FBA]  }
0x3d: {  	_ =	shalt  }
0x3e: {  	_ =	shalt  }
0x3f: {  	_ =	shalt  }
0x40: {  	_ =	shalt  }
0x41: {  	_ =	shalt  }
0x42: {  	_ =	shalt  }
0x43: {  	_ =	shalt  }
0x44: {  	_ =	shalt  }
0x45: {  	_ =	shalt  }
0x46: {  	_ =	shalt  }
0x47: {  	_ =	shalt  }
0x48: {  	_ =	shalt  }
0x49: {  	_ =	shalt  }
0x4a: {  	_ =	shalt  }
0x4b: {  	_ =	shalt  }
0x4c: {  	_ =	shalt  }
0x4d: {  	_ =	shalt  }
0x4e: {  	_ =	shalt  }
0x4f: {  	_ =	shalt  }
0x50: {  	_ =	shalt  }
0x51: {  	_ =	shalt  }
0x52: {  	_ =	shalt  }
0x53: {  	_ =	shalt  }
0x54: {  	_ =	shalt  }
0x55: {  	_ =	shalt  }
0x56: {  	_ =	shalt  }
0x57: {  	_ =	shalt  }
0x58: {  	_ =	shalt  }
0x59: {  	_ =	shalt  }
0x5a: {  	_ =	shalt  }
0x5b: {  	_ =	shalt  }
0x5c: {  	_ =	shalt  }
0x5d: {  	_ =	shalt  }
0x5e: {  	_ =	shalt  }
0x5f: {  	_ =	shalt  }
0x60: {  	_ =	shalt  }
0x61: {  	_ =	shalt  }
0x62: {  	_ =	shalt  }
0x63: {  	_ =	shalt  }
0x64: {  	_ =	shalt  }
0x65: {  	_ =	shalt  }
0x66: {  	_ =	shalt  }
0x67: {  	_ =	shalt  }
0x68: {  	_ =	shalt  }
0x69: {  	_ =	shalt  }
0x6a: {  	_ =	shalt  }
0x6b: {  	_ =	shalt  }
0x6c: {  	_ =	shalt  }
0x6d: {  	_ =	shalt  }
0x6e: {  	_ =	shalt  }
0x6f: {  	_ =	shalt  }
0x70: {  	_ =	shalt  }
0x71: {  	_ =	shalt  }
0x72: {  	_ =	shalt  }
0x73: {  	_ =	shalt  }
0x74: {  	_ =	shalt  }
0x75: {  	_ =	shalt  }
0x76: {  	_ =	shalt  }
0x77: {  	_ =	shalt  }
0x78: {  	_ =	shalt  }
0x79: {  	_ =	shalt  }
0x7a: {  	_ =	shalt  }
0x7b: {  	_ =	shalt  }
0x7c: {  	_ =	shalt  }
0x7d: {  	_ =	shalt  }
0x7e: {  	_ =	shalt  }
0x7f: {  	_ =	shalt  }
0x80: {  	_ =	shalt  }
0x81: {  	_ =	shalt  }
0x82: {  	_ =	shalt  }
0x83: {  	_ =	shalt  }
0x84: {  	_ =	shalt  }
0x85: {  	_ =	shalt  }
0x86: {  	_ =	shalt  }
0x87: {  	_ =	shalt  }
.Lfunc_end0:
.L_simem_size_0:
called_computation_lowered:
.L_overlay_start_0:
0x88: {  	s2 =	sld [smem:$0x3FD9]  }
0x89: {  	s3 =	sld [smem:$0x3FFE];
	_ =	sdelay $0x1  }
0x8a: {  	s1 =	srdreg.scid  }
0x8b: {  	s0 =	sand.u32 $0x1, s1  }
0x8c: {  	s17 =	sshll.u32 s0, $0xA;
	s2 =	sadd.s32 s3, s2  }
0x8d: {  	s2 =	sadd.s32 s2, s17  }
0x8e: {  	[smem:$0x3FC6] =	sst s2  }
0x8f: {  	_ = 	snop  }
0x90: {  	s2 =	sld [smem:$0x3FD0];
	(tm) =	ssettm $0x1  }
0x91: {  	s18 =	sld [smem:$0x3FFB];
	_ =	sdelay $0x3  }
0x92: {  	_ =	strace s18  }
0x93: {  	s3 =	sld [smem:$0x3FFC];
	_ =	sdelay $0x3  }
0x94: {  	_ =	strace s3  }
0x95: {  	s3 =	sld [smem:$0x3FFD];
	_ =	sdelay $0x3  }
0x96: {  	_ =	strace s3  }
0x97: {  	_ =	strace $0x8FFFFFFF  }
0x98: {  	s19 =	sld [smem:$0x3FDB];
	_ =	sdelay $0x1  }
0x99: {  	s4 =	simm.s32 $_scs_section_size  }
0x9a: {  	s5 =	simm.s32 $_size__tile_overlayer_lowered;
	s6 =	simm.s32 $_tile_overlayer_lowered  }
0x9b: {  	s22 =	simm.s32 $0x1BFF;
	s21 =	sshll.u32 s6, $0x1;
	s3 =	sadd.s32 s4, s19  }
0x9c: {  	s7 =	simm.s32 $0x0;
	s20 =	sshll.u32 s5, $0x1;
	s5 =	sadd.s32 s21, s3  }
0x9d: {  	[timem:s7], [sflag:s22] =	dma.local [hbm:s5], s20  }
0x9e: {  	_ =	swait.ge [sflag:s22], s20  }
0x9f: {  	s4 =	ssub.s32 $0x0, s20;
	[sflag:s22] =	ssyncset.done $0x0  }
0xa0: {  	[sflag:s22] =	ssyncadd.s32 s4;
	_ =	sdelay $0x1  }
0xa1: {  	s23 =	simm.s32 $0x1B8B  }
0xa2: {  	_ =	swait.ge [sflag:s23], $0x1  }
0xa3: {  	[sflag:s23] =	ssyncset.done $0x0  }
0xa4: {  	s25 =	simm.s32 $0x1B8E;
	s24 =	sld [smem:$0x3FFE];
	[sflag:s23] =	ssyncadd.s32 $0xFFFFFFFF  }
0xa5: {  	s26 =	simm.s32 $execute0_lowered;
	[smem:$0x3FD2] =	sst s25  }
0xa6: {  	s5 =	sshll.u32 s26, $0x1;
	_ =	strace $0x80000046;
	[dreg:$0x1] =	wrdreg $0xFFFFFFFF  }
0xa7: {  	s28 =	simm.s32 $_size_execute0_lowered;
	s3 =	sadd.s32 s3, s5;
	[dreg:$0x0] =	wrdreg $0x0  }
0xa8: {  	s5 =	sshll.u32 s28, $0x1;
	[dreg:$0x2] =	wrdreg s3  }
0xa9: {  	[dreg:$0x3] =	wrdreg s5  }
0xaa: {  	[dreg:$0x4] =	wrdreg $0xC0  }
0xab: {  	_ =	task [dreg:s7], $0x5FFFF  }
0xac: {  	[dreg:$0x1] =	wrdreg $0xFFFFFFFF  }
0xad: {  	[dreg:$0x0] =	wrdreg $0x60  }
0xae: {  	[dreg:$0x2] =	wrdreg s24  }
0xaf: {  	[dreg:$0x3] =	wrdreg s2  }
0xb0: {  	[dreg:$0x4] =	wrdreg $0x9  }
0xb1: {  	_ =	task.clear_ibuf [dreg:s7], $0x5FFFF;
	_ =	strace $0x90000046  }
0xb2: {  	s29 =	simm.s32 $0x9;
	_ =	strace $0x80000048  }
0xb3: {  	_ =	swait.ge [sflag:s29], $0x1  }
0xb4: {  	[sflag:s29] =	ssyncadd.s32 $0xFFFFFFFF  }
0xb5: {  	_ =	strace $0x90000048  }
0xb6: {  	_ =	sfence  }
0xb7: {  	s30 =	sld [smem:$0x0];
	_ =	sdelay $0x2  }
0xb8: {  	s31 =	sshll.u32 s1, $0xD;
	s1 =	sshrl.u32 s1, $0x2  }
0xb9: {  	s3 =	sand.u32 $0x4000, s31;
	s1 =	sadd.s32 s1, s30  }
0xba: {  	s0 =	sor.u32 s3, s0;
	s1 =	sshll.u32 s1, $0x11  }
0xbb: {  	s0 =	sor.u32 s1, s0  }
0xbc: {  	s0 =	sadd.s32 $0x8F2B, s0  }
0xbd: {  	[sflag:s0] =	ssyncadd.remote.s32 $0x1  }
0xbe: {  	_ =	sfence.sel $0xFFFF  }
0xbf: {  	[dreg:$0x0] =	wrdreg $0xFFFFFFFF;
	(pc) =	sbr.abs _section_cstart, $3  }
0xc0: {  	[dreg:$0x1] =	wrdreg $0xFFFFFFFF  }
0xc1: {  	_ =	task.clear_ibuf [dreg:s7], $0x2FFFF;
	_ =	strace $0x9FFFFFFF  }
0xc2: {  	(tm) =	ssettm $0x7FFFFFFF  }
0xc3: {  	_ =	shalt  }
tec
execute0_lowered:
.L_overlay_start_1:
0x0: {  	(tag) =	ssettag $0x1  }
0x1: {  	s0 =	rddreg [dreg:$0x0]  }
0x2: {  	s1 =	rddreg [dreg:$0x1];
	s3 =	srdreg.scid  }
0x3: {  	s5 =	stileid.u32;
	s2 =	simm.s32 $0x0;
	s16 =	simm.s32 $0x9000  }
0x4: {  	s17 =	simm.s32 $0xA000;
	s18 =	simm.s32 $0xB000;
	s19 =	simm.s32 $0xC000  }
0x5: {  	s20 =	simm.s32 $0xD000;
	s28 =	simm.s32 $0x14000;
	s29 =	simm.s32 $0x1  }
0x6: {  	s30 =	simm.s32 $0x4800;
	s9 =	simm.s32 $0x2;
	s10 =	simm.s32 $0xC800  }
0x7: {  	s31 =	simm.s32 $0x4;
	s4 =	sand.u32 $0x1, s3;
	s21 =	sshll.u32 s5, $0x1  }
0x8: {  	[smem:$0x7FF] =	sst s2;
	s3 =	sadd.s32 $0x2400, s0;
	s5 =	sor.u32 s4, s21  }
0x9: {  	_ =	strace $0x80000047;
	s7 =	ssub.s32 $0x2, s4;
	s4 =	sshll.u32 s4, $0xB  }
0xa: {  	s21 =	simm.s32 $0xE000;
	s6 =	sshll.u32 s5, $0x8;
	s22 =	sshrl.u32 s7, $0x1  }
0xb: {  	s5 =	sshll.u32 s5, $0x11;
	s23 =	sadd.s32 s3, s4;
	s0 =	sadd.s32 s6, s0  }
0xc: {  	[dreg:$0x4] =	wrdreg s23;
	s6 =	sadd.s32 s1, s5;
	s0 =	sadd.s32 $0x400, s0  }
0xd: {  	s4 =	simm.s32 $0x0;
	s24 =	sadd.s32 $0x1E000, s6;
	[dreg:$0x3] =	wrdreg s0  }
0xe: {  	s7 =	ssub.s32 s7, s22;
	s25 =	sadd.s32 $0x1F000, s6;
	[dreg:$0x5] =	wrdreg s24  }
0xf: {  	v2 =	vlaneseq.u32;
	s22 =	simm.s32 $0xF000;
	s26 =	smax.u32 s7, $0x1;
	[dreg:$0x6] =	wrdreg s25  }
0x10: {  	vm0 =	vmmov $0xffff;
	v1 =	vshrl.u32 v2, $0x3;
	s23 =	simm.s32 $0x10000;
	[dreg:$0x7] =	wrdreg s26;
	s24 =	simm.s32 $0x11000  }
0x11: {  	v0 =	vand.u32 $0x7, v2;
	v2 =	vor.u32 $0x8, v2;
	v1 =	vmul.u32 $0x8, v1;
	s25 =	simm.s32 $0x12000;
	s26 =	simm.s32 $0x13000;
	s0 =	simm.s32 $0x3  }
.LBB2_1:
0x12: {  	[dreg:$0x8] =	wrdreg s4  }
0x13: {  	s1 =	rddreg [dreg:$0x3];
	s14 =	simm.s32 $0x7  }
0x14: {  	[tilespmem:s2], [sflag:$0x7] =	stream.linear.gather [hbm4b:s1+s2], $0x800, $0x38;
	[tilespmem:$0x1C800] =	vst v63  }
0x15: {  	_ =	swait.ge [sflag:s14], $0x800  }
0x16: {  	[sflag:s14] =	ssyncset.done $0x0  }
0x17: {  	s5 =	simm.s32 $0x800;
	s15 =	rddreg [dreg:$0x4];
	[sflag:s14] =	ssyncadd.s32 $0xFFFFF800  }
0x18: {  	[tilespmem:s5], [sflag:$0x7] =	stream.linear.gather [hbm4b:s15+s2], $0x4000, $0x38;
	[tilespmem:$0x1C800] =	vst v63  }
0x19: {  	_ =	swait.ge [sflag:s14], $0x4000  }
0x1a: {  	[sflag:s14] =	ssyncset.done $0x0  }
0x1b: {  	[sflag:s14] =	ssyncadd.s32 $0xFFFFC000  }
0x1c: {  	v3 =	vld [tilespmem:$0x0];
	_ =	sdelay $0x4  }
0x1d: {  	v4 =	vshll.u32 v3, $0x1  }
0x1e: {  	v3 =	vand.u32 $0x7, v3;
	v4 =	vand.u32 $0xFFFFFFF0, v4  }
0x1f: {  	v3 =	vor.u32 v3, v4  }
0x20: {  	v4 =	vperm.xlane v3, v0;
	_ =	sdelay $0x1  }
0x21: {  	v3 =	vperm.xlane v3, v2;
	v4 =	vadd.s32 v1, v4;
	_ =	sdelay $0x1  }
0x22: {  	v3 =	vadd.s32 v1, v3;
	_ =	sdelay $0x1  }
0x23: {  	s7 =	simm.s32 $0x5000  }
0x24: {  	[tilespmem:s7], [sflag:$0x1] =	stream.indirect_vreg.gather [hbm4b:s3+s2], $0x80, v4, vm0, $0xb8;
	[tilespmem:$0x1C800] =	vst v63  }
0x25: {  	s8 =	simm.s32 $0x6000  }
0x26: {  	[tilespmem:s8], [sflag:$0x1] =	stream.indirect_vreg.gather [hbm4b:s3+s2], $0x80, v3, vm0, $0xb8;
	[tilespmem:$0x1C800] =	vst v63  }
0x27: {  	v3 =	vld [tilespmem:$0x10];
	_ =	sdelay $0x4  }
0x28: {  	v4 =	vshll.u32 v3, $0x1  }
0x29: {  	v3 =	vand.u32 $0x7, v3;
	v4 =	vand.u32 $0xFFFFFFF0, v4  }
0x2a: {  	v3 =	vor.u32 v3, v4  }
0x2b: {  	v4 =	vperm.xlane v3, v0;
	_ =	sdelay $0x1  }
0x2c: {  	v3 =	vperm.xlane v3, v2;
	v4 =	vadd.s32 v1, v4;
	_ =	sdelay $0x1  }
0x2d: {  	v3 =	vadd.s32 v1, v3;
	_ =	sdelay $0x1  }
0x2e: {  	s11 =	simm.s32 $0x7000  }
0x2f: {  	[tilespmem:s11], [sflag:$0x1] =	stream.indirect_vreg.gather [hbm4b:s3+s2], $0x80, v4, vm0, $0xb8;
	[tilespmem:$0x1C800] =	vst v63  }
0x30: {  	s12 =	simm.s32 $0x8000  }
0x31: {  	[tilespmem:s12], [sflag:$0x1] =	stream.indirect_vreg.gather [hbm4b:s3+s2], $0x80, v3, vm0, $0xb8;
	[tilespmem:$0x1C800] =	vst v63  }
0x32: {  	v3 =	vld [tilespmem:$0x20];
	_ =	sdelay $0x4  }
0x33: {  	v4 =	vshll.u32 v3, $0x1  }
0x34: {  	v3 =	vand.u32 $0x7, v3;
	v4 =	vand.u32 $0xFFFFFFF0, v4  }
0x35: {  	v3 =	vor.u32 v3, v4  }
0x36: {  	v4 =	vperm.xlane v3, v0;
	_ =	sdelay $0x1  }
0x37: {  	v3 =	vperm.xlane v3, v2;
	v4 =	vadd.s32 v1, v4;
	_ =	sdelay $0x1  }
0x38: {  	v3 =	vadd.s32 v1, v3;
	_ =	sdelay $0x2  }
0x39: {  	[tilespmem:s16], [sflag:$0x1] =	stream.indirect_vreg.gather [hbm4b:s3+s2], $0x80, v4, vm0, $0xb8;
	[tilespmem:$0x1C800] =	vst v63  }
0x3a: {  	_ = 	snop  }
0x3b: {  	[tilespmem:s17], [sflag:$0x1] =	stream.indirect_vreg.gather [hbm4b:s3+s2], $0x80, v3, vm0, $0xb8;
	[tilespmem:$0x1C800] =	vst v63  }
0x3c: {  	v3 =	vld [tilespmem:$0x30];
	_ =	sdelay $0x4  }
0x3d: {  	v4 =	vshll.u32 v3, $0x1  }
0x3e: {  	v3 =	vand.u32 $0x7, v3;
	v4 =	vand.u32 $0xFFFFFFF0, v4  }
0x3f: {  	v3 =	vor.u32 v3, v4  }
0x40: {  	v4 =	vperm.xlane v3, v0;
	_ =	sdelay $0x1  }
0x41: {  	v3 =	vperm.xlane v3, v2;
	v4 =	vadd.s32 v1, v4;
	_ =	sdelay $0x1  }
0x42: {  	v3 =	vadd.s32 v1, v3;
	_ =	sdelay $0x2  }
0x43: {  	[tilespmem:s18], [sflag:$0x1] =	stream.indirect_vreg.gather [hbm4b:s3+s2], $0x80, v4, vm0, $0xb8;
	[tilespmem:$0x1C800] =	vst v63  }
0x44: {  	_ = 	snop  }
0x45: {  	[tilespmem:s19], [sflag:$0x1] =	stream.indirect_vreg.gather [hbm4b:s3+s2], $0x80, v3, vm0, $0xb8;
	[tilespmem:$0x1C800] =	vst v63  }
0x46: {  	v3 =	vld [tilespmem:$0x800]  }
0x47: {  	v4 =	vld [tilespmem:$0x810]  }
0x48: {  	v5 =	vld [tilespmem:$0x820]  }
0x49: {  	v6 =	vld [tilespmem:$0x830]  }
0x4a: {  	v7 =	vld [tilespmem:$0x840]  }
0x4b: {  	v8 =	vld [tilespmem:$0x850]  }
0x4c: {  	v9 =	vld [tilespmem:$0x860]  }
0x4d: {  	v10 =	vld [tilespmem:$0x870]  }
0x4e: {  	v11 =	vld [tilespmem:$0xC00]  }
0x4f: {  	v12 =	vld [tilespmem:$0xC10]  }
0x50: {  	v13 =	vld [tilespmem:$0xC20]  }
0x51: {  	v14 =	vld [tilespmem:$0xC30]  }
0x52: {  	v15 =	vld [tilespmem:$0xC40]  }
0x53: {  	v16 =	vld [tilespmem:$0xC50]  }
0x54: {  	v17 =	vld [tilespmem:$0xC60]  }
0x55: {  	v18 =	vld [tilespmem:$0xC70]  }
0x56: {  	v19 =	vld [tilespmem:$0x880]  }
0x57: {  	v20 =	vld [tilespmem:$0x890]  }
0x58: {  	v21 =	vld [tilespmem:$0x8A0]  }
0x59: {  	v22 =	vld [tilespmem:$0x8B0]  }
0x5a: {  	v23 =	vld [tilespmem:$0x8C0]  }
0x5b: {  	v24 =	vld [tilespmem:$0x8D0]  }
0x5c: {  	v25 =	vld [tilespmem:$0x8E0]  }
0x5d: {  	v26 =	vld [tilespmem:$0x8F0]  }
0x5e: {  	v27 =	vld [tilespmem:$0xC80]  }
0x5f: {  	v28 =	vld [tilespmem:$0xC90]  }
0x60: {  	v34 =	vld [tilespmem:$0xCF0]  }
0x61: {  	v29 =	vld [tilespmem:$0xCA0]  }
0x62: {  	v30 =	vld [tilespmem:$0xCB0]  }
0x63: {  	s13 =	sand.u32 $0x3000, s2;
	s14 =	sand.u32 $0x380, s2;
	v31 =	vld [tilespmem:$0xCC0]  }
0x64: {  	s4 =	sor.u32 s14, s13;
	v32 =	vld [tilespmem:$0xCD0]  }
0x65: {  	v33 =	vld [tilespmem:$0xCE0];
	[tilespmem:s4+$0x8C70] =	vst v34  }
0x66: {  	[tilespmem:s4+$0x4800] =	vst v3  }
0x67: {  	[tilespmem:s4+$0x4810] =	vst v4  }
0x68: {  	[tilespmem:s4+$0x4820] =	vst v5  }
0x69: {  	[tilespmem:s4+$0x4830] =	vst v6  }
0x6a: {  	[tilespmem:s4+$0x4840] =	vst v7  }
0x6b: {  	[tilespmem:s4+$0x4850] =	vst v8  }
0x6c: {  	[tilespmem:s4+$0x4860] =	vst v9  }
0x6d: {  	[tilespmem:s4+$0x4870] =	vst v10  }
0x6e: {  	[tilespmem:s4+$0x4C00] =	vst v11  }
0x6f: {  	[tilespmem:s4+$0x4C10] =	vst v12  }
0x70: {  	[tilespmem:s4+$0x4C20] =	vst v13  }
0x71: {  	[tilespmem:s4+$0x4C30] =	vst v14  }
0x72: {  	[tilespmem:s4+$0x4C40] =	vst v15  }
0x73: {  	[tilespmem:s4+$0x4C50] =	vst v16  }
0x74: {  	[tilespmem:s4+$0x4C60] =	vst v17  }
0x75: {  	[tilespmem:s4+$0x4C70] =	vst v18  }
0x76: {  	[tilespmem:s4+$0x8800] =	vst v19  }
0x77: {  	[tilespmem:s4+$0x8810] =	vst v20  }
0x78: {  	[tilespmem:s4+$0x8820] =	vst v21  }
0x79: {  	[tilespmem:s4+$0x8830] =	vst v22  }
0x7a: {  	[tilespmem:s4+$0x8840] =	vst v23  }
0x7b: {  	[tilespmem:s4+$0x8850] =	vst v24  }
0x7c: {  	[tilespmem:s4+$0x8860] =	vst v25  }
0x7d: {  	[tilespmem:s4+$0x8870] =	vst v26  }
0x7e: {  	[tilespmem:s4+$0x8C00] =	vst v27  }
0x7f: {  	[tilespmem:s4+$0x8C10] =	vst v28  }
0x80: {  	[tilespmem:s4+$0x8C20] =	vst v29  }
0x81: {  	[tilespmem:s4+$0x8C30] =	vst v30  }
0x82: {  	s1 =	simm.s32 $0x80;
	s15 =	simm.s32 $0x200;
	[tilespmem:s4+$0x8C40] =	vst v31  }
0x83: {  	s5 =	simm.s32 $0x400;
	s7 =	sand.u32 $0x3000, s15;
	s8 =	sand.u32 $0x380, s1;
	[tilespmem:s4+$0x8C50] =	vst v32  }
.LBB2_2:
0x84: {  	p0 =	sne.s32 s5, $0x3E00;
	[tilespmem:s4+$0x8C60] =	vst v33;
	s4 =	sor.u32 s8, s7  }
0x85: {  	[tilespmem:s4+$0x8C70] =	vst v34  }
0x86: {  	[tilespmem:s4+$0x4800] =	vst v3  }
0x87: {  	[tilespmem:s4+$0x4810] =	vst v4  }
0x88: {  	[tilespmem:s4+$0x4820] =	vst v5  }
0x89: {  	[tilespmem:s4+$0x4830] =	vst v6  }
0x8a: {  	[tilespmem:s4+$0x4840] =	vst v7  }
0x8b: {  	[tilespmem:s4+$0x4850] =	vst v8  }
0x8c: {  	[tilespmem:s4+$0x4860] =	vst v9  }
0x8d: {  	[tilespmem:s4+$0x4870] =	vst v10  }
0x8e: {  	[tilespmem:s4+$0x4C00] =	vst v11  }
0x8f: {  	[tilespmem:s4+$0x4C10] =	vst v12  }
0x90: {  	[tilespmem:s4+$0x4C20] =	vst v13  }
0x91: {  	[tilespmem:s4+$0x4C30] =	vst v14  }
0x92: {  	[tilespmem:s4+$0x4C40] =	vst v15  }
0x93: {  	[tilespmem:s4+$0x4C50] =	vst v16  }
0x94: {  	[tilespmem:s4+$0x4C60] =	vst v17  }
0x95: {  	[tilespmem:s4+$0x4C70] =	vst v18  }
0x96: {  	[tilespmem:s4+$0x8800] =	vst v19  }
0x97: {  	[tilespmem:s4+$0x8810] =	vst v20  }
0x98: {  	[tilespmem:s4+$0x8820] =	vst v21  }
0x99: {  	[tilespmem:s4+$0x8830] =	vst v22  }
0x9a: {  	[tilespmem:s4+$0x8840] =	vst v23  }
0x9b: {  	[tilespmem:s4+$0x8850] =	vst v24  }
0x9c: {  	[tilespmem:s4+$0x8860] =	vst v25  }
0x9d: {  	[tilespmem:s4+$0x8870] =	vst v26  }
0x9e: {  	[tilespmem:s4+$0x8C00] =	vst v27  }
.Ltmp0:
0x9f: {  	[tilespmem:s4+$0x8C10] =	vst v28;
	(pc) =	sbr.rel @p0 .LBB2_2-.Ltmp0, $4  }
0xa0: {  	[tilespmem:s4+$0x8C20] =	vst v29  }
0xa1: {  	[tilespmem:s4+$0x8C30] =	vst v30  }
0xa2: {  	s1 =	sadd.s32 $0x80, s1;
	[tilespmem:s4+$0x8C40] =	vst v31  }
0xa3: {  	s7 =	sand.u32 $0x3000, s5;
	s5 =	sadd.s32 $0x200, s5;
	s8 =	sand.u32 $0x380, s1;
	[tilespmem:s4+$0x8C50] =	vst v32  }
0xa4: {  	s1 =	sor.u32 s8, s7;
	[tilespmem:s4+$0x8C60] =	vst v33  }
0xa5: {  	[tilespmem:s1+$0x8C70] =	vst v34  }
0xa6: {  	[tilespmem:s1+$0x4800] =	vst v3  }
0xa7: {  	[tilespmem:s1+$0x4810] =	vst v4  }
0xa8: {  	[tilespmem:s1+$0x4820] =	vst v5  }
0xa9: {  	[tilespmem:s1+$0x4830] =	vst v6  }
0xaa: {  	[tilespmem:s1+$0x4840] =	vst v7  }
0xab: {  	[tilespmem:s1+$0x4850] =	vst v8  }
0xac: {  	[tilespmem:s1+$0x4860] =	vst v9  }
0xad: {  	[tilespmem:s1+$0x4870] =	vst v10  }
0xae: {  	[tilespmem:s1+$0x4C00] =	vst v11  }
0xaf: {  	[tilespmem:s1+$0x4C10] =	vst v12  }
0xb0: {  	[tilespmem:s1+$0x4C20] =	vst v13  }
0xb1: {  	[tilespmem:s1+$0x4C30] =	vst v14  }
0xb2: {  	[tilespmem:s1+$0x4C40] =	vst v15  }
0xb3: {  	[tilespmem:s1+$0x4C50] =	vst v16  }
0xb4: {  	[tilespmem:s1+$0x4C60] =	vst v17  }
0xb5: {  	[tilespmem:s1+$0x4C70] =	vst v18  }
0xb6: {  	[tilespmem:s1+$0x8800] =	vst v19  }
0xb7: {  	[tilespmem:s1+$0x8810] =	vst v20  }
0xb8: {  	[tilespmem:s1+$0x8820] =	vst v21  }
0xb9: {  	[tilespmem:s1+$0x8830] =	vst v22  }
0xba: {  	[tilespmem:s1+$0x8840] =	vst v23  }
0xbb: {  	[tilespmem:s1+$0x8850] =	vst v24  }
0xbc: {  	[tilespmem:s1+$0x8860] =	vst v25  }
0xbd: {  	[tilespmem:s1+$0x8870] =	vst v26  }
0xbe: {  	[tilespmem:s1+$0x8C00] =	vst v27  }
0xbf: {  	[tilespmem:s1+$0x8C10] =	vst v28  }
0xc0: {  	[tilespmem:s1+$0x8C20] =	vst v29  }
0xc1: {  	[tilespmem:s1+$0x8C30] =	vst v30  }
0xc2: {  	[tilespmem:s1+$0x8C40] =	vst v31  }
0xc3: {  	[tilespmem:s1+$0x8C50] =	vst v32  }
0xc4: {  	s11 =	simm.s32 $0x0;
	s4 =	simm.s32 $0x0;
	[tilespmem:s1+$0x8C60] =	vst v33  }
.LBB2_4:
0xc5: {  	s5 =	smul.u32 $0x3, s4;
	p0 =	seq.s32 s4, $0x0  }
0xc6: {  	s1 =	simm.s32 @!p0 $0x5  }
0xc7: {  	_ =	swait.ge @!p0 [sflag:s1], $0x8000;
	s7 =	sadd.s32 $0x1, s5  }
0xc8: {  	[sflag:s1] =	ssyncset.done @!p0 $0x0;
	s8 =	sshll.u32 s7, $0x8  }
0xc9: {  	[sflag:s1] =	ssyncadd.s32 @!p0 $0xFFFF8000;
	s13 =	sshrl.u32 s8, $0x2  }
0xca: {  	v3 =	vld [tilespmem:s13+$0x0];
	_ =	sdelay $0x4  }
0xcb: {  	v4 =	vshll.u32 v3, $0x1  }
0xcc: {  	v3 =	vand.u32 $0x7, v3;
	v4 =	vand.u32 $0xFFFFFFF0, v4  }
0xcd: {  	v3 =	vor.u32 v3, v4  }
0xce: {  	v4 =	vperm.xlane v3, v0;
	_ =	sdelay $0x1  }
0xcf: {  	v3 =	vperm.xlane v3, v2;
	v4 =	vadd.s32 v1, v4;
	_ =	sdelay $0x1  }
0xd0: {  	v3 =	vadd.s32 v1, v3;
	_ =	sdelay $0x2  }
0xd1: {  	[tilespmem:s20], [sflag:$0x2] =	stream.indirect_vreg.gather [hbm4b:s3+s11], $0x80, v4, vm0, $0xb8;
	[tilespmem:$0x1C800] =	vst v63  }
0xd2: {  	_ = 	snop  }
0xd3: {  	[tilespmem:s21], [sflag:$0x2] =	stream.indirect_vreg.gather [hbm4b:s3+s11], $0x80, v3, vm0, $0xb8;
	[tilespmem:$0x1C800] =	vst v63  }
0xd4: {  	v3 =	vld [tilespmem:s13+$0x10];
	_ =	sdelay $0x4  }
0xd5: {  	v4 =	vshll.u32 v3, $0x1  }
0xd6: {  	v3 =	vand.u32 $0x7, v3;
	v4 =	vand.u32 $0xFFFFFFF0, v4  }
0xd7: {  	v3 =	vor.u32 v3, v4  }
0xd8: {  	v4 =	vperm.xlane v3, v0;
	_ =	sdelay $0x1  }
0xd9: {  	v3 =	vperm.xlane v3, v2;
	v4 =	vadd.s32 v1, v4;
	_ =	sdelay $0x1  }
0xda: {  	v3 =	vadd.s32 v1, v3;
	_ =	sdelay $0x1  }
0xdb: {  	s14 =	sor.u32 $0x80, s8  }
0xdc: {  	[tilespmem:s22], [sflag:$0x2] =	stream.indirect_vreg.gather [hbm4b:s3+s11], $0x80, v4, vm0, $0xb8;
	[tilespmem:$0x1C800] =	vst v63  }
0xdd: {  	s12 =	sshrl.u32 s14, $0x2  }
0xde: {  	[tilespmem:s23], [sflag:$0x2] =	stream.indirect_vreg.gather [hbm4b:s3+s11], $0x80, v3, vm0, $0xb8;
	[tilespmem:$0x1C800] =	vst v63  }
0xdf: {  	v3 =	vld [tilespmem:s12+$0x0];
	_ =	sdelay $0x4  }
0xe0: {  	v4 =	vshll.u32 v3, $0x1  }
0xe1: {  	v3 =	vand.u32 $0x7, v3;
	v4 =	vand.u32 $0xFFFFFFF0, v4  }
0xe2: {  	v3 =	vor.u32 v3, v4  }
0xe3: {  	v4 =	vperm.xlane v3, v0;
	_ =	sdelay $0x1  }
0xe4: {  	v3 =	vperm.xlane v3, v2;
	v4 =	vadd.s32 v1, v4;
	_ =	sdelay $0x1  }
0xe5: {  	v3 =	vadd.s32 v1, v3;
	_ =	sdelay $0x2  }
0xe6: {  	[tilespmem:s24], [sflag:$0x2] =	stream.indirect_vreg.gather [hbm4b:s3+s11], $0x80, v4, vm0, $0xb8;
	[tilespmem:$0x1C800] =	vst v63  }
0xe7: {  	_ = 	snop  }
0xe8: {  	[tilespmem:s25], [sflag:$0x2] =	stream.indirect_vreg.gather [hbm4b:s3+s11], $0x80, v3, vm0, $0xb8;
	[tilespmem:$0x1C800] =	vst v63  }
0xe9: {  	v3 =	vld [tilespmem:s12+$0x10];
	_ =	sdelay $0x4  }
0xea: {  	v4 =	vshll.u32 v3, $0x1  }
0xeb: {  	v3 =	vand.u32 $0x7, v3;
	v4 =	vand.u32 $0xFFFFFFF0, v4  }
0xec: {  	v3 =	vor.u32 v3, v4  }
0xed: {  	v4 =	vperm.xlane v3, v0;
	_ =	sdelay $0x1  }
0xee: {  	v3 =	vperm.xlane v3, v2;
	v4 =	vadd.s32 v1, v4;
	_ =	sdelay $0x1  }
0xef: {  	s15 =	sshll.u32 s7, $0x9;
	v3 =	vadd.s32 v1, v3  }
0xf0: {  	s12 =	sand.u32 $0xF800, s15  }
0xf1: {  	s8 =	sand.u32 $0x300, s8;
	s12 =	sadd.s32 $0x800, s12  }
0xf2: {  	[tilespmem:s26], [sflag:$0x2] =	stream.indirect_vreg.gather [hbm4b:s3+s11], $0x80, v4, vm0, $0xb8;
	[tilespmem:$0x1C800] =	vst v63  }
0xf3: {  	s8 =	sor.u32 s8, s12  }
0xf4: {  	[tilespmem:s28], [sflag:$0x2] =	stream.indirect_vreg.gather [hbm4b:s3+s11], $0x80, v3, vm0, $0xb8;
	[tilespmem:$0x1C800] =	vst v63  }
0xf5: {  	v3 =	vld [tilespmem:s8+$0x0]  }
0xf6: {  	v4 =	vld [tilespmem:s8+$0x10]  }
0xf7: {  	v5 =	vld [tilespmem:s8+$0x20]  }
0xf8: {  	v6 =	vld [tilespmem:s8+$0x30]  }
0xf9: {  	v7 =	vld [tilespmem:s8+$0x40]  }
0xfa: {  	v8 =	vld [tilespmem:s8+$0x50]  }
0xfb: {  	v9 =	vld [tilespmem:s8+$0x60]  }
0xfc: {  	v10 =	vld [tilespmem:s8+$0x70]  }
0xfd: {  	v11 =	vld [tilespmem:s8+$0x400]  }
0xfe: {  	v12 =	vld [tilespmem:s8+$0x410]  }
0xff: {  	v13 =	vld [tilespmem:s8+$0x420]  }
0x100: {  	v14 =	vld [tilespmem:s8+$0x430]  }
0x101: {  	v15 =	vld [tilespmem:s8+$0x440]  }
0x102: {  	v16 =	vld [tilespmem:s8+$0x450]  }
0x103: {  	s1 =	sand.u32 $0x380, s14;
	v17 =	vld [tilespmem:s8+$0x460]  }
0x104: {  	s1 =	sor.u32 s1, s12;
	v18 =	vld [tilespmem:s8+$0x470]  }
0x105: {  	v19 =	vld [tilespmem:s1+$0x0]  }
0x106: {  	v20 =	vld [tilespmem:s1+$0x10]  }
0x107: {  	v21 =	vld [tilespmem:s1+$0x20]  }
0x108: {  	v22 =	vld [tilespmem:s1+$0x30]  }
0x109: {  	v23 =	vld [tilespmem:s1+$0x40]  }
0x10a: {  	v24 =	vld [tilespmem:s1+$0x50]  }
0x10b: {  	v25 =	vld [tilespmem:s1+$0x60]  }
0x10c: {  	v26 =	vld [tilespmem:s1+$0x70]  }
0x10d: {  	v27 =	vld [tilespmem:s1+$0x400]  }
0x10e: {  	v28 =	vld [tilespmem:s1+$0x410]  }
0x10f: {  	p2 =	por $0x1, $0x1;
	v29 =	vld [tilespmem:s1+$0x420]  }
.Ltmp1:
0x110: {  	v33 =	vld [tilespmem:s1+$0x460];
	(pc) =	sbr.rel @!p2 .LBB2_5-.Ltmp1, $4  }
0x111: {  	v34 =	vld [tilespmem:s1+$0x470]  }
0x112: {  	v30 =	vld [tilespmem:s1+$0x430]  }
0x113: {  	p1 =	por $0x0, $0x0;
	v31 =	vld [tilespmem:s1+$0x440]  }
0x114: {  	s14 =	sand.u32 $0x380, s11;
	s13 =	sand.u32 $0x3000, s11;
	s12 =	simm.s32 $0x200;
	v32 =	vld [tilespmem:s1+$0x450]  }
0x115: {  	s8 =	sor.u32 s14, s13  }
0x116: {  	[tilespmem:s8+$0x10C70] =	vst v34  }
0x117: {  	[tilespmem:s8+$0xC800] =	vst v3  }
0x118: {  	[tilespmem:s8+$0xC810] =	vst v4  }
0x119: {  	[tilespmem:s8+$0xC820] =	vst v5  }
0x11a: {  	[tilespmem:s8+$0xC830] =	vst v6  }
0x11b: {  	[tilespmem:s8+$0xC840] =	vst v7  }
0x11c: {  	[tilespmem:s8+$0xC850] =	vst v8  }
0x11d: {  	[tilespmem:s8+$0xC860] =	vst v9  }
0x11e: {  	[tilespmem:s8+$0xC870] =	vst v10  }
0x11f: {  	[tilespmem:s8+$0xCC00] =	vst v11  }
0x120: {  	[tilespmem:s8+$0xCC10] =	vst v12  }
0x121: {  	[tilespmem:s8+$0xCC20] =	vst v13  }
0x122: {  	[tilespmem:s8+$0xCC30] =	vst v14  }
0x123: {  	[tilespmem:s8+$0xCC40] =	vst v15  }
0x124: {  	[tilespmem:s8+$0xCC50] =	vst v16  }
0x125: {  	[tilespmem:s8+$0xCC60] =	vst v17  }
0x126: {  	[tilespmem:s8+$0xCC70] =	vst v18  }
0x127: {  	[tilespmem:s8+$0x10800] =	vst v19  }
0x128: {  	[tilespmem:s8+$0x10810] =	vst v20  }
0x129: {  	[tilespmem:s8+$0x10820] =	vst v21  }
0x12a: {  	[tilespmem:s8+$0x10830] =	vst v22  }
0x12b: {  	[tilespmem:s8+$0x10840] =	vst v23  }
0x12c: {  	[tilespmem:s8+$0x10850] =	vst v24  }
0x12d: {  	[tilespmem:s8+$0x10860] =	vst v25  }
0x12e: {  	[tilespmem:s8+$0x10870] =	vst v26  }
0x12f: {  	p2 =	por $0x1, $0x1;
	[tilespmem:s8+$0x10C00] =	vst v27  }
.Ltmp2:
0x130: {  	[tilespmem:s8+$0x10C10] =	vst v28;
	(pc) =	sbr.rel @!p2 .LBB2_8-.Ltmp2, $4  }
0x131: {  	[tilespmem:s8+$0x10C20] =	vst v29  }
0x132: {  	[tilespmem:s8+$0x10C30] =	vst v30  }
0x133: {  	s1 =	simm.s32 $0x80;
	s13 =	sand.u32 $0x3000, s12;
	[tilespmem:s8+$0x10C40] =	vst v31  }
0x134: {  	s12 =	simm.s32 $0x400;
	p1 =	por $0x1, $0x1;
	s14 =	sand.u32 $0x380, s1;
	[tilespmem:s8+$0x10C50] =	vst v32  }
.LBB2_7:
0x135: {  	p2 =	sne.s32 s12, $0x3E00;
	[tilespmem:s8+$0x10C60] =	vst v33;
	s8 =	sor.u32 s14, s13  }
0x136: {  	[tilespmem:s8+$0x10C70] =	vst v34  }
0x137: {  	[tilespmem:s8+$0xC800] =	vst v3  }
0x138: {  	[tilespmem:s8+$0xC810] =	vst v4  }
0x139: {  	[tilespmem:s8+$0xC820] =	vst v5  }
0x13a: {  	[tilespmem:s8+$0xC830] =	vst v6  }
0x13b: {  	[tilespmem:s8+$0xC840] =	vst v7  }
0x13c: {  	[tilespmem:s8+$0xC850] =	vst v8  }
0x13d: {  	[tilespmem:s8+$0xC860] =	vst v9  }
0x13e: {  	[tilespmem:s8+$0xC870] =	vst v10  }
0x13f: {  	[tilespmem:s8+$0xCC00] =	vst v11  }
0x140: {  	[tilespmem:s8+$0xCC10] =	vst v12  }
0x141: {  	[tilespmem:s8+$0xCC20] =	vst v13  }
0x142: {  	[tilespmem:s8+$0xCC30] =	vst v14  }
0x143: {  	[tilespmem:s8+$0xCC40] =	vst v15  }
0x144: {  	[tilespmem:s8+$0xCC50] =	vst v16  }
0x145: {  	[tilespmem:s8+$0xCC60] =	vst v17  }
0x146: {  	[tilespmem:s8+$0xCC70] =	vst v18  }
0x147: {  	[tilespmem:s8+$0x10800] =	vst v19  }
0x148: {  	[tilespmem:s8+$0x10810] =	vst v20  }
0x149: {  	[tilespmem:s8+$0x10820] =	vst v21  }
0x14a: {  	[tilespmem:s8+$0x10830] =	vst v22  }
0x14b: {  	[tilespmem:s8+$0x10840] =	vst v23  }
0x14c: {  	[tilespmem:s8+$0x10850] =	vst v24  }
0x14d: {  	[tilespmem:s8+$0x10860] =	vst v25  }
0x14e: {  	[tilespmem:s8+$0x10870] =	vst v26  }
0x14f: {  	[tilespmem:s8+$0x10C00] =	vst v27  }
.Ltmp3:
0x150: {  	[tilespmem:s8+$0x10C10] =	vst v28;
	(pc) =	sbr.rel @p2 .LBB2_7-.Ltmp3, $4  }
0x151: {  	[tilespmem:s8+$0x10C20] =	vst v29  }
0x152: {  	[tilespmem:s8+$0x10C30] =	vst v30  }
0x153: {  	s1 =	sadd.s32 $0x80, s1;
	[tilespmem:s8+$0x10C40] =	vst v31  }
0x154: {  	s13 =	sand.u32 $0x3000, s12;
	s12 =	sadd.s32 $0x200, s12;
	s14 =	sand.u32 $0x380, s1;
	[tilespmem:s8+$0x10C50] =	vst v32  }
.LBB2_8:
0x155: {  	s1 =	sor.u32 s14, s13;
	[tilespmem:s8+$0x10C60] =	vst @p1 v33  }
0x156: {  	[tilespmem:s1+$0x10C70] =	vst v34  }
0x157: {  	[tilespmem:s1+$0xC800] =	vst v3  }
0x158: {  	[tilespmem:s1+$0xC810] =	vst v4  }
0x159: {  	[tilespmem:s1+$0xC820] =	vst v5  }
0x15a: {  	[tilespmem:s1+$0xC830] =	vst v6  }
0x15b: {  	[tilespmem:s1+$0xC840] =	vst v7  }
0x15c: {  	[tilespmem:s1+$0xC850] =	vst v8  }
0x15d: {  	[tilespmem:s1+$0xC860] =	vst v9  }
0x15e: {  	[tilespmem:s1+$0xC870] =	vst v10  }
0x15f: {  	[tilespmem:s1+$0xCC00] =	vst v11  }
0x160: {  	[tilespmem:s1+$0xCC10] =	vst v12  }
0x161: {  	[tilespmem:s1+$0xCC20] =	vst v13  }
0x162: {  	[tilespmem:s1+$0xCC30] =	vst v14  }
0x163: {  	[tilespmem:s1+$0xCC40] =	vst v15  }
0x164: {  	[tilespmem:s1+$0xCC50] =	vst v16  }
0x165: {  	[tilespmem:s1+$0xCC60] =	vst v17  }
0x166: {  	[tilespmem:s1+$0xCC70] =	vst v18  }
0x167: {  	[tilespmem:s1+$0x10800] =	vst v19  }
0x168: {  	[tilespmem:s1+$0x10810] =	vst v20  }
0x169: {  	[tilespmem:s1+$0x10820] =	vst v21  }
0x16a: {  	[tilespmem:s1+$0x10830] =	vst v22  }
0x16b: {  	[tilespmem:s1+$0x10840] =	vst v23  }
0x16c: {  	[tilespmem:s1+$0x10850] =	vst v24  }
0x16d: {  	[tilespmem:s1+$0x10860] =	vst v25  }
0x16e: {  	[tilespmem:s1+$0x10870] =	vst v26  }
0x16f: {  	[tilespmem:s1+$0x10C00] =	vst v27  }
0x170: {  	[tilespmem:s1+$0x10C10] =	vst v28  }
0x171: {  	[tilespmem:s1+$0x10C20] =	vst v29  }
0x172: {  	[tilespmem:s1+$0x10C30] =	vst v30  }
0x173: {  	[tilespmem:s1+$0x10C40] =	vst v31  }
0x174: {  	[tilespmem:s1+$0x10C50] =	vst v32  }
0x175: {  	[tilespmem:s1+$0x10C60] =	vst v33  }
0x176: {  	_ =	swait.ge [sflag:s29], $0x2000  }
0x177: {  	[sflag:s29] =	ssyncset.done $0x0  }
0x178: {  	[sflag:s29] =	ssyncadd.s32 $0xFFFFE000  }
0x179: {  	s14 =	smul.u32 $0x3000, s4;
	_ =	swait.ge [sflag:s29], $0x2000  }
0x17a: {  	[sflag:s29] =	ssyncset.done $0x0  }
0x17b: {  	s1 =	sadd.s32 s6, s14;
	[sflag:s29] =	ssyncadd.s32 $0xFFFFE000  }
0x17c: {  	[hbm4b:s1+s2] =	stream.linear.scatter [tilespmem:s30], [sflag:$0x4], $0x8000, $0x38;
	[tilespmem:$0x1C800] =	vst v63  }
0x17d: {  	s1 =	simm.s32 @!p0 $0x6  }
0x17e: {  	s8 =	sadd.s32 $0x2, s5;
	_ =	swait.ge @!p0 [sflag:s1], $0x8000  }
0x17f: {  	s12 =	sshll.u32 s8, $0x8;
	[sflag:s1] =	ssyncset.done @!p0 $0x0  }
0x180: {  	s13 =	sshrl.u32 s12, $0x2;
	[sflag:s1] =	ssyncadd.s32 @!p0 $0xFFFF8000  }
0x181: {  	v3 =	vld [tilespmem:s13+$0x0];
	_ =	sdelay $0x4  }
0x182: {  	v4 =	vshll.u32 v3, $0x1  }
0x183: {  	v3 =	vand.u32 $0x7, v3;
	v4 =	vand.u32 $0xFFFFFFF0, v4  }
0x184: {  	v3 =	vor.u32 v3, v4  }
0x185: {  	v4 =	vperm.xlane v3, v0;
	_ =	sdelay $0x1  }
0x186: {  	v3 =	vperm.xlane v3, v2;
	v4 =	vadd.s32 v1, v4;
	_ =	sdelay $0x1  }
0x187: {  	v3 =	vadd.s32 v1, v3;
	_ =	sdelay $0x1  }
0x188: {  	s15 =	simm.s32 $0x15000;
	s1 =	simm.s32 $0x0  }
0x189: {  	[tilespmem:s15], [sflag:$0x3] =	stream.indirect_vreg.gather [hbm4b:s3+s1], $0x80, v4, vm0, $0xb8;
	[tilespmem:$0x1C800] =	vst v63  }
0x18a: {  	s15 =	simm.s32 $0x16000  }
0x18b: {  	[tilespmem:s15], [sflag:$0x3] =	stream.indirect_vreg.gather [hbm4b:s3+s1], $0x80, v3, vm0, $0xb8;
	[tilespmem:$0x1C800] =	vst v63  }
0x18c: {  	v3 =	vld [tilespmem:s13+$0x10];
	_ =	sdelay $0x4  }
0x18d: {  	v4 =	vshll.u32 v3, $0x1  }
0x18e: {  	v3 =	vand.u32 $0x7, v3;
	v4 =	vand.u32 $0xFFFFFFF0, v4  }
0x18f: {  	v3 =	vor.u32 v3, v4  }
0x190: {  	v4 =	vperm.xlane v3, v0;
	_ =	sdelay $0x1  }
0x191: {  	v3 =	vperm.xlane v3, v2;
	v4 =	vadd.s32 v1, v4;
	_ =	sdelay $0x1  }
0x192: {  	v3 =	vadd.s32 v1, v3;
	_ =	sdelay $0x1  }
0x193: {  	s15 =	simm.s32 $0x17000  }
0x194: {  	[tilespmem:s15], [sflag:$0x3] =	stream.indirect_vreg.gather [hbm4b:s3+s1], $0x80, v4, vm0, $0xb8;
	[tilespmem:$0x1C800] =	vst v63  }
0x195: {  	s14 =	simm.s32 $0x18000;
	s13 =	sor.u32 $0x80, s12  }
0x196: {  	[tilespmem:s14], [sflag:$0x3] =	stream.indirect_vreg.gather [hbm4b:s3+s1], $0x80, v3, vm0, $0xb8;
	[tilespmem:$0x1C800] =	vst v63  }
0x197: {  	s14 =	sshrl.u32 s13, $0x2  }
0x198: {  	v3 =	vld [tilespmem:s14+$0x0];
	_ =	sdelay $0x4  }
0x199: {  	v4 =	vshll.u32 v3, $0x1  }
0x19a: {  	v3 =	vand.u32 $0x7, v3;
	v4 =	vand.u32 $0xFFFFFFF0, v4  }
0x19b: {  	v3 =	vor.u32 v3, v4  }
0x19c: {  	v4 =	vperm.xlane v3, v0;
	_ =	sdelay $0x1  }
0x19d: {  	v3 =	vperm.xlane v3, v2;
	v4 =	vadd.s32 v1, v4;
	_ =	sdelay $0x1  }
0x19e: {  	v3 =	vadd.s32 v1, v3;
	_ =	sdelay $0x1  }
0x19f: {  	s15 =	simm.s32 $0x19000  }
0x1a0: {  	[tilespmem:s15], [sflag:$0x3] =	stream.indirect_vreg.gather [hbm4b:s3+s1], $0x80, v4, vm0, $0xb8;
	[tilespmem:$0x1C800] =	vst v63  }
0x1a1: {  	s15 =	simm.s32 $0x1A000  }
0x1a2: {  	[tilespmem:s15], [sflag:$0x3] =	stream.indirect_vreg.gather [hbm4b:s3+s1], $0x80, v3, vm0, $0xb8;
	[tilespmem:$0x1C800] =	vst v63  }
0x1a3: {  	v3 =	vld [tilespmem:s14+$0x10];
	_ =	sdelay $0x4  }
0x1a4: {  	v4 =	vshll.u32 v3, $0x1  }
0x1a5: {  	v3 =	vand.u32 $0x7, v3;
	v4 =	vand.u32 $0xFFFFFFF0, v4  }
0x1a6: {  	v3 =	vor.u32 v3, v4  }
0x1a7: {  	v4 =	vperm.xlane v3, v0;
	_ =	sdelay $0x1  }
0x1a8: {  	v3 =	vperm.xlane v3, v2;
	v4 =	vadd.s32 v1, v4;
	_ =	sdelay $0x1  }
0x1a9: {  	v3 =	vadd.s32 v1, v3;
	_ =	sdelay $0x1  }
0x1aa: {  	s15 =	simm.s32 $0x1B000  }
0x1ab: {  	[tilespmem:s15], [sflag:$0x3] =	stream.indirect_vreg.gather [hbm4b:s3+s1], $0x80, v4, vm0, $0xb8;
	[tilespmem:$0x1C800] =	vst v63  }
0x1ac: {  	s15 =	simm.s32 $0x1C000  }
0x1ad: {  	[tilespmem:s15], [sflag:$0x3] =	stream.indirect_vreg.gather [hbm4b:s3+s1], $0x80, v3, vm0, $0xb8;
	[tilespmem:$0x1C800] =	vst v63  }
0x1ae: {  	s15 =	sshll.u32 s8, $0x9  }
0x1af: {  	s14 =	sand.u32 $0xF800, s15  }
0x1b0: {  	s12 =	sand.u32 $0x300, s12;
	s14 =	sadd.s32 $0x800, s14  }
0x1b1: {  	s12 =	sor.u32 s12, s14  }
0x1b2: {  	v3 =	vld [tilespmem:s12+$0x0]  }
0x1b3: {  	v4 =	vld [tilespmem:s12+$0x10]  }
0x1b4: {  	v5 =	vld [tilespmem:s12+$0x20]  }
0x1b5: {  	v6 =	vld [tilespmem:s12+$0x30]  }
0x1b6: {  	v7 =	vld [tilespmem:s12+$0x40]  }
0x1b7: {  	v8 =	vld [tilespmem:s12+$0x50]  }
0x1b8: {  	v9 =	vld [tilespmem:s12+$0x60]  }
0x1b9: {  	v10 =	vld [tilespmem:s12+$0x70]  }
0x1ba: {  	v11 =	vld [tilespmem:s12+$0x400]  }
0x1bb: {  	v12 =	vld [tilespmem:s12+$0x410]  }
0x1bc: {  	v13 =	vld [tilespmem:s12+$0x420]  }
0x1bd: {  	v14 =	vld [tilespmem:s12+$0x430]  }
0x1be: {  	v15 =	vld [tilespmem:s12+$0x440]  }
0x1bf: {  	v16 =	vld [tilespmem:s12+$0x450]  }
0x1c0: {  	s13 =	sand.u32 $0x380, s13;
	v17 =	vld [tilespmem:s12+$0x460]  }
0x1c1: {  	s13 =	sor.u32 s13, s14;
	v18 =	vld [tilespmem:s12+$0x470]  }
0x1c2: {  	v19 =	vld [tilespmem:s13+$0x0]  }
0x1c3: {  	v20 =	vld [tilespmem:s13+$0x10]  }
0x1c4: {  	v21 =	vld [tilespmem:s13+$0x20]  }
0x1c5: {  	v22 =	vld [tilespmem:s13+$0x30]  }
0x1c6: {  	v23 =	vld [tilespmem:s13+$0x40]  }
0x1c7: {  	v24 =	vld [tilespmem:s13+$0x50]  }
0x1c8: {  	v25 =	vld [tilespmem:s13+$0x60]  }
0x1c9: {  	v26 =	vld [tilespmem:s13+$0x70]  }
0x1ca: {  	v27 =	vld [tilespmem:s13+$0x400]  }
0x1cb: {  	v28 =	vld [tilespmem:s13+$0x410]  }
0x1cc: {  	v34 =	vld [tilespmem:s13+$0x470]  }
0x1cd: {  	v29 =	vld [tilespmem:s13+$0x420]  }
0x1ce: {  	v30 =	vld [tilespmem:s13+$0x430]  }
0x1cf: {  	s14 =	sand.u32 $0x3000, s1;
	s1 =	sand.u32 $0x380, s1;
	v31 =	vld [tilespmem:s13+$0x440]  }
0x1d0: {  	v32 =	vld [tilespmem:s13+$0x450];
	s1 =	sor.u32 s1, s14  }
0x1d1: {  	v33 =	vld [tilespmem:s13+$0x460];
	[tilespmem:s1+$0x18C70] =	vst v34  }
0x1d2: {  	[tilespmem:s1+$0x14800] =	vst v3  }
0x1d3: {  	[tilespmem:s1+$0x14810] =	vst v4  }
0x1d4: {  	[tilespmem:s1+$0x14820] =	vst v5  }
0x1d5: {  	[tilespmem:s1+$0x14830] =	vst v6  }
0x1d6: {  	[tilespmem:s1+$0x14840] =	vst v7  }
0x1d7: {  	[tilespmem:s1+$0x14850] =	vst v8  }
0x1d8: {  	[tilespmem:s1+$0x14860] =	vst v9  }
0x1d9: {  	[tilespmem:s1+$0x14870] =	vst v10  }
0x1da: {  	[tilespmem:s1+$0x14C00] =	vst v11  }
0x1db: {  	[tilespmem:s1+$0x14C10] =	vst v12  }
0x1dc: {  	[tilespmem:s1+$0x14C20] =	vst v13  }
0x1dd: {  	[tilespmem:s1+$0x14C30] =	vst v14  }
0x1de: {  	[tilespmem:s1+$0x14C40] =	vst v15  }
0x1df: {  	[tilespmem:s1+$0x14C50] =	vst v16  }
0x1e0: {  	[tilespmem:s1+$0x14C60] =	vst v17  }
0x1e1: {  	[tilespmem:s1+$0x14C70] =	vst v18  }
0x1e2: {  	[tilespmem:s1+$0x18800] =	vst v19  }
0x1e3: {  	[tilespmem:s1+$0x18810] =	vst v20  }
0x1e4: {  	[tilespmem:s1+$0x18820] =	vst v21  }
0x1e5: {  	[tilespmem:s1+$0x18830] =	vst v22  }
0x1e6: {  	[tilespmem:s1+$0x18840] =	vst v23  }
0x1e7: {  	[tilespmem:s1+$0x18850] =	vst v24  }
0x1e8: {  	[tilespmem:s1+$0x18860] =	vst v25  }
0x1e9: {  	[tilespmem:s1+$0x18870] =	vst v26  }
0x1ea: {  	[tilespmem:s1+$0x18C00] =	vst v27  }
0x1eb: {  	[tilespmem:s1+$0x18C10] =	vst v28  }
0x1ec: {  	[tilespmem:s1+$0x18C20] =	vst v29  }
0x1ed: {  	[tilespmem:s1+$0x18C30] =	vst v30  }
0x1ee: {  	s15 =	simm.s32 $0x200;
	s12 =	simm.s32 $0x80;
	[tilespmem:s1+$0x18C40] =	vst v31  }
0x1ef: {  	s14 =	sand.u32 $0x3000, s15;
	s13 =	simm.s32 $0x400;
	s15 =	sand.u32 $0x380, s12;
	[tilespmem:s1+$0x18C50] =	vst v32  }
.LBB2_9:
0x1f0: {  	p0 =	sne.s32 s13, $0x3E00;
	[tilespmem:s1+$0x18C60] =	vst v33;
	s1 =	sor.u32 s15, s14  }
0x1f1: {  	[tilespmem:s1+$0x18C70] =	vst v34  }
0x1f2: {  	[tilespmem:s1+$0x14800] =	vst v3  }
0x1f3: {  	[tilespmem:s1+$0x14810] =	vst v4  }
0x1f4: {  	[tilespmem:s1+$0x14820] =	vst v5  }
0x1f5: {  	[tilespmem:s1+$0x14830] =	vst v6  }
0x1f6: {  	[tilespmem:s1+$0x14840] =	vst v7  }
0x1f7: {  	[tilespmem:s1+$0x14850] =	vst v8  }
0x1f8: {  	[tilespmem:s1+$0x14860] =	vst v9  }
0x1f9: {  	[tilespmem:s1+$0x14870] =	vst v10  }
0x1fa: {  	[tilespmem:s1+$0x14C00] =	vst v11  }
0x1fb: {  	[tilespmem:s1+$0x14C10] =	vst v12  }
0x1fc: {  	[tilespmem:s1+$0x14C20] =	vst v13  }
0x1fd: {  	[tilespmem:s1+$0x14C30] =	vst v14  }
0x1fe: {  	[tilespmem:s1+$0x14C40] =	vst v15  }
0x1ff: {  	[tilespmem:s1+$0x14C50] =	vst v16  }
0x200: {  	[tilespmem:s1+$0x14C60] =	vst v17  }
0x201: {  	[tilespmem:s1+$0x14C70] =	vst v18  }
0x202: {  	[tilespmem:s1+$0x18800] =	vst v19  }
0x203: {  	[tilespmem:s1+$0x18810] =	vst v20  }
0x204: {  	[tilespmem:s1+$0x18820] =	vst v21  }
0x205: {  	[tilespmem:s1+$0x18830] =	vst v22  }
0x206: {  	[tilespmem:s1+$0x18840] =	vst v23  }
0x207: {  	[tilespmem:s1+$0x18850] =	vst v24  }
0x208: {  	[tilespmem:s1+$0x18860] =	vst v25  }
0x209: {  	[tilespmem:s1+$0x18870] =	vst v26  }
0x20a: {  	[tilespmem:s1+$0x18C00] =	vst v27  }
.Ltmp4:
0x20b: {  	[tilespmem:s1+$0x18C10] =	vst v28;
	(pc) =	sbr.rel @p0 .LBB2_9-.Ltmp4, $4  }
0x20c: {  	[tilespmem:s1+$0x18C20] =	vst v29  }
0x20d: {  	[tilespmem:s1+$0x18C30] =	vst v30  }
0x20e: {  	s12 =	sadd.s32 $0x80, s12;
	[tilespmem:s1+$0x18C40] =	vst v31  }
0x20f: {  	s14 =	sand.u32 $0x3000, s13;
	s13 =	sadd.s32 $0x200, s13;
	s15 =	sand.u32 $0x380, s12;
	[tilespmem:s1+$0x18C50] =	vst v32  }
0x210: {  	s12 =	sor.u32 s15, s14;
	[tilespmem:s1+$0x18C60] =	vst v33  }
0x211: {  	[tilespmem:s12+$0x18C70] =	vst v34  }
0x212: {  	[tilespmem:s12+$0x14800] =	vst v3  }
0x213: {  	[tilespmem:s12+$0x14810] =	vst v4  }
0x214: {  	[tilespmem:s12+$0x14820] =	vst v5  }
0x215: {  	[tilespmem:s12+$0x14830] =	vst v6  }
0x216: {  	[tilespmem:s12+$0x14840] =	vst v7  }
0x217: {  	[tilespmem:s12+$0x14850] =	vst v8  }
0x218: {  	[tilespmem:s12+$0x14860] =	vst v9  }
0x219: {  	[tilespmem:s12+$0x14870] =	vst v10  }
0x21a: {  	[tilespmem:s12+$0x14C00] =	vst v11  }
0x21b: {  	[tilespmem:s12+$0x14C10] =	vst v12  }
0x21c: {  	[tilespmem:s12+$0x14C20] =	vst v13  }
0x21d: {  	[tilespmem:s12+$0x14C30] =	vst v14  }
0x21e: {  	[tilespmem:s12+$0x14C40] =	vst v15  }
0x21f: {  	[tilespmem:s12+$0x14C50] =	vst v16  }
0x220: {  	[tilespmem:s12+$0x14C60] =	vst v17  }
0x221: {  	[tilespmem:s12+$0x14C70] =	vst v18  }
0x222: {  	[tilespmem:s12+$0x18800] =	vst v19  }
0x223: {  	[tilespmem:s12+$0x18810] =	vst v20  }
0x224: {  	[tilespmem:s12+$0x18820] =	vst v21  }
0x225: {  	[tilespmem:s12+$0x18830] =	vst v22  }
0x226: {  	[tilespmem:s12+$0x18840] =	vst v23  }
0x227: {  	[tilespmem:s12+$0x18850] =	vst v24  }
0x228: {  	[tilespmem:s12+$0x18860] =	vst v25  }
0x229: {  	[tilespmem:s12+$0x18870] =	vst v26  }
0x22a: {  	[tilespmem:s12+$0x18C00] =	vst v27  }
0x22b: {  	[tilespmem:s12+$0x18C10] =	vst v28  }
0x22c: {  	[tilespmem:s12+$0x18C20] =	vst v29  }
0x22d: {  	[tilespmem:s12+$0x18C30] =	vst v30  }
0x22e: {  	[tilespmem:s12+$0x18C40] =	vst v31  }
0x22f: {  	[tilespmem:s12+$0x18C50] =	vst v32  }
0x230: {  	[tilespmem:s12+$0x18C60] =	vst v33  }
0x231: {  	_ =	swait.ge [sflag:s9], $0x2000  }
0x232: {  	[sflag:s9] =	ssyncset.done $0x0  }
0x233: {  	[sflag:s9] =	ssyncadd.s32 $0xFFFFE000  }
0x234: {  	_ =	swait.ge [sflag:s9], $0x2000  }
0x235: {  	s14 =	sshll.u32 s7, $0xC;
	[sflag:s9] =	ssyncset.done $0x0  }
0x236: {  	s1 =	simm.s32 $0x0;
	s7 =	sadd.s32 s14, s6;
	[sflag:s9] =	ssyncadd.s32 $0xFFFFE000  }
0x237: {  	[hbm4b:s7+s1] =	stream.linear.scatter [tilespmem:s10], [sflag:$0x5], $0x8000, $0x38;
	[tilespmem:$0x1C800] =	vst v63  }
0x238: {  	s5 =	sadd.s32 $0x3, s5;
	_ =	swait.ge [sflag:s31], $0x8000  }
0x239: {  	s7 =	sshll.u32 s5, $0x8;
	[sflag:s31] =	ssyncset.done $0x0  }
0x23a: {  	s15 =	sshrl.u32 s7, $0x2;
	[sflag:s31] =	ssyncadd.s32 $0xFFFF8000  }
0x23b: {  	v3 =	vld [tilespmem:s15+$0x0];
	_ =	sdelay $0x4  }
0x23c: {  	v4 =	vshll.u32 v3, $0x1  }
0x23d: {  	v3 =	vand.u32 $0x7, v3;
	v4 =	vand.u32 $0xFFFFFFF0, v4  }
0x23e: {  	v3 =	vor.u32 v3, v4  }
0x23f: {  	v4 =	vperm.xlane v3, v0;
	_ =	sdelay $0x1  }
0x240: {  	v3 =	vperm.xlane v3, v2;
	v4 =	vadd.s32 v1, v4;
	_ =	sdelay $0x1  }
0x241: {  	v3 =	vadd.s32 v1, v3;
	_ =	sdelay $0x1  }
0x242: {  	s13 =	simm.s32 $0x5000  }
0x243: {  	[tilespmem:s13], [sflag:$0x1] =	stream.indirect_vreg.gather [hbm4b:s3+s1], $0x80, v4, vm0, $0xb8;
	[tilespmem:$0x1C800] =	vst v63  }
0x244: {  	s14 =	simm.s32 $0x6000  }
0x245: {  	[tilespmem:s14], [sflag:$0x1] =	stream.indirect_vreg.gather [hbm4b:s3+s1], $0x80, v3, vm0, $0xb8;
	[tilespmem:$0x1C800] =	vst v63  }
0x246: {  	v3 =	vld [tilespmem:s15+$0x10];
	_ =	sdelay $0x4  }
0x247: {  	v4 =	vshll.u32 v3, $0x1  }
0x248: {  	v3 =	vand.u32 $0x7, v3;
	v4 =	vand.u32 $0xFFFFFFF0, v4  }
0x249: {  	v3 =	vor.u32 v3, v4  }
0x24a: {  	v4 =	vperm.xlane v3, v0;
	_ =	sdelay $0x1  }
0x24b: {  	v3 =	vperm.xlane v3, v2;
	v4 =	vadd.s32 v1, v4;
	_ =	sdelay $0x1  }
0x24c: {  	v3 =	vadd.s32 v1, v3;
	_ =	sdelay $0x1  }
0x24d: {  	s14 =	sor.u32 $0x80, s7;
	s15 =	simm.s32 $0x7000  }
0x24e: {  	[tilespmem:s15], [sflag:$0x1] =	stream.indirect_vreg.gather [hbm4b:s3+s1], $0x80, v4, vm0, $0xb8;
	[tilespmem:$0x1C800] =	vst v63  }
0x24f: {  	s13 =	simm.s32 $0x8000;
	s15 =	sshrl.u32 s14, $0x2  }
0x250: {  	[tilespmem:s13], [sflag:$0x1] =	stream.indirect_vreg.gather [hbm4b:s3+s1], $0x80, v3, vm0, $0xb8;
	[tilespmem:$0x1C800] =	vst v63  }
0x251: {  	v3 =	vld [tilespmem:s15+$0x0];
	_ =	sdelay $0x4  }
0x252: {  	v4 =	vshll.u32 v3, $0x1  }
0x253: {  	v3 =	vand.u32 $0x7, v3;
	v4 =	vand.u32 $0xFFFFFFF0, v4  }
0x254: {  	v3 =	vor.u32 v3, v4  }
0x255: {  	v4 =	vperm.xlane v3, v0;
	_ =	sdelay $0x1  }
0x256: {  	v3 =	vperm.xlane v3, v2;
	v4 =	vadd.s32 v1, v4;
	_ =	sdelay $0x1  }
0x257: {  	v3 =	vadd.s32 v1, v3;
	_ =	sdelay $0x2  }
0x258: {  	[tilespmem:s16], [sflag:$0x1] =	stream.indirect_vreg.gather [hbm4b:s3+s1], $0x80, v4, vm0, $0xb8;
	[tilespmem:$0x1C800] =	vst v63  }
0x259: {  	_ = 	snop  }
0x25a: {  	[tilespmem:s17], [sflag:$0x1] =	stream.indirect_vreg.gather [hbm4b:s3+s1], $0x80, v3, vm0, $0xb8;
	[tilespmem:$0x1C800] =	vst v63  }
0x25b: {  	v3 =	vld [tilespmem:s15+$0x10];
	_ =	sdelay $0x4  }
0x25c: {  	v4 =	vshll.u32 v3, $0x1  }
0x25d: {  	v3 =	vand.u32 $0x7, v3;
	v4 =	vand.u32 $0xFFFFFFF0, v4  }
0x25e: {  	v3 =	vor.u32 v3, v4  }
0x25f: {  	v4 =	vperm.xlane v3, v0;
	_ =	sdelay $0x1  }
0x260: {  	v3 =	vperm.xlane v3, v2;
	v4 =	vadd.s32 v1, v4;
	_ =	sdelay $0x1  }
0x261: {  	s5 =	sshll.u32 s5, $0x9;
	v3 =	vadd.s32 v1, v3  }
0x262: {  	s5 =	sand.u32 $0xF800, s5  }
0x263: {  	s5 =	sadd.s32 $0x800, s5;
	s7 =	sand.u32 $0x300, s7  }
0x264: {  	[tilespmem:s18], [sflag:$0x1] =	stream.indirect_vreg.gather [hbm4b:s3+s1], $0x80, v4, vm0, $0xb8;
	[tilespmem:$0x1C800] =	vst v63  }
0x265: {  	s7 =	sor.u32 s7, s5  }
0x266: {  	[tilespmem:s19], [sflag:$0x1] =	stream.indirect_vreg.gather [hbm4b:s3+s1], $0x80, v3, vm0, $0xb8;
	[tilespmem:$0x1C800] =	vst v63  }
0x267: {  	v3 =	vld [tilespmem:s7+$0x0]  }
0x268: {  	v4 =	vld [tilespmem:s7+$0x10]  }
0x269: {  	v5 =	vld [tilespmem:s7+$0x20]  }
0x26a: {  	v6 =	vld [tilespmem:s7+$0x30]  }
0x26b: {  	v7 =	vld [tilespmem:s7+$0x40]  }
0x26c: {  	v8 =	vld [tilespmem:s7+$0x50]  }
0x26d: {  	v9 =	vld [tilespmem:s7+$0x60]  }
0x26e: {  	v10 =	vld [tilespmem:s7+$0x70]  }
0x26f: {  	v11 =	vld [tilespmem:s7+$0x400]  }
0x270: {  	v12 =	vld [tilespmem:s7+$0x410]  }
0x271: {  	v13 =	vld [tilespmem:s7+$0x420]  }
0x272: {  	v14 =	vld [tilespmem:s7+$0x430]  }
0x273: {  	v15 =	vld [tilespmem:s7+$0x440]  }
0x274: {  	v16 =	vld [tilespmem:s7+$0x450]  }
0x275: {  	s12 =	sand.u32 $0x380, s14;
	v17 =	vld [tilespmem:s7+$0x460]  }
0x276: {  	s5 =	sor.u32 s12, s5;
	v18 =	vld [tilespmem:s7+$0x470]  }
0x277: {  	v19 =	vld [tilespmem:s5+$0x0]  }
0x278: {  	v20 =	vld [tilespmem:s5+$0x10]  }
0x279: {  	v21 =	vld [tilespmem:s5+$0x20]  }
0x27a: {  	v22 =	vld [tilespmem:s5+$0x30]  }
0x27b: {  	v23 =	vld [tilespmem:s5+$0x40]  }
0x27c: {  	v24 =	vld [tilespmem:s5+$0x50]  }
0x27d: {  	v25 =	vld [tilespmem:s5+$0x60]  }
0x27e: {  	v26 =	vld [tilespmem:s5+$0x70]  }
0x27f: {  	v27 =	vld [tilespmem:s5+$0x400]  }
0x280: {  	v28 =	vld [tilespmem:s5+$0x410]  }
0x281: {  	v34 =	vld [tilespmem:s5+$0x470]  }
0x282: {  	v29 =	vld [tilespmem:s5+$0x420]  }
0x283: {  	v30 =	vld [tilespmem:s5+$0x430]  }
0x284: {  	s14 =	sand.u32 $0x3000, s1;
	s1 =	sand.u32 $0x380, s1;
	v31 =	vld [tilespmem:s5+$0x440]  }
0x285: {  	v32 =	vld [tilespmem:s5+$0x450];
	s1 =	sor.u32 s1, s14  }
0x286: {  	v33 =	vld [tilespmem:s5+$0x460];
	[tilespmem:s1+$0x8C70] =	vst v34  }
0x287: {  	[tilespmem:s1+$0x4800] =	vst v3  }
0x288: {  	[tilespmem:s1+$0x4810] =	vst v4  }
0x289: {  	[tilespmem:s1+$0x4820] =	vst v5  }
0x28a: {  	[tilespmem:s1+$0x4830] =	vst v6  }
0x28b: {  	[tilespmem:s1+$0x4840] =	vst v7  }
0x28c: {  	[tilespmem:s1+$0x4850] =	vst v8  }
0x28d: {  	[tilespmem:s1+$0x4860] =	vst v9  }
0x28e: {  	[tilespmem:s1+$0x4870] =	vst v10  }
0x28f: {  	[tilespmem:s1+$0x4C00] =	vst v11  }
0x290: {  	[tilespmem:s1+$0x4C10] =	vst v12  }
0x291: {  	[tilespmem:s1+$0x4C20] =	vst v13  }
0x292: {  	[tilespmem:s1+$0x4C30] =	vst v14  }
0x293: {  	[tilespmem:s1+$0x4C40] =	vst v15  }
0x294: {  	[tilespmem:s1+$0x4C50] =	vst v16  }
0x295: {  	[tilespmem:s1+$0x4C60] =	vst v17  }
0x296: {  	[tilespmem:s1+$0x4C70] =	vst v18  }
0x297: {  	[tilespmem:s1+$0x8800] =	vst v19  }
0x298: {  	[tilespmem:s1+$0x8810] =	vst v20  }
0x299: {  	[tilespmem:s1+$0x8820] =	vst v21  }
0x29a: {  	[tilespmem:s1+$0x8830] =	vst v22  }
0x29b: {  	[tilespmem:s1+$0x8840] =	vst v23  }
0x29c: {  	[tilespmem:s1+$0x8850] =	vst v24  }
0x29d: {  	[tilespmem:s1+$0x8860] =	vst v25  }
0x29e: {  	[tilespmem:s1+$0x8870] =	vst v26  }
0x29f: {  	[tilespmem:s1+$0x8C00] =	vst v27  }
0x2a0: {  	[tilespmem:s1+$0x8C10] =	vst v28  }
0x2a1: {  	[tilespmem:s1+$0x8C20] =	vst v29  }
0x2a2: {  	[tilespmem:s1+$0x8C30] =	vst v30  }
0x2a3: {  	s15 =	simm.s32 $0x200;
	s5 =	simm.s32 $0x80;
	[tilespmem:s1+$0x8C40] =	vst v31  }
0x2a4: {  	s12 =	sand.u32 $0x3000, s15;
	s7 =	simm.s32 $0x400;
	s13 =	sand.u32 $0x380, s5;
	[tilespmem:s1+$0x8C50] =	vst v32  }
.LBB2_11:
0x2a5: {  	p0 =	sne.s32 s7, $0x3E00;
	[tilespmem:s1+$0x8C60] =	vst v33;
	s1 =	sor.u32 s13, s12  }
0x2a6: {  	[tilespmem:s1+$0x8C70] =	vst v34  }
0x2a7: {  	[tilespmem:s1+$0x4800] =	vst v3  }
0x2a8: {  	[tilespmem:s1+$0x4810] =	vst v4  }
0x2a9: {  	[tilespmem:s1+$0x4820] =	vst v5  }
0x2aa: {  	[tilespmem:s1+$0x4830] =	vst v6  }
0x2ab: {  	[tilespmem:s1+$0x4840] =	vst v7  }
0x2ac: {  	[tilespmem:s1+$0x4850] =	vst v8  }
0x2ad: {  	[tilespmem:s1+$0x4860] =	vst v9  }
0x2ae: {  	[tilespmem:s1+$0x4870] =	vst v10  }
0x2af: {  	[tilespmem:s1+$0x4C00] =	vst v11  }
0x2b0: {  	[tilespmem:s1+$0x4C10] =	vst v12  }
0x2b1: {  	[tilespmem:s1+$0x4C20] =	vst v13  }
0x2b2: {  	[tilespmem:s1+$0x4C30] =	vst v14  }
0x2b3: {  	[tilespmem:s1+$0x4C40] =	vst v15  }
0x2b4: {  	[tilespmem:s1+$0x4C50] =	vst v16  }
0x2b5: {  	[tilespmem:s1+$0x4C60] =	vst v17  }
0x2b6: {  	[tilespmem:s1+$0x4C70] =	vst v18  }
0x2b7: {  	[tilespmem:s1+$0x8800] =	vst v19  }
0x2b8: {  	[tilespmem:s1+$0x8810] =	vst v20  }
0x2b9: {  	[tilespmem:s1+$0x8820] =	vst v21  }
0x2ba: {  	[tilespmem:s1+$0x8830] =	vst v22  }
0x2bb: {  	[tilespmem:s1+$0x8840] =	vst v23  }
0x2bc: {  	[tilespmem:s1+$0x8850] =	vst v24  }
0x2bd: {  	[tilespmem:s1+$0x8860] =	vst v25  }
0x2be: {  	[tilespmem:s1+$0x8870] =	vst v26  }
0x2bf: {  	[tilespmem:s1+$0x8C00] =	vst v27  }
.Ltmp5:
0x2c0: {  	[tilespmem:s1+$0x8C10] =	vst v28;
	(pc) =	sbr.rel @p0 .LBB2_11-.Ltmp5, $4  }
0x2c1: {  	[tilespmem:s1+$0x8C20] =	vst v29  }
0x2c2: {  	[tilespmem:s1+$0x8C30] =	vst v30  }
0x2c3: {  	s5 =	sadd.s32 $0x80, s5;
	[tilespmem:s1+$0x8C40] =	vst v31  }
0x2c4: {  	s12 =	sand.u32 $0x3000, s7;
	s7 =	sadd.s32 $0x200, s7;
	s13 =	sand.u32 $0x380, s5;
	[tilespmem:s1+$0x8C50] =	vst v32  }
0x2c5: {  	s5 =	sor.u32 s13, s12;
	[tilespmem:s1+$0x8C60] =	vst v33  }
0x2c6: {  	[tilespmem:s5+$0x8C70] =	vst v34  }
0x2c7: {  	[tilespmem:s5+$0x4800] =	vst v3  }
0x2c8: {  	[tilespmem:s5+$0x4810] =	vst v4  }
0x2c9: {  	[tilespmem:s5+$0x4820] =	vst v5  }
0x2ca: {  	[tilespmem:s5+$0x4830] =	vst v6  }
0x2cb: {  	[tilespmem:s5+$0x4840] =	vst v7  }
0x2cc: {  	[tilespmem:s5+$0x4850] =	vst v8  }
0x2cd: {  	[tilespmem:s5+$0x4860] =	vst v9  }
0x2ce: {  	[tilespmem:s5+$0x4870] =	vst v10  }
0x2cf: {  	[tilespmem:s5+$0x4C00] =	vst v11  }
0x2d0: {  	[tilespmem:s5+$0x4C10] =	vst v12  }
0x2d1: {  	[tilespmem:s5+$0x4C20] =	vst v13  }
0x2d2: {  	[tilespmem:s5+$0x4C30] =	vst v14  }
0x2d3: {  	[tilespmem:s5+$0x4C40] =	vst v15  }
0x2d4: {  	[tilespmem:s5+$0x4C50] =	vst v16  }
0x2d5: {  	[tilespmem:s5+$0x4C60] =	vst v17  }
0x2d6: {  	[tilespmem:s5+$0x4C70] =	vst v18  }
0x2d7: {  	[tilespmem:s5+$0x8800] =	vst v19  }
0x2d8: {  	[tilespmem:s5+$0x8810] =	vst v20  }
0x2d9: {  	[tilespmem:s5+$0x8820] =	vst v21  }
0x2da: {  	[tilespmem:s5+$0x8830] =	vst v22  }
0x2db: {  	[tilespmem:s5+$0x8840] =	vst v23  }
0x2dc: {  	[tilespmem:s5+$0x8850] =	vst v24  }
0x2dd: {  	[tilespmem:s5+$0x8860] =	vst v25  }
0x2de: {  	[tilespmem:s5+$0x8870] =	vst v26  }
0x2df: {  	[tilespmem:s5+$0x8C00] =	vst v27  }
0x2e0: {  	[tilespmem:s5+$0x8C10] =	vst v28  }
0x2e1: {  	[tilespmem:s5+$0x8C20] =	vst v29  }
0x2e2: {  	[tilespmem:s5+$0x8C30] =	vst v30  }
0x2e3: {  	[tilespmem:s5+$0x8C40] =	vst v31  }
0x2e4: {  	[tilespmem:s5+$0x8C50] =	vst v32  }
0x2e5: {  	[tilespmem:s5+$0x8C60] =	vst v33  }
0x2e6: {  	s4 =	sadd.s32 $0x1, s4;
	_ =	swait.ge [sflag:s0], $0x2000  }
0x2e7: {  	p0 =	sne.s32 s4, $0xA;
	[sflag:s0] =	ssyncset.done $0x0  }
.Ltmp6:
0x2e8: {  	[sflag:s0] =	ssyncadd.s32 $0xFFFFE000;
	(pc) =	sbr.rel @p0 .LBB2_4-.Ltmp6, $4  }
.Ltmp7:
0x2e9: {  	_ =	swait.ge [sflag:s0], $0x2000;
	(pc) =	sbr.rel @!p0 .LBB2_13-.Ltmp7, $4  }
0x2ea: {  	s14 =	sshll.u32 s8, $0xC;
	[sflag:s0] =	ssyncset.done $0x0  }
0x2eb: {  	s15 =	simm.s32 $0x14800;
	s1 =	sadd.s32 s14, s6;
	[sflag:s0] =	ssyncadd.s32 $0xFFFFE000  }
0x2ec: {  	[hbm4b:s1+s2] =	stream.linear.scatter [tilespmem:s15], [sflag:$0x6], $0x8000, $0x38;
	[tilespmem:$0x1C800] =	vst v63  }
0x2ed: {  	_ = 	snop  }
.LBB2_5:
.Ltmp8:
0x2ee: {  	(pc) =	sbr.rel .LBB2_8-.Ltmp8, $2  }
0x2ef: {  	_ =	sdelay $0x2  }
0x2f0: {  	_ = 	snop  }
.LBB2_13:
0x2f1: {  	s11 =	simm.s32 $0x5  }
0x2f2: {  	_ =	swait.ge [sflag:s11], $0x8000  }
0x2f3: {  	[sflag:s11] =	ssyncset.done $0x0  }
0x2f4: {  	[sflag:s11] =	ssyncadd.s32 $0xFFFF8000  }
0x2f5: {  	v3 =	vld [tilespmem:$0x7C0];
	_ =	sdelay $0x4  }
0x2f6: {  	v4 =	vshll.u32 v3, $0x1  }
0x2f7: {  	v3 =	vand.u32 $0x7, v3;
	v4 =	vand.u32 $0xFFFFFFF0, v4  }
0x2f8: {  	v3 =	vor.u32 v3, v4  }
0x2f9: {  	v4 =	vperm.xlane v3, v0;
	_ =	sdelay $0x1  }
0x2fa: {  	v3 =	vperm.xlane v3, v2;
	v4 =	vadd.s32 v1, v4;
	_ =	sdelay $0x1  }
0x2fb: {  	v3 =	vadd.s32 v1, v3;
	_ =	sdelay $0x1  }
0x2fc: {  	s1 =	simm.s32 $0x0  }
0x2fd: {  	[tilespmem:s20], [sflag:$0x2] =	stream.indirect_vreg.gather [hbm4b:s3+s1], $0x80, v4, vm0, $0xb8;
	[tilespmem:$0x1C800] =	vst v63  }
0x2fe: {  	_ = 	snop  }
0x2ff: {  	[tilespmem:s21], [sflag:$0x2] =	stream.indirect_vreg.gather [hbm4b:s3+s1], $0x80, v3, vm0, $0xb8;
	[tilespmem:$0x1C800] =	vst v63  }
0x300: {  	v3 =	vld [tilespmem:$0x7D0];
	_ =	sdelay $0x4  }
0x301: {  	v4 =	vshll.u32 v3, $0x1  }
0x302: {  	v3 =	vand.u32 $0x7, v3;
	v4 =	vand.u32 $0xFFFFFFF0, v4  }
0x303: {  	v3 =	vor.u32 v3, v4  }
0x304: {  	v4 =	vperm.xlane v3, v0;
	_ =	sdelay $0x1  }
0x305: {  	v3 =	vperm.xlane v3, v2;
	v4 =	vadd.s32 v1, v4;
	_ =	sdelay $0x1  }
0x306: {  	v3 =	vadd.s32 v1, v3;
	_ =	sdelay $0x2  }
0x307: {  	[tilespmem:s22], [sflag:$0x2] =	stream.indirect_vreg.gather [hbm4b:s3+s1], $0x80, v4, vm0, $0xb8;
	[tilespmem:$0x1C800] =	vst v63  }
0x308: {  	_ = 	snop  }
0x309: {  	[tilespmem:s23], [sflag:$0x2] =	stream.indirect_vreg.gather [hbm4b:s3+s1], $0x80, v3, vm0, $0xb8;
	[tilespmem:$0x1C800] =	vst v63  }
0x30a: {  	v3 =	vld [tilespmem:$0x7E0];
	_ =	sdelay $0x4  }
0x30b: {  	v4 =	vshll.u32 v3, $0x1  }
0x30c: {  	v3 =	vand.u32 $0x7, v3;
	v4 =	vand.u32 $0xFFFFFFF0, v4  }
0x30d: {  	v3 =	vor.u32 v3, v4  }
0x30e: {  	v4 =	vperm.xlane v3, v0;
	_ =	sdelay $0x1  }
0x30f: {  	v3 =	vperm.xlane v3, v2;
	v4 =	vadd.s32 v1, v4;
	_ =	sdelay $0x1  }
0x310: {  	v3 =	vadd.s32 v1, v3;
	_ =	sdelay $0x2  }
0x311: {  	[tilespmem:s24], [sflag:$0x2] =	stream.indirect_vreg.gather [hbm4b:s3+s1], $0x80, v4, vm0, $0xb8;
	[tilespmem:$0x1C800] =	vst v63  }
0x312: {  	_ = 	snop  }
0x313: {  	[tilespmem:s25], [sflag:$0x2] =	stream.indirect_vreg.gather [hbm4b:s3+s1], $0x80, v3, vm0, $0xb8;
	[tilespmem:$0x1C800] =	vst v63  }
0x314: {  	v3 =	vld [tilespmem:$0x7F0];
	_ =	sdelay $0x4  }
0x315: {  	v4 =	vshll.u32 v3, $0x1  }
0x316: {  	v3 =	vand.u32 $0x7, v3;
	v4 =	vand.u32 $0xFFFFFFF0, v4  }
0x317: {  	v3 =	vor.u32 v3, v4  }
0x318: {  	v4 =	vperm.xlane v3, v0;
	_ =	sdelay $0x1  }
0x319: {  	v3 =	vperm.xlane v3, v2;
	v4 =	vadd.s32 v1, v4;
	_ =	sdelay $0x1  }
0x31a: {  	v3 =	vadd.s32 v1, v3;
	_ =	sdelay $0x2  }
0x31b: {  	[tilespmem:s26], [sflag:$0x2] =	stream.indirect_vreg.gather [hbm4b:s3+s1], $0x80, v4, vm0, $0xb8;
	[tilespmem:$0x1C800] =	vst v63  }
0x31c: {  	_ = 	snop  }
0x31d: {  	[tilespmem:s28], [sflag:$0x2] =	stream.indirect_vreg.gather [hbm4b:s3+s1], $0x80, v3, vm0, $0xb8;
	[tilespmem:$0x1C800] =	vst v63  }
0x31e: {  	v3 =	vld [tilespmem:$0x4300]  }
0x31f: {  	v4 =	vld [tilespmem:$0x4310]  }
0x320: {  	v5 =	vld [tilespmem:$0x4320]  }
0x321: {  	v6 =	vld [tilespmem:$0x4330]  }
0x322: {  	v7 =	vld [tilespmem:$0x4340]  }
0x323: {  	v8 =	vld [tilespmem:$0x4350]  }
0x324: {  	v9 =	vld [tilespmem:$0x4360]  }
0x325: {  	v10 =	vld [tilespmem:$0x4370]  }
0x326: {  	v11 =	vld [tilespmem:$0x4700]  }
0x327: {  	v12 =	vld [tilespmem:$0x4710]  }
0x328: {  	v13 =	vld [tilespmem:$0x4720]  }
0x329: {  	v14 =	vld [tilespmem:$0x4730]  }
0x32a: {  	v15 =	vld [tilespmem:$0x4740]  }
0x32b: {  	v16 =	vld [tilespmem:$0x4750]  }
0x32c: {  	v17 =	vld [tilespmem:$0x4760]  }
0x32d: {  	v18 =	vld [tilespmem:$0x4770]  }
0x32e: {  	v19 =	vld [tilespmem:$0x4380]  }
0x32f: {  	v20 =	vld [tilespmem:$0x4390]  }
0x330: {  	v21 =	vld [tilespmem:$0x43A0]  }
0x331: {  	v22 =	vld [tilespmem:$0x43B0]  }
0x332: {  	v23 =	vld [tilespmem:$0x43C0]  }
0x333: {  	v24 =	vld [tilespmem:$0x43D0]  }
0x334: {  	v25 =	vld [tilespmem:$0x43E0]  }
0x335: {  	v26 =	vld [tilespmem:$0x43F0]  }
0x336: {  	v27 =	vld [tilespmem:$0x4780]  }
0x337: {  	v28 =	vld [tilespmem:$0x4790]  }
0x338: {  	v34 =	vld [tilespmem:$0x47F0]  }
0x339: {  	v29 =	vld [tilespmem:$0x47A0]  }
0x33a: {  	v30 =	vld [tilespmem:$0x47B0]  }
0x33b: {  	s4 =	sand.u32 $0x3000, s1;
	s1 =	sand.u32 $0x380, s1;
	v31 =	vld [tilespmem:$0x47C0]  }
0x33c: {  	v32 =	vld [tilespmem:$0x47D0];
	s1 =	sor.u32 s1, s4  }
0x33d: {  	v33 =	vld [tilespmem:$0x47E0];
	[tilespmem:s1+$0x10C70] =	vst v34  }
0x33e: {  	[tilespmem:s1+$0xC800] =	vst v3  }
0x33f: {  	[tilespmem:s1+$0xC810] =	vst v4  }
0x340: {  	[tilespmem:s1+$0xC820] =	vst v5  }
0x341: {  	[tilespmem:s1+$0xC830] =	vst v6  }
0x342: {  	[tilespmem:s1+$0xC840] =	vst v7  }
0x343: {  	[tilespmem:s1+$0xC850] =	vst v8  }
0x344: {  	[tilespmem:s1+$0xC860] =	vst v9  }
0x345: {  	[tilespmem:s1+$0xC870] =	vst v10  }
0x346: {  	[tilespmem:s1+$0xCC00] =	vst v11  }
0x347: {  	[tilespmem:s1+$0xCC10] =	vst v12  }
0x348: {  	[tilespmem:s1+$0xCC20] =	vst v13  }
0x349: {  	[tilespmem:s1+$0xCC30] =	vst v14  }
0x34a: {  	[tilespmem:s1+$0xCC40] =	vst v15  }
0x34b: {  	[tilespmem:s1+$0xCC50] =	vst v16  }
0x34c: {  	[tilespmem:s1+$0xCC60] =	vst v17  }
0x34d: {  	[tilespmem:s1+$0xCC70] =	vst v18  }
0x34e: {  	[tilespmem:s1+$0x10800] =	vst v19  }
0x34f: {  	[tilespmem:s1+$0x10810] =	vst v20  }
0x350: {  	[tilespmem:s1+$0x10820] =	vst v21  }
0x351: {  	[tilespmem:s1+$0x10830] =	vst v22  }
0x352: {  	[tilespmem:s1+$0x10840] =	vst v23  }
0x353: {  	[tilespmem:s1+$0x10850] =	vst v24  }
0x354: {  	[tilespmem:s1+$0x10860] =	vst v25  }
0x355: {  	[tilespmem:s1+$0x10870] =	vst v26  }
0x356: {  	[tilespmem:s1+$0x10C00] =	vst v27  }
0x357: {  	[tilespmem:s1+$0x10C10] =	vst v28  }
0x358: {  	[tilespmem:s1+$0x10C20] =	vst v29  }
0x359: {  	[tilespmem:s1+$0x10C30] =	vst v30  }
0x35a: {  	s5 =	simm.s32 $0x200;
	s4 =	simm.s32 $0x80;
	[tilespmem:s1+$0x10C40] =	vst v31  }
0x35b: {  	s7 =	sand.u32 $0x3000, s5;
	s5 =	simm.s32 $0x400;
	s8 =	sand.u32 $0x380, s4;
	[tilespmem:s1+$0x10C50] =	vst v32  }
.LBB2_14:
0x35c: {  	p0 =	sne.s32 s5, $0x3E00;
	[tilespmem:s1+$0x10C60] =	vst v33;
	s1 =	sor.u32 s8, s7  }
0x35d: {  	[tilespmem:s1+$0x10C70] =	vst v34  }
0x35e: {  	[tilespmem:s1+$0xC800] =	vst v3  }
0x35f: {  	[tilespmem:s1+$0xC810] =	vst v4  }
0x360: {  	[tilespmem:s1+$0xC820] =	vst v5  }
0x361: {  	[tilespmem:s1+$0xC830] =	vst v6  }
0x362: {  	[tilespmem:s1+$0xC840] =	vst v7  }
0x363: {  	[tilespmem:s1+$0xC850] =	vst v8  }
0x364: {  	[tilespmem:s1+$0xC860] =	vst v9  }
0x365: {  	[tilespmem:s1+$0xC870] =	vst v10  }
0x366: {  	[tilespmem:s1+$0xCC00] =	vst v11  }
0x367: {  	[tilespmem:s1+$0xCC10] =	vst v12  }
0x368: {  	[tilespmem:s1+$0xCC20] =	vst v13  }
0x369: {  	[tilespmem:s1+$0xCC30] =	vst v14  }
0x36a: {  	[tilespmem:s1+$0xCC40] =	vst v15  }
0x36b: {  	[tilespmem:s1+$0xCC50] =	vst v16  }
0x36c: {  	[tilespmem:s1+$0xCC60] =	vst v17  }
0x36d: {  	[tilespmem:s1+$0xCC70] =	vst v18  }
0x36e: {  	[tilespmem:s1+$0x10800] =	vst v19  }
0x36f: {  	[tilespmem:s1+$0x10810] =	vst v20  }
0x370: {  	[tilespmem:s1+$0x10820] =	vst v21  }
0x371: {  	[tilespmem:s1+$0x10830] =	vst v22  }
0x372: {  	[tilespmem:s1+$0x10840] =	vst v23  }
0x373: {  	[tilespmem:s1+$0x10850] =	vst v24  }
0x374: {  	[tilespmem:s1+$0x10860] =	vst v25  }
0x375: {  	[tilespmem:s1+$0x10870] =	vst v26  }
0x376: {  	[tilespmem:s1+$0x10C00] =	vst v27  }
.Ltmp9:
0x377: {  	[tilespmem:s1+$0x10C10] =	vst v28;
	(pc) =	sbr.rel @p0 .LBB2_14-.Ltmp9, $4  }
0x378: {  	[tilespmem:s1+$0x10C20] =	vst v29  }
0x379: {  	[tilespmem:s1+$0x10C30] =	vst v30  }
0x37a: {  	s4 =	sadd.s32 $0x80, s4;
	[tilespmem:s1+$0x10C40] =	vst v31  }
0x37b: {  	s7 =	sand.u32 $0x3000, s5;
	s5 =	sadd.s32 $0x200, s5;
	s8 =	sand.u32 $0x380, s4;
	[tilespmem:s1+$0x10C50] =	vst v32  }
0x37c: {  	s4 =	sor.u32 s8, s7;
	[tilespmem:s1+$0x10C60] =	vst v33  }
0x37d: {  	[tilespmem:s4+$0x10C70] =	vst v34  }
0x37e: {  	[tilespmem:s4+$0xC800] =	vst v3  }
0x37f: {  	[tilespmem:s4+$0xC810] =	vst v4  }
0x380: {  	[tilespmem:s4+$0xC820] =	vst v5  }
0x381: {  	[tilespmem:s4+$0xC830] =	vst v6  }
0x382: {  	[tilespmem:s4+$0xC840] =	vst v7  }
0x383: {  	[tilespmem:s4+$0xC850] =	vst v8  }
0x384: {  	[tilespmem:s4+$0xC860] =	vst v9  }
0x385: {  	[tilespmem:s4+$0xC870] =	vst v10  }
0x386: {  	[tilespmem:s4+$0xCC00] =	vst v11  }
0x387: {  	[tilespmem:s4+$0xCC10] =	vst v12  }
0x388: {  	[tilespmem:s4+$0xCC20] =	vst v13  }
0x389: {  	[tilespmem:s4+$0xCC30] =	vst v14  }
0x38a: {  	[tilespmem:s4+$0xCC40] =	vst v15  }
0x38b: {  	[tilespmem:s4+$0xCC50] =	vst v16  }
0x38c: {  	[tilespmem:s4+$0xCC60] =	vst v17  }
0x38d: {  	[tilespmem:s4+$0xCC70] =	vst v18  }
0x38e: {  	[tilespmem:s4+$0x10800] =	vst v19  }
0x38f: {  	[tilespmem:s4+$0x10810] =	vst v20  }
0x390: {  	[tilespmem:s4+$0x10820] =	vst v21  }
0x391: {  	[tilespmem:s4+$0x10830] =	vst v22  }
0x392: {  	[tilespmem:s4+$0x10840] =	vst v23  }
0x393: {  	[tilespmem:s4+$0x10850] =	vst v24  }
0x394: {  	[tilespmem:s4+$0x10860] =	vst v25  }
0x395: {  	[tilespmem:s4+$0x10870] =	vst v26  }
0x396: {  	[tilespmem:s4+$0x10C00] =	vst v27  }
0x397: {  	[tilespmem:s4+$0x10C10] =	vst v28  }
0x398: {  	[tilespmem:s4+$0x10C20] =	vst v29  }
0x399: {  	[tilespmem:s4+$0x10C30] =	vst v30  }
0x39a: {  	[tilespmem:s4+$0x10C40] =	vst v31  }
0x39b: {  	[tilespmem:s4+$0x10C50] =	vst v32  }
0x39c: {  	[tilespmem:s4+$0x10C60] =	vst v33  }
0x39d: {  	_ =	swait.ge [sflag:s29], $0x2000  }
0x39e: {  	[sflag:s29] =	ssyncset.done $0x0  }
0x39f: {  	[sflag:s29] =	ssyncadd.s32 $0xFFFFE000  }
0x3a0: {  	_ =	swait.ge [sflag:s29], $0x2000  }
0x3a1: {  	[sflag:s29] =	ssyncset.done $0x0  }
0x3a2: {  	s12 =	simm.s32 $0x6;
	s8 =	rddreg [dreg:$0x5];
	[sflag:s29] =	ssyncadd.s32 $0xFFFFE000  }
0x3a3: {  	[hbm4b:s8+s2] =	stream.linear.scatter [tilespmem:s30], [sflag:$0x4], $0x8000, $0x38;
	[tilespmem:$0x1C800] =	vst v63  }
0x3a4: {  	_ =	swait.ge [sflag:s12], $0x8000  }
0x3a5: {  	[sflag:s12] =	ssyncset.done $0x0  }
0x3a6: {  	[sflag:s12] =	ssyncadd.s32 $0xFFFF8000  }
0x3a7: {  	_ =	swait.ge [sflag:s9], $0x2000  }
0x3a8: {  	[sflag:s9] =	ssyncset.done $0x0  }
0x3a9: {  	[sflag:s9] =	ssyncadd.s32 $0xFFFFE000  }
0x3aa: {  	_ =	swait.ge [sflag:s9], $0x2000  }
0x3ab: {  	[sflag:s9] =	ssyncset.done $0x0  }
0x3ac: {  	s13 =	rddreg [dreg:$0x6];
	[sflag:s9] =	ssyncadd.s32 $0xFFFFE000  }
0x3ad: {  	[hbm4b:s13+s2] =	stream.linear.scatter [tilespmem:s10], [sflag:$0x5], $0x8000, $0x38;
	[tilespmem:$0x1C800] =	vst v63  }
0x3ae: {  	_ =	swait.ge [sflag:s31], $0x8000  }
0x3af: {  	[sflag:s31] =	ssyncset.done $0x0  }
0x3b0: {  	[sflag:s31] =	ssyncadd.s32 $0xFFFF8000  }
0x3b1: {  	_ =	swait.ge [sflag:s11], $0x8000  }
0x3b2: {  	s14 =	rddreg [dreg:$0x8]  }
0x3b3: {  	s15 =	rddreg [dreg:$0x7];
	s4 =	sadd.s32 $0x1, s14  }
0x3b4: {  	p0 =	sne.s32 s4, s15  }
.Ltmp10:
0x3b5: {  	_ = 	snop;
	(pc) =	sbr.rel @p0 .LBB2_1-.Ltmp10, $3  }
0x3b6: {  	_ =	sdelay $0x1  }
0x3b7: {  	[sflag:s11] =	ssyncset.done $0x0  }
0x3b8: {  	[sflag:s11] =	ssyncadd.s32 $0xFFFF8000  }
0x3b9: {  	_ =	sfence.sel $0x180000  }
0x3ba: {  	[bflag:$0x0] =	sbarrier.arrive $0xFFFF  }
0x3bb: {  	_ =	strace $0x90000047  }
0x3bc: {  	s0 =	stileid.u32;
	[bflag:$0x2] =	sbarrier.arrive $0xFFFF  }
0x3bd: {  	p0 =	sne.s32 s0, $0x0;
	s0 =	rddreg [dreg:$0x2]  }
0x3be: {  	s0 =	sadd.s32 @!p0 $0x100000, s0  }
0x3bf: {  	[sflag:s0] =	ssyncadd.tile.s32 @!p0 $0x1;
	_ =	shalt  }
.Lfunc_end2:
_tile_overlayer_lowered:
.L_overlay_start_2:
0x3c0: {  	(tag) =	ssettag $0x2  }
0x3c1: {  	s0 =	rddreg [dreg:$0x0];
	s2 =	stileid.u32  }
0x3c2: {  	s1 =	rddreg [dreg:$0x1];
	p0 =	sne.s32 s2, $0x0  }
0x3c3: {  	s3 =	rddreg [dreg:$0x2];
	[bflag:$0x3] =	sbarrier.arrive $0xFFFF;
	s2 =	simm.s32 @!p0 $0x1C07  }
0x3c4: {  	[timem:s3], [sflag:s2] =	dma.local @!p0 [hbm:s0], s1  }
0x3c5: {  	s0 =	simm.s32 @!p0 $0x7  }
0x3c6: {  	_ =	swait.ge @!p0 [sflag:s0], s1  }
0x3c7: {  	s1 =	ssub.s32 @!p0 $0x0, s1;
	[sflag:s0] =	ssyncset.done @!p0 $0x0  }
0x3c8: {  	[sflag:s0] =	ssyncadd.s32 @!p0 s1  }
0x3c9: {  	[bflag:$0x3] =	sbarrier.arrive $0xFFFF  }
0x3ca: {  	_ =	shalt  }

</sc_bundles>
